<compile_context>
chip_gen: v7x
topology: tpu7x:2x2x1
jax: 0.10.2.dev20260603
libtpu: 0.0.44.dev20260713+nightly
codegen_flags: <defaults>
</compile_context>

<pallas_src>
import functools

import jax
import jax.numpy as jnp
from jax import lax
from jax.experimental import pallas as pl
from jax.experimental.pallas import tpu as pltpu
from jax.experimental.pallas import tpu_sc as plsc

NC = 2
NS = 16
NW = NC * NS
K = 128
DEGW = 128


def _acc_rows(n):
  per_tile = -(-(n + 1) // NS)
  per_tile = ((per_tile + 15) // 16) * 16
  return per_tile * NS


def _sc_degree(dst_blocks, ones_hbm, zeros_hbm, n):
  nw, c_chunks, k = dst_blocks.shape
  acc = _acc_rows(n)
  r = acc // NS
  mesh = plsc.VectorSubcoreMesh(core_axis_name="c", subcore_axis_name="s")

  @functools.partial(
      pl.kernel,
      mesh=mesh,
      out_type=jax.ShapeDtypeStruct((NC, acc, DEGW), jnp.float32),
      scratch_types=[
          pltpu.VMEM((c_chunks, k), jnp.int32),
          pltpu.VMEM((k, DEGW), jnp.float32),
          pltpu.VMEM_SHARED((acc, DEGW), jnp.float32),
      ],
  )
  def deg_kernel(dst_hbm, ones_in, zeros_in, out_hbm, dst_v, ones_v, deg_sh):
    c = lax.axis_index("c")
    s = lax.axis_index("s")
    wid = c * NS + s
    pltpu.sync_copy(dst_hbm.at[wid], dst_v)
    pltpu.sync_copy(ones_in, ones_v)
    pltpu.sync_copy(zeros_in, deg_sh.at[pl.ds(s * r, r)])
    plsc.subcore_barrier()

    def body(j, carry):
      pltpu.sync_copy(ones_v, deg_sh.at[dst_v.at[j]], add=True)
      return carry

    lax.fori_loop(0, c_chunks, body, 0)
    plsc.subcore_barrier()
    pltpu.sync_copy(deg_sh.at[pl.ds(s * r, r)], out_hbm.at[c, pl.ds(s * r, r)])

  return deg_kernel(dst_blocks, ones_hbm, zeros_hbm)


def _sc_scatter(src_blocks, dst_blocks, g, zeros_hbm, n):
  nw, c_chunks, k = src_blocks.shape
  d = g.shape[1]
  acc = _acc_rows(n)
  r = acc // NS
  mesh = plsc.VectorSubcoreMesh(core_axis_name="c", subcore_axis_name="s")

  assert c_chunks % 4 == 0
  half = c_chunks // 2

  @functools.partial(
      pl.kernel,
      mesh=mesh,
      out_type=jax.ShapeDtypeStruct((NC, acc, d), jnp.float32),
      scratch_types=[
          pltpu.VMEM((half, k), jnp.int32),
          pltpu.VMEM((half, k), jnp.int32),
          pltpu.VMEM((k, d), jnp.float32),
          pltpu.VMEM((k, d), jnp.float32),
          pltpu.VMEM_SHARED((acc, d), jnp.float32),
          pltpu.SemaphoreType.DMA,
          pltpu.SemaphoreType.DMA,
      ],
  )
  def scat_kernel(src_hbm, dst_hbm, g_hbm, zeros_in, out_hbm,
                  src_v, dst_v, rows0, rows1, acc_sh, sem, sem2):
    c = lax.axis_index("c")
    s = lax.axis_index("s")
    wid = c * NS + s
    kh = k // 2

    def gather(j, rows):
      ga = pltpu.async_copy(g_hbm.at[src_v.at[j, pl.ds(0, kh)]],
                            rows.at[pl.ds(0, kh)], sem)
      gb = pltpu.async_copy(g_hbm.at[src_v.at[j, pl.ds(kh, kh)]],
                            rows.at[pl.ds(kh, kh)], sem2)
      return ga, gb

    def wait(gds):
      gds[0].wait()
      gds[1].wait()

    pltpu.sync_copy(zeros_in, acc_sh.at[pl.ds(s * r, r)])
    plsc.subcore_barrier()

    for ph in range(2):
      pltpu.sync_copy(src_hbm.at[wid, pl.ds(ph * half, half)], src_v)
      pltpu.sync_copy(dst_hbm.at[wid, pl.ds(ph * half, half)], dst_v)
      wait(gather(0, rows0))

      def body(i, carry):
        j0 = 2 * i
        gd1 = gather(j0 + 1, rows1)
        pltpu.sync_copy(rows0, acc_sh.at[dst_v.at[j0]], add=True)
        wait(gd1)
        gd2 = gather(j0 + 2, rows0)
        pltpu.sync_copy(rows1, acc_sh.at[dst_v.at[j0 + 1]], add=True)
        wait(gd2)
        return carry

      lax.fori_loop(0, half // 2 - 1, body, 0)
      gd = gather(half - 1, rows1)
      pltpu.sync_copy(rows0, acc_sh.at[dst_v.at[half - 2]], add=True)
      wait(gd)
      pltpu.sync_copy(rows1, acc_sh.at[dst_v.at[half - 1]], add=True)
    plsc.subcore_barrier()
    pltpu.sync_copy(acc_sh.at[pl.ds(s * r, r)], out_hbm.at[c, pl.ds(s * r, r)])

  return scat_kernel(src_blocks, dst_blocks, g, zeros_hbm)


_BLK = 1000


def _dis_from(d0, d1):
  deg = (d0[:, 0:1].astype(jnp.float32) + d1[:, 0:1].astype(jnp.float32)
         + 1.0)
  return lax.rsqrt(deg)


def _tc1a_body(x_ref, w_ref, o_ref):
  o_ref[...] = jnp.dot(x_ref[...], w_ref[...],
                       preferred_element_type=jnp.float32)


def _tc1b_body(h_ref, dp_ref0, dp_ref1, o_ref):
  dis = _dis_from(dp_ref0[0], dp_ref1[0])
  o_ref[...] = h_ref[...] * dis


def _tc2_body(g_ref, p0_ref, p1_ref, dp_ref0, dp_ref1, b_ref, w_ref, o_ref):
  dis = _dis_from(dp_ref0[0], dp_ref1[0])
  z = dis * (p0_ref[0] + p1_ref[0] + g_ref[...]) + b_ref[...]
  z = jnp.maximum(z, 0.0)
  h = jnp.dot(z, w_ref[...], preferred_element_type=jnp.float32)
  o_ref[...] = h * dis


def _tc3_body(g_ref, p0_ref, p1_ref, dp_ref0, dp_ref1, b_ref, o_ref):
  dis = _dis_from(dp_ref0[0], dp_ref1[0])
  o_ref[...] = dis * (p0_ref[0] + p1_ref[0] + g_ref[...]) + b_ref[...]


def _row_spec(w):
  return pl.BlockSpec((_BLK, w), lambda i: (i, 0))


def _part_spec(core, w):
  return pl.BlockSpec((1, _BLK, w), lambda i, c=core: (c, i, 0))


def _full_spec(h, w):
  return pl.BlockSpec((h, w), lambda i: (0, 0))


def _tc1a(x, w1):
  n, d = x.shape
  return pl.pallas_call(
      _tc1a_body,
      grid=(n // _BLK,),
      in_specs=[_row_spec(d), _full_spec(d, d)],
      out_specs=_row_spec(d),
      out_shape=jax.ShapeDtypeStruct((n, d), jnp.float32),
  )(x, w1)


def _tc1b(h, degp):
  n, d = h.shape
  return pl.pallas_call(
      _tc1b_body,
      grid=(n // _BLK,),
      in_specs=[_row_spec(d), _part_spec(0, DEGW), _part_spec(1, DEGW)],
      out_specs=_row_spec(d),
      out_shape=jax.ShapeDtypeStruct((n, d), jnp.float32),
  )(h, degp, degp)


def _tc2(g1, p, degp, b1, w2):
  n, d = g1.shape
  return pl.pallas_call(
      _tc2_body,
      grid=(n // _BLK,),
      in_specs=[_row_spec(d), _part_spec(0, d), _part_spec(1, d),
                _part_spec(0, DEGW), _part_spec(1, DEGW), _full_spec(1, d),
                _full_spec(d, d)],
      out_specs=_row_spec(d),
      out_shape=jax.ShapeDtypeStruct((n, d), jnp.float32),
  )(g1, p, p, degp, degp, b1, w2)


def _tc3(g2, q, degp, b2):
  n, d = g2.shape
  return pl.pallas_call(
      _tc3_body,
      grid=(n // _BLK,),
      in_specs=[_row_spec(d), _part_spec(0, d), _part_spec(1, d),
                _part_spec(0, DEGW), _part_spec(1, DEGW), _full_spec(1, d)],
      out_specs=_row_spec(d),
      out_shape=jax.ShapeDtypeStruct((n, d), jnp.float32),
  )(g2, q, q, degp, degp, b2)


def kernel(x, edge_index, W1, b1, W2, b2):
  n, d = x.shape
  e = edge_index.shape[1]
  acc = _acc_rows(n)
  r = acc // NS

  c_chunks = -(-e // (NW * K))
  c_chunks = ((c_chunks + 3) // 4) * 4
  e_pad = NW * c_chunks * K
  src = edge_index[0]
  dst = edge_index[1]
  pad = e_pad - e
  n_dummy = acc - n
  iot = jnp.arange(pad, dtype=jnp.int32)
  pad_src = jax.lax.rem(iot, jnp.int32(n))
  pad_dst = n + jax.lax.rem(iot, jnp.int32(n_dummy))
  src_b = jnp.concatenate([src, pad_src]).reshape(NW, c_chunks, K)
  dst_b = jnp.concatenate([dst, pad_dst]).reshape(NW, c_chunks, K)

  ones_kd = jnp.ones((K, DEGW), jnp.float32)
  zeros_rd = jnp.zeros((r, d), jnp.float32)

  degp = _sc_degree(dst_b, ones_kd, zeros_rd, n)

  h1 = _tc1a(x, W1)
  g1 = _tc1b(h1, degp)
  p = _sc_scatter(src_b, dst_b, g1, zeros_rd, n)
  g2 = _tc2(g1, p, degp, b1.reshape(1, d), W2)
  q = _sc_scatter(src_b, dst_b, g2, zeros_rd, n)
  out = _tc3(g2, q, degp, b2.reshape(1, d))
  return out

# --- scband reference (transcript-rebuilt; emitter-appended) ---
"""Pipeline reference for scband-encoder-60576218742837 (READ-ONLY COPY).

The authoritative reference and input builder live on the scoring server;
editing this copy changes nothing except your own understanding.
"""

import jax, jax.numpy as jnp
import numpy as np

N = 10000
E = 320000
D = 128


def setup_inputs(seed: int = 0) -> dict:
    key = jax.random.key(seed)
    k0, k1, k2, k3 = jax.random.split(key, 4)
    x = jax.random.normal(k0, (N, D), dtype=jnp.float32)
    edge_index = jax.random.randint(k1, (2, E), 0, N, dtype=jnp.int32)
    # GCNConv linear weights (PyG: Linear(in, out, bias=False) + conv bias)
    W1 = jax.random.normal(k2, (D, D), dtype=jnp.float32) * (1.0 / np.sqrt(D))
    b1 = jnp.zeros((D,), dtype=jnp.float32)
    W2 = jax.random.normal(k3, (D, D), dtype=jnp.float32) * (1.0 / np.sqrt(D))
    b2 = jnp.zeros((D,), dtype=jnp.float32)
    return {"x": x, "edge_index": edge_index, "W1": W1, "b1": b1, "W2": W2, "b2": b2}


def _gcn_layer(x, src, dst, W, b):
    # Faithful PyG GCNConv: add self-loops, symmetric normalization,
    # message = norm * (x @ W)[src], scatter-add into dst, then + bias.
    n = x.shape[0]
    loop = jnp.arange(n, dtype=src.dtype)
    s = jnp.concatenate([src, loop])
    d = jnp.concatenate([dst, loop])
    deg = jnp.zeros((n,), dtype=x.dtype).at[d].add(1.0)
    deg_inv_sqrt = jnp.where(deg > 0, jax.lax.rsqrt(jnp.maximum(deg, 1e-12)), 0.0)
    norm = deg_inv_sqrt[s] * deg_inv_sqrt[d]
    h = x @ W
    msg = h[s] * norm[:, None]
    out = jax.ops.segment_sum(msg, d, num_segments=n)
    return out + b


def reference(x, edge_index, W1, b1, W2, b2):
    src = edge_index[0]
    dst = edge_index[1]
    # layer 1 -> ReLU (BatchNorm disabled, dropout p=0.0 in eval)
    h = _gcn_layer(x, src, dst, W1, b1)
    h = jax.nn.relu(h)
    # layer 2 (final, no activation)
    out = _gcn_layer(h, src, dst, W2, b2)
    return out

if __name__ == "__main__":
    import jax
    _d = setup_inputs()
    print(jax.jit(kernel)(*tuple(_d.values())))

</pallas_src>

<mosaic_0001>
#map = affine_map<(d0, d1) -> (0, 0, 0)>
#map1 = affine_map<(d0, d1) -> (0, 0)>
module attributes {stable_mosaic.version = 14 : i64} {
  func.func @deg_kernel(%arg0: i32, %arg1: i32, %arg2: memref<32x80x128xi32, #tpu.memory_space<hbm>>, %arg3: memref<128x128xf32, #tpu.memory_space<hbm>>, %arg4: memref<640x128xf32, #tpu.memory_space<hbm>>, %arg5: memref<2x10240x128xf32, #tpu.memory_space<hbm>>, %arg6: memref<80x128xi32, #tpu.memory_space<vmem>>, %arg7: memref<128x128xf32, #tpu.memory_space<vmem>>, %arg8: memref<10240x128xf32, #tpu.memory_space<vmem_shared>>) attributes {dimension_semantics = [#tpu.dimension_semantics<core_parallel>, #tpu.dimension_semantics<subcore_parallel>], iteration_bounds = array<i64: 2, 16>, scalar_prefetch = 0 : i64, scratch_operands = 3 : i64, tpu.core_type = #tpu.core_type<sc_vector_subcore>, window_params = [{transform_indices = #map}, {transform_indices = #map1}, {transform_indices = #map1}, {transform_indices = #map}]} {
    %mul3A = arith.constant 16 : i32
    %mul3A_0 = arith.muli %arg0, %mul3A : i32
    %add3A = arith.addi %mul3A_0, %arg1 : i32
    "tpu.region"() ({
      %run_scoped3A = tpu.sem_alloc : memref<!tpu.dma_semaphore, #tpu.memory_space<semaphore_mem>>
      %dma_start3A = arith.constant 0 : i32
      %dma_start3A_13 = arith.constant 0 : i32
      %dma_start3A_14 = tpu.memref_slice %arg2[%add3A, %dma_start3A, %dma_start3A_13] : memref<32x80x128xi32, #tpu.memory_space<hbm>> -> memref<1x80x128xi32, #tpu.memory_space<hbm>>
      %dma_start3A_15 = tpu.memref_squeeze %dma_start3A_14 : memref<1x80x128xi32, #tpu.memory_space<hbm>> -> memref<80x128xi32, #tpu.memory_space<hbm>>
      %dma_start3A_16 = arith.constant 0 : i32
      %dma_start3A_17 = arith.constant 0 : i32
      %dma_start3A_18 = tpu.memref_slice %arg2[%add3A, %dma_start3A_16, %dma_start3A_17] : memref<32x80x128xi32, #tpu.memory_space<hbm>> -> memref<1x80x128xi32, #tpu.memory_space<hbm>>
      %dma_start3A_19 = tpu.memref_squeeze %dma_start3A_18 : memref<1x80x128xi32, #tpu.memory_space<hbm>> -> memref<80x128xi32, #tpu.memory_space<hbm>>
      tpu.enqueue_dma source(%dma_start3A_19 : memref<80x128xi32, #tpu.memory_space<hbm>>) target(%arg6 : memref<80x128xi32, #tpu.memory_space<vmem>>) target_semaphore(%run_scoped3A : memref<!tpu.dma_semaphore, #tpu.memory_space<semaphore_mem>>)
      %dma_wait3A = arith.constant 0 : i32
      %dma_wait3A_20 = arith.constant 0 : i32
      %dma_wait3A_21 = tpu.memref_slice %arg2[%add3A, %dma_wait3A, %dma_wait3A_20] : memref<32x80x128xi32, #tpu.memory_space<hbm>> -> memref<1x80x128xi32, #tpu.memory_space<hbm>>
      %dma_wait3A_22 = tpu.memref_squeeze %dma_wait3A_21 : memref<1x80x128xi32, #tpu.memory_space<hbm>> -> memref<80x128xi32, #tpu.memory_space<hbm>>
      %dma_wait3A_23 = arith.constant 0 : i32
      %dma_wait3A_24 = arith.constant 0 : i32
      %dma_wait3A_25 = tpu.memref_slice %arg2[%add3A, %dma_wait3A_23, %dma_wait3A_24] : memref<32x80x128xi32, #tpu.memory_space<hbm>> -> memref<1x80x128xi32, #tpu.memory_space<hbm>>
      %dma_wait3A_26 = tpu.memref_squeeze %dma_wait3A_25 : memref<1x80x128xi32, #tpu.memory_space<hbm>> -> memref<80x128xi32, #tpu.memory_space<hbm>>
      tpu.wait_dma2 semaphore(%run_scoped3A : memref<!tpu.dma_semaphore, #tpu.memory_space<semaphore_mem>>) src(%dma_wait3A_26 : memref<80x128xi32, #tpu.memory_space<hbm>>) dst(%arg6 : memref<80x128xi32, #tpu.memory_space<vmem>>)
      tpu.yield
    }) : () -> ()
    "tpu.region"() ({
      %run_scoped3A = tpu.sem_alloc : memref<!tpu.dma_semaphore, #tpu.memory_space<semaphore_mem>>
      tpu.enqueue_dma source(%arg3 : memref<128x128xf32, #tpu.memory_space<hbm>>) target(%arg7 : memref<128x128xf32, #tpu.memory_space<vmem>>) target_semaphore(%run_scoped3A : memref<!tpu.dma_semaphore, #tpu.memory_space<semaphore_mem>>)
      tpu.wait_dma2 semaphore(%run_scoped3A : memref<!tpu.dma_semaphore, #tpu.memory_space<semaphore_mem>>) src(%arg3 : memref<128x128xf32, #tpu.memory_space<hbm>>) dst(%arg7 : memref<128x128xf32, #tpu.memory_space<vmem>>)
      tpu.yield
    }) : () -> ()
    %mul3A_1 = arith.constant 640 : i32
    %mul3A_2 = arith.muli %arg1, %mul3A_1 : i32
    "tpu.region"() ({
      %run_scoped3A = tpu.sem_alloc : memref<!tpu.dma_semaphore, #tpu.memory_space<semaphore_mem>>
      %dma_start3A = arith.constant 0 : i32
      %dma_start3A_13 = tpu.memref_slice %arg8[%mul3A_2, %dma_start3A] : memref<10240x128xf32, #tpu.memory_space<vmem_shared>> -> memref<640x128xf32, #tpu.memory_space<vmem_shared>>
      tpu.enqueue_dma source(%arg4 : memref<640x128xf32, #tpu.memory_space<hbm>>) target(%dma_start3A_13 : memref<640x128xf32, #tpu.memory_space<vmem_shared>>) target_semaphore(%run_scoped3A : memref<!tpu.dma_semaphore, #tpu.memory_space<semaphore_mem>>)
      %dma_wait3A = arith.constant 0 : i32
      %dma_wait3A_14 = tpu.memref_slice %arg8[%mul3A_2, %dma_wait3A] : memref<10240x128xf32, #tpu.memory_space<vmem_shared>> -> memref<640x128xf32, #tpu.memory_space<vmem_shared>>
      tpu.wait_dma2 semaphore(%run_scoped3A : memref<!tpu.dma_semaphore, #tpu.memory_space<semaphore_mem>>) src(%arg4 : memref<640x128xf32, #tpu.memory_space<hbm>>) dst(%dma_wait3A_14 : memref<640x128xf32, #tpu.memory_space<vmem_shared>>)
      tpu.yield
    }) : () -> ()
    %barrier3A = arith.constant 0 : index
    tpu.barrier barrier_id(%barrier3A)
    %scan3A = arith.constant 0 : i32
    %scan3A_3 = arith.constant 0 : i32
    %scan3A_4 = arith.constant 80 : i32
    %scan3A_5 = arith.addi %scan3A_3, %scan3A_4 : i32
    %scan3A_6 = arith.constant 1 : i32
    scf.for %scan3A_13 = %scan3A_3 to %scan3A_5 step %scan3A_6  : i32 {
      "tpu.region"() ({
        %run_scoped3A = tpu.sem_alloc : memref<!tpu.dma_semaphore, #tpu.memory_space<semaphore_mem>>
        %dma_start3A = arith.constant 0 : i32
        %dma_start3A_14 = tpu.memref_slice %arg6[%scan3A_13, %dma_start3A] : memref<80x128xi32, #tpu.memory_space<vmem>> -> memref<1x128xi32, #tpu.memory_space<vmem>>
        %dma_start3A_15 = tpu.memref_squeeze %dma_start3A_14 : memref<1x128xi32, #tpu.memory_space<vmem>> -> memref<128xi32, #tpu.memory_space<vmem>>
        %dma_start3A_16 = arith.constant 0 : i32
        %dma_start3A_17 = arith.constant 0 : i32
        %dma_start3A_18 = tpu.memref_slice %arg8[%dma_start3A_16, %dma_start3A_17] : memref<10240x128xf32, #tpu.memory_space<vmem_shared>> -> memref<10240x128xf32, #tpu.memory_space<vmem_shared>>
        tpu.enqueue_indirect_dma source(%arg7 : memref<128x128xf32, #tpu.memory_space<vmem>>) target(%dma_start3A_18 : memref<10240x128xf32, #tpu.memory_space<vmem_shared>>) offsets(%dma_start3A_15 : memref<128xi32, #tpu.memory_space<vmem>>) semaphore(%run_scoped3A : memref<!tpu.dma_semaphore, #tpu.memory_space<semaphore_mem>>) {add = true}
        %dma_wait3A = arith.constant 0 : i32
        %dma_wait3A_19 = tpu.memref_slice %arg6[%scan3A_13, %dma_wait3A] : memref<80x128xi32, #tpu.memory_space<vmem>> -> memref<1x128xi32, #tpu.memory_space<vmem>>
        %dma_wait3A_20 = tpu.memref_squeeze %dma_wait3A_19 : memref<1x128xi32, #tpu.memory_space<vmem>> -> memref<128xi32, #tpu.memory_space<vmem>>
        %dma_wait3A_21 = arith.constant 0 : i32
        %dma_wait3A_22 = arith.constant 0 : i32
        %dma_wait3A_23 = tpu.memref_slice %arg8[%dma_wait3A_21, %dma_wait3A_22] : memref<10240x128xf32, #tpu.memory_space<vmem_shared>> -> memref<10240x128xf32, #tpu.memory_space<vmem_shared>>
        tpu.wait_indirect_dma semaphore(%run_scoped3A : memref<!tpu.dma_semaphore, #tpu.memory_space<semaphore_mem>>) src(%arg7 : memref<128x128xf32, #tpu.memory_space<vmem>>) dst(%dma_wait3A_23 : memref<10240x128xf32, #tpu.memory_space<vmem_shared>>)
        tpu.yield
      }) : () -> ()
    }
    %scan3A_7 = arith.constant 80 : i32
    %barrier3A_8 = arith.constant 0 : index
    tpu.barrier barrier_id(%barrier3A_8)
    %mul3A_9 = arith.constant 640 : i32
    %mul3A_10 = arith.muli %arg1, %mul3A_9 : i32
    %mul3A_11 = arith.constant 640 : i32
    %mul3A_12 = arith.muli %arg1, %mul3A_11 : i32
    "tpu.region"() ({
      %run_scoped3A = tpu.sem_alloc : memref<!tpu.dma_semaphore, #tpu.memory_space<semaphore_mem>>
      %dma_start3A = arith.constant 0 : i32
      %dma_start3A_13 = tpu.memref_slice %arg5[%arg0, %mul3A_12, %dma_start3A] : memref<2x10240x128xf32, #tpu.memory_space<hbm>> -> memref<1x640x128xf32, #tpu.memory_space<hbm>>
      %dma_start3A_14 = tpu.memref_squeeze %dma_start3A_13 : memref<1x640x128xf32, #tpu.memory_space<hbm>> -> memref<640x128xf32, #tpu.memory_space<hbm>>
      %dma_start3A_15 = arith.constant 0 : i32
      %dma_start3A_16 = tpu.memref_slice %arg8[%mul3A_10, %dma_start3A_15] : memref<10240x128xf32, #tpu.memory_space<vmem_shared>> -> memref<640x128xf32, #tpu.memory_space<vmem_shared>>
      tpu.enqueue_dma source(%dma_start3A_16 : memref<640x128xf32, #tpu.memory_space<vmem_shared>>) target(%dma_start3A_14 : memref<640x128xf32, #tpu.memory_space<hbm>>) target_semaphore(%run_scoped3A : memref<!tpu.dma_semaphore, #tpu.memory_space<semaphore_mem>>)
      %dma_wait3A = arith.constant 0 : i32
      %dma_wait3A_17 = tpu.memref_slice %arg5[%arg0, %mul3A_12, %dma_wait3A] : memref<2x10240x128xf32, #tpu.memory_space<hbm>> -> memref<1x640x128xf32, #tpu.memory_space<hbm>>
      %dma_wait3A_18 = tpu.memref_squeeze %dma_wait3A_17 : memref<1x640x128xf32, #tpu.memory_space<hbm>> -> memref<640x128xf32, #tpu.memory_space<hbm>>
      %dma_wait3A_19 = arith.constant 0 : i32
      %dma_wait3A_20 = tpu.memref_slice %arg8[%mul3A_10, %dma_wait3A_19] : memref<10240x128xf32, #tpu.memory_space<vmem_shared>> -> memref<640x128xf32, #tpu.memory_space<vmem_shared>>
      tpu.wait_dma2 semaphore(%run_scoped3A : memref<!tpu.dma_semaphore, #tpu.memory_space<semaphore_mem>>) src(%dma_wait3A_20 : memref<640x128xf32, #tpu.memory_space<vmem_shared>>) dst(%dma_wait3A_18 : memref<640x128xf32, #tpu.memory_space<hbm>>)
      tpu.yield
    }) : () -> ()
    return
  }
}

#map = affine_map<(d0, d1) -> (0, 0, 0)>
#map1 = affine_map<(d0, d1) -> (0, 0)>
module attributes {stable_mosaic.version = 14 : i64} {
  func.func @scat_kernel(%arg0: i32, %arg1: i32, %arg2: memref<32x80x128xi32, #tpu.memory_space<hbm>>, %arg3: memref<32x80x128xi32, #tpu.memory_space<hbm>>, %arg4: memref<10000x128xf32, #tpu.memory_space<hbm>>, %arg5: memref<640x128xf32, #tpu.memory_space<hbm>>, %arg6: memref<2x10240x128xf32, #tpu.memory_space<hbm>>, %arg7: memref<40x128xi32, #tpu.memory_space<vmem>>, %arg8: memref<40x128xi32, #tpu.memory_space<vmem>>, %arg9: memref<128x128xf32, #tpu.memory_space<vmem>>, %arg10: memref<128x128xf32, #tpu.memory_space<vmem>>, %arg11: memref<10240x128xf32, #tpu.memory_space<vmem_shared>>, %arg12: memref<!tpu.dma_semaphore, #tpu.memory_space<semaphore_mem>>, %arg13: memref<!tpu.dma_semaphore, #tpu.memory_space<semaphore_mem>>) attributes {dimension_semantics = [#tpu.dimension_semantics<core_parallel>, #tpu.dimension_semantics<subcore_parallel>], iteration_bounds = array<i64: 2, 16>, scalar_prefetch = 0 : i64, scratch_operands = 7 : i64, tpu.core_type = #tpu.core_type<sc_vector_subcore>, window_params = [{transform_indices = #map}, {transform_indices = #map}, {transform_indices = #map1}, {transform_indices = #map1}, {transform_indices = #map}]} {
    %mul3A = arith.constant 16 : i32
    %mul3A_0 = arith.muli %arg0, %mul3A : i32
    %add3A = arith.addi %mul3A_0, %arg1 : i32
    %mul3A_1 = arith.constant 640 : i32
    %mul3A_2 = arith.muli %arg1, %mul3A_1 : i32
    "tpu.region"() ({
      %run_scoped3A_180 = tpu.sem_alloc : memref<!tpu.dma_semaphore, #tpu.memory_space<semaphore_mem>>
      %dma_start3A_181 = arith.constant 0 : i32
      %dma_start3A_182 = tpu.memref_slice %arg11[%mul3A_2, %dma_start3A_181] : memref<10240x128xf32, #tpu.memory_space<vmem_shared>> -> memref<640x128xf32, #tpu.memory_space<vmem_shared>>
      tpu.enqueue_dma source(%arg5 : memref<640x128xf32, #tpu.memory_space<hbm>>) target(%dma_start3A_182 : memref<640x128xf32, #tpu.memory_space<vmem_shared>>) target_semaphore(%run_scoped3A_180 : memref<!tpu.dma_semaphore, #tpu.memory_space<semaphore_mem>>)
      %dma_wait3A_183 = arith.constant 0 : i32
      %dma_wait3A_184 = tpu.memref_slice %arg11[%mul3A_2, %dma_wait3A_183] : memref<10240x128xf32, #tpu.memory_space<vmem_shared>> -> memref<640x128xf32, #tpu.memory_space<vmem_shared>>
      tpu.wait_dma2 semaphore(%run_scoped3A_180 : memref<!tpu.dma_semaphore, #tpu.memory_space<semaphore_mem>>) src(%arg5 : memref<640x128xf32, #tpu.memory_space<hbm>>) dst(%dma_wait3A_184 : memref<640x128xf32, #tpu.memory_space<vmem_shared>>)
      tpu.yield
    }) : () -> ()
    %barrier3A = arith.constant 0 : index
    tpu.barrier barrier_id(%barrier3A)
    "tpu.region"() ({
      %run_scoped3A_180 = tpu.sem_alloc : memref<!tpu.dma_semaphore, #tpu.memory_space<semaphore_mem>>
      %dma_start3A_181 = arith.constant 0 : i32
      %dma_start3A_182 = arith.constant 0 : i32
      %dma_start3A_183 = tpu.memref_slice %arg2[%add3A, %dma_start3A_181, %dma_start3A_182] : memref<32x80x128xi32, #tpu.memory_space<hbm>> -> memref<1x40x128xi32, #tpu.memory_space<hbm>>
      %dma_start3A_184 = tpu.memref_squeeze %dma_start3A_183 : memref<1x40x128xi32, #tpu.memory_space<hbm>> -> memref<40x128xi32, #tpu.memory_space<hbm>>
      %dma_start3A_185 = arith.constant 0 : i32
      %dma_start3A_186 = arith.constant 0 : i32
      %dma_start3A_187 = tpu.memref_slice %arg2[%add3A, %dma_start3A_185, %dma_start3A_186] : memref<32x80x128xi32, #tpu.memory_space<hbm>> -> memref<1x40x128xi32, #tpu.memory_space<hbm>>
      %dma_start3A_188 = tpu.memref_squeeze %dma_start3A_187 : memref<1x40x128xi32, #tpu.memory_space<hbm>> -> memref<40x128xi32, #tpu.memory_space<hbm>>
      tpu.enqueue_dma source(%dma_start3A_188 : memref<40x128xi32, #tpu.memory_space<hbm>>) target(%arg7 : memref<40x128xi32, #tpu.memory_space<vmem>>) target_semaphore(%run_scoped3A_180 : memref<!tpu.dma_semaphore, #tpu.memory_space<semaphore_mem>>)
      %dma_wait3A_189 = arith.constant 0 : i32
      %dma_wait3A_190 = arith.constant 0 : i32
      %dma_wait3A_191 = tpu.memref_slice %arg2[%add3A, %dma_wait3A_189, %dma_wait3A_190] : memref<32x80x128xi32, #tpu.memory_space<hbm>> -> memref<1x40x128xi32, #tpu.memory_space<hbm>>
      %dma_wait3A_192 = tpu.memref_squeeze %dma_wait3A_191 : memref<1x40x128xi32, #tpu.memory_space<hbm>> -> memref<40x128xi32, #tpu.memory_space<hbm>>
      %dma_wait3A_193 = arith.constant 0 : i32
      %dma_wait3A_194 = arith.constant 0 : i32
      %dma_wait3A_195 = tpu.memref_slice %arg2[%add3A, %dma_wait3A_193, %dma_wait3A_194] : memref<32x80x128xi32, #tpu.memory_space<hbm>> -> memref<1x40x128xi32, #tpu.memory_space<hbm>>
      %dma_wait3A_196 = tpu.memref_squeeze %dma_wait3A_195 : memref<1x40x128xi32, #tpu.memory_space<hbm>> -> memref<40x128xi32, #tpu.memory_space<hbm>>
      tpu.wait_dma2 semaphore(%run_scoped3A_180 : memref<!tpu.dma_semaphore, #tpu.memory_space<semaphore_mem>>) src(%dma_wait3A_196 : memref<40x128xi32, #tpu.memory_space<hbm>>) dst(%arg7 : memref<40x128xi32, #tpu.memory_space<vmem>>)
      tpu.yield
    }) : () -> ()
    "tpu.region"() ({
      %run_scoped3A_180 = tpu.sem_alloc : memref<!tpu.dma_semaphore, #tpu.memory_space<semaphore_mem>>
      %dma_start3A_181 = arith.constant 0 : i32
      %dma_start3A_182 = arith.constant 0 : i32
      %dma_start3A_183 = tpu.memref_slice %arg3[%add3A, %dma_start3A_181, %dma_start3A_182] : memref<32x80x128xi32, #tpu.memory_space<hbm>> -> memref<1x40x128xi32, #tpu.memory_space<hbm>>
      %dma_start3A_184 = tpu.memref_squeeze %dma_start3A_183 : memref<1x40x128xi32, #tpu.memory_space<hbm>> -> memref<40x128xi32, #tpu.memory_space<hbm>>
      %dma_start3A_185 = arith.constant 0 : i32
      %dma_start3A_186 = arith.constant 0 : i32
      %dma_start3A_187 = tpu.memref_slice %arg3[%add3A, %dma_start3A_185, %dma_start3A_186] : memref<32x80x128xi32, #tpu.memory_space<hbm>> -> memref<1x40x128xi32, #tpu.memory_space<hbm>>
      %dma_start3A_188 = tpu.memref_squeeze %dma_start3A_187 : memref<1x40x128xi32, #tpu.memory_space<hbm>> -> memref<40x128xi32, #tpu.memory_space<hbm>>
      tpu.enqueue_dma source(%dma_start3A_188 : memref<40x128xi32, #tpu.memory_space<hbm>>) target(%arg8 : memref<40x128xi32, #tpu.memory_space<vmem>>) target_semaphore(%run_scoped3A_180 : memref<!tpu.dma_semaphore, #tpu.memory_space<semaphore_mem>>)
      %dma_wait3A_189 = arith.constant 0 : i32
      %dma_wait3A_190 = arith.constant 0 : i32
      %dma_wait3A_191 = tpu.memref_slice %arg3[%add3A, %dma_wait3A_189, %dma_wait3A_190] : memref<32x80x128xi32, #tpu.memory_space<hbm>> -> memref<1x40x128xi32, #tpu.memory_space<hbm>>
      %dma_wait3A_192 = tpu.memref_squeeze %dma_wait3A_191 : memref<1x40x128xi32, #tpu.memory_space<hbm>> -> memref<40x128xi32, #tpu.memory_space<hbm>>
      %dma_wait3A_193 = arith.constant 0 : i32
      %dma_wait3A_194 = arith.constant 0 : i32
      %dma_wait3A_195 = tpu.memref_slice %arg3[%add3A, %dma_wait3A_193, %dma_wait3A_194] : memref<32x80x128xi32, #tpu.memory_space<hbm>> -> memref<1x40x128xi32, #tpu.memory_space<hbm>>
      %dma_wait3A_196 = tpu.memref_squeeze %dma_wait3A_195 : memref<1x40x128xi32, #tpu.memory_space<hbm>> -> memref<40x128xi32, #tpu.memory_space<hbm>>
      tpu.wait_dma2 semaphore(%run_scoped3A_180 : memref<!tpu.dma_semaphore, #tpu.memory_space<semaphore_mem>>) src(%dma_wait3A_196 : memref<40x128xi32, #tpu.memory_space<hbm>>) dst(%arg8 : memref<40x128xi32, #tpu.memory_space<vmem>>)
      tpu.yield
    }) : () -> ()
    %dma_start3A = arith.constant 0 : i32
    %dma_start3A_3 = arith.constant 0 : i32
    %dma_start3A_4 = arith.constant 0 : i32
    %dma_start3A_5 = tpu.memref_slice %arg9[%dma_start3A_3, %dma_start3A_4] : memref<128x128xf32, #tpu.memory_space<vmem>> -> memref<64x128xf32, #tpu.memory_space<vmem>>
    %dma_start3A_6 = arith.constant 0 : i32
    %dma_start3A_7 = tpu.memref_slice %arg7[%dma_start3A, %dma_start3A_6] : memref<40x128xi32, #tpu.memory_space<vmem>> -> memref<1x64xi32, #tpu.memory_space<vmem>>
    %dma_start3A_8 = tpu.memref_squeeze %dma_start3A_7 : memref<1x64xi32, #tpu.memory_space<vmem>> -> memref<64xi32, #tpu.memory_space<vmem>>
    %dma_start3A_9 = arith.constant 0 : i32
    %dma_start3A_10 = arith.constant 0 : i32
    %dma_start3A_11 = tpu.memref_slice %arg4[%dma_start3A_9, %dma_start3A_10] : memref<10000x128xf32, #tpu.memory_space<hbm>> -> memref<10000x128xf32, #tpu.memory_space<hbm>>
    tpu.enqueue_indirect_dma source(%dma_start3A_11 : memref<10000x128xf32, #tpu.memory_space<hbm>>) target(%dma_start3A_5 : memref<64x128xf32, #tpu.memory_space<vmem>>) offsets(%dma_start3A_8 : memref<64xi32, #tpu.memory_space<vmem>>) semaphore(%arg12 : memref<!tpu.dma_semaphore, #tpu.memory_space<semaphore_mem>>)
    %dma_start3A_12 = arith.constant 0 : i32
    %dma_start3A_13 = arith.constant 64 : i32
    %dma_start3A_14 = arith.constant 0 : i32
    %dma_start3A_15 = tpu.memref_slice %arg9[%dma_start3A_13, %dma_start3A_14] : memref<128x128xf32, #tpu.memory_space<vmem>> -> memref<64x128xf32, #tpu.memory_space<vmem>>
    %dma_start3A_16 = arith.constant 64 : i32
    %dma_start3A_17 = tpu.memref_slice %arg7[%dma_start3A_12, %dma_start3A_16] : memref<40x128xi32, #tpu.memory_space<vmem>> -> memref<1x64xi32, #tpu.memory_space<vmem>>
    %dma_start3A_18 = tpu.memref_squeeze %dma_start3A_17 : memref<1x64xi32, #tpu.memory_space<vmem>> -> memref<64xi32, #tpu.memory_space<vmem>>
    %dma_start3A_19 = arith.constant 0 : i32
    %dma_start3A_20 = arith.constant 0 : i32
    %dma_start3A_21 = tpu.memref_slice %arg4[%dma_start3A_19, %dma_start3A_20] : memref<10000x128xf32, #tpu.memory_space<hbm>> -> memref<10000x128xf32, #tpu.memory_space<hbm>>
    tpu.enqueue_indirect_dma source(%dma_start3A_21 : memref<10000x128xf32, #tpu.memory_space<hbm>>) target(%dma_start3A_15 : memref<64x128xf32, #tpu.memory_space<vmem>>) offsets(%dma_start3A_18 : memref<64xi32, #tpu.memory_space<vmem>>) semaphore(%arg13 : memref<!tpu.dma_semaphore, #tpu.memory_space<semaphore_mem>>)
    %dma_wait3A = arith.constant 0 : i32
    %dma_wait3A_22 = arith.constant 0 : i32
    %dma_wait3A_23 = arith.constant 0 : i32
    %dma_wait3A_24 = tpu.memref_slice %arg9[%dma_wait3A_22, %dma_wait3A_23] : memref<128x128xf32, #tpu.memory_space<vmem>> -> memref<64x128xf32, #tpu.memory_space<vmem>>
    %dma_wait3A_25 = arith.constant 0 : i32
    %dma_wait3A_26 = tpu.memref_slice %arg7[%dma_wait3A, %dma_wait3A_25] : memref<40x128xi32, #tpu.memory_space<vmem>> -> memref<1x64xi32, #tpu.memory_space<vmem>>
    %dma_wait3A_27 = tpu.memref_squeeze %dma_wait3A_26 : memref<1x64xi32, #tpu.memory_space<vmem>> -> memref<64xi32, #tpu.memory_space<vmem>>
    %dma_wait3A_28 = arith.constant 0 : i32
    %dma_wait3A_29 = arith.constant 0 : i32
    %dma_wait3A_30 = tpu.memref_slice %arg4[%dma_wait3A_28, %dma_wait3A_29] : memref<10000x128xf32, #tpu.memory_space<hbm>> -> memref<10000x128xf32, #tpu.memory_space<hbm>>
    tpu.wait_indirect_dma semaphore(%arg12 : memref<!tpu.dma_semaphore, #tpu.memory_space<semaphore_mem>>) src(%dma_wait3A_30 : memref<10000x128xf32, #tpu.memory_space<hbm>>) dst(%dma_wait3A_24 : memref<64x128xf32, #tpu.memory_space<vmem>>)
    %dma_wait3A_31 = arith.constant 0 : i32
    %dma_wait3A_32 = arith.constant 64 : i32
    %dma_wait3A_33 = arith.constant 0 : i32
    %dma_wait3A_34 = tpu.memref_slice %arg9[%dma_wait3A_32, %dma_wait3A_33] : memref<128x128xf32, #tpu.memory_space<vmem>> -> memref<64x128xf32, #tpu.memory_space<vmem>>
    %dma_wait3A_35 = arith.constant 64 : i32
    %dma_wait3A_36 = tpu.memref_slice %arg7[%dma_wait3A_31, %dma_wait3A_35] : memref<40x128xi32, #tpu.memory_space<vmem>> -> memref<1x64xi32, #tpu.memory_space<vmem>>
    %dma_wait3A_37 = tpu.memref_squeeze %dma_wait3A_36 : memref<1x64xi32, #tpu.memory_space<vmem>> -> memref<64xi32, #tpu.memory_space<vmem>>
    %dma_wait3A_38 = arith.constant 0 : i32
    %dma_wait3A_39 = arith.constant 0 : i32
    %dma_wait3A_40 = tpu.memref_slice %arg4[%dma_wait3A_38, %dma_wait3A_39] : memref<10000x128xf32, #tpu.memory_space<hbm>> -> memref<10000x128xf32, #tpu.memory_space<hbm>>
    tpu.wait_indirect_dma semaphore(%arg13 : memref<!tpu.dma_semaphore, #tpu.memory_space<semaphore_mem>>) src(%dma_wait3A_40 : memref<10000x128xf32, #tpu.memory_space<hbm>>) dst(%dma_wait3A_34 : memref<64x128xf32, #tpu.memory_space<vmem>>)
    %scan3A = arith.constant 0 : i32
    %scan3A_41 = arith.constant 0 : i32
    %scan3A_42 = arith.constant 19 : i32
    %scan3A_43 = arith.addi %scan3A_41, %scan3A_42 : i32
    %scan3A_44 = arith.constant 1 : i32
    scf.for %scan3A_180 = %scan3A_41 to %scan3A_43 step %scan3A_44  : i32 {
      %mul3A_181 = arith.constant 2 : i32
      %mul3A_182 = arith.muli %mul3A_181, %scan3A_180 : i32
      %add3A_183 = arith.constant 1 : i32
      %add3A_184 = arith.addi %mul3A_182, %add3A_183 : i32
      %dma_start3A_185 = arith.constant 0 : i32
      %dma_start3A_186 = arith.constant 0 : i32
      %dma_start3A_187 = tpu.memref_slice %arg10[%dma_start3A_185, %dma_start3A_186] : memref<128x128xf32, #tpu.memory_space<vmem>> -> memref<64x128xf32, #tpu.memory_space<vmem>>
      %dma_start3A_188 = arith.constant 0 : i32
      %dma_start3A_189 = tpu.memref_slice %arg7[%add3A_184, %dma_start3A_188] : memref<40x128xi32, #tpu.memory_space<vmem>> -> memref<1x64xi32, #tpu.memory_space<vmem>>
      %dma_start3A_190 = tpu.memref_squeeze %dma_start3A_189 : memref<1x64xi32, #tpu.memory_space<vmem>> -> memref<64xi32, #tpu.memory_space<vmem>>
      %dma_start3A_191 = arith.constant 0 : i32
      %dma_start3A_192 = arith.constant 0 : i32
      %dma_start3A_193 = tpu.memref_slice %arg4[%dma_start3A_191, %dma_start3A_192] : memref<10000x128xf32, #tpu.memory_space<hbm>> -> memref<10000x128xf32, #tpu.memory_space<hbm>>
      tpu.enqueue_indirect_dma source(%dma_start3A_193 : memref<10000x128xf32, #tpu.memory_space<hbm>>) target(%dma_start3A_187 : memref<64x128xf32, #tpu.memory_space<vmem>>) offsets(%dma_start3A_190 : memref<64xi32, #tpu.memory_space<vmem>>) semaphore(%arg12 : memref<!tpu.dma_semaphore, #tpu.memory_space<semaphore_mem>>)
      %dma_start3A_194 = arith.constant 64 : i32
      %dma_start3A_195 = arith.constant 0 : i32
      %dma_start3A_196 = tpu.memref_slice %arg10[%dma_start3A_194, %dma_start3A_195] : memref<128x128xf32, #tpu.memory_space<vmem>> -> memref<64x128xf32, #tpu.memory_space<vmem>>
      %dma_start3A_197 = arith.constant 64 : i32
      %dma_start3A_198 = tpu.memref_slice %arg7[%add3A_184, %dma_start3A_197] : memref<40x128xi32, #tpu.memory_space<vmem>> -> memref<1x64xi32, #tpu.memory_space<vmem>>
      %dma_start3A_199 = tpu.memref_squeeze %dma_start3A_198 : memref<1x64xi32, #tpu.memory_space<vmem>> -> memref<64xi32, #tpu.memory_space<vmem>>
      %dma_start3A_200 = arith.constant 0 : i32
      %dma_start3A_201 = arith.constant 0 : i32
      %dma_start3A_202 = tpu.memref_slice %arg4[%dma_start3A_200, %dma_start3A_201] : memref<10000x128xf32, #tpu.memory_space<hbm>> -> memref<10000x128xf32, #tpu.memory_space<hbm>>
      tpu.enqueue_indirect_dma source(%dma_start3A_202 : memref<10000x128xf32, #tpu.memory_space<hbm>>) target(%dma_start3A_196 : memref<64x128xf32, #tpu.memory_space<vmem>>) offsets(%dma_start3A_199 : memref<64xi32, #tpu.memory_space<vmem>>) semaphore(%arg13 : memref<!tpu.dma_semaphore, #tpu.memory_space<semaphore_mem>>)
      "tpu.region"() ({
        %run_scoped3A_261 = tpu.sem_alloc : memref<!tpu.dma_semaphore, #tpu.memory_space<semaphore_mem>>
        %dma_start3A_262 = arith.constant 0 : i32
        %dma_start3A_263 = tpu.memref_slice %arg8[%mul3A_182, %dma_start3A_262] : memref<40x128xi32, #tpu.memory_space<vmem>> -> memref<1x128xi32, #tpu.memory_space<vmem>>
        %dma_start3A_264 = tpu.memref_squeeze %dma_start3A_263 : memref<1x128xi32, #tpu.memory_space<vmem>> -> memref<128xi32, #tpu.memory_space<vmem>>
        %dma_start3A_265 = arith.constant 0 : i32
        %dma_start3A_266 = arith.constant 0 : i32
        %dma_start3A_267 = tpu.memref_slice %arg11[%dma_start3A_265, %dma_start3A_266] : memref<10240x128xf32, #tpu.memory_space<vmem_shared>> -> memref<10240x128xf32, #tpu.memory_space<vmem_shared>>
        tpu.enqueue_indirect_dma source(%arg9 : memref<128x128xf32, #tpu.memory_space<vmem>>) target(%dma_start3A_267 : memref<10240x128xf32, #tpu.memory_space<vmem_shared>>) offsets(%dma_start3A_264 : memref<128xi32, #tpu.memory_space<vmem>>) semaphore(%run_scoped3A_261 : memref<!tpu.dma_semaphore, #tpu.memory_space<semaphore_mem>>) {add = true}
        %dma_wait3A_268 = arith.constant 0 : i32
        %dma_wait3A_269 = tpu.memref_slice %arg8[%mul3A_182, %dma_wait3A_268] : memref<40x128xi32, #tpu.memory_space<vmem>> -> memref<1x128xi32, #tpu.memory_space<vmem>>
        %dma_wait3A_270 = tpu.memref_squeeze %dma_wait3A_269 : memref<1x128xi32, #tpu.memory_space<vmem>> -> memref<128xi32, #tpu.memory_space<vmem>>
        %dma_wait3A_271 = arith.constant 0 : i32
        %dma_wait3A_272 = arith.constant 0 : i32
        %dma_wait3A_273 = tpu.memref_slice %arg11[%dma_wait3A_271, %dma_wait3A_272] : memref<10240x128xf32, #tpu.memory_space<vmem_shared>> -> memref<10240x128xf32, #tpu.memory_space<vmem_shared>>
        tpu.wait_indirect_dma semaphore(%run_scoped3A_261 : memref<!tpu.dma_semaphore, #tpu.memory_space<semaphore_mem>>) src(%arg9 : memref<128x128xf32, #tpu.memory_space<vmem>>) dst(%dma_wait3A_273 : memref<10240x128xf32, #tpu.memory_space<vmem_shared>>)
        tpu.yield
      }) : () -> ()
      %dma_wait3A_203 = arith.constant 0 : i32
      %dma_wait3A_204 = arith.constant 0 : i32
      %dma_wait3A_205 = tpu.memref_slice %arg10[%dma_wait3A_203, %dma_wait3A_204] : memref<128x128xf32, #tpu.memory_space<vmem>> -> memref<64x128xf32, #tpu.memory_space<vmem>>
      %dma_wait3A_206 = arith.constant 0 : i32
      %dma_wait3A_207 = tpu.memref_slice %arg7[%add3A_184, %dma_wait3A_206] : memref<40x128xi32, #tpu.memory_space<vmem>> -> memref<1x64xi32, #tpu.memory_space<vmem>>
      %dma_wait3A_208 = tpu.memref_squeeze %dma_wait3A_207 : memref<1x64xi32, #tpu.memory_space<vmem>> -> memref<64xi32, #tpu.memory_space<vmem>>
      %dma_wait3A_209 = arith.constant 0 : i32
      %dma_wait3A_210 = arith.constant 0 : i32
      %dma_wait3A_211 = tpu.memref_slice %arg4[%dma_wait3A_209, %dma_wait3A_210] : memref<10000x128xf32, #tpu.memory_space<hbm>> -> memref<10000x128xf32, #tpu.memory_space<hbm>>
      tpu.wait_indirect_dma semaphore(%arg12 : memref<!tpu.dma_semaphore, #tpu.memory_space<semaphore_mem>>) src(%dma_wait3A_211 : memref<10000x128xf32, #tpu.memory_space<hbm>>) dst(%dma_wait3A_205 : memref<64x128xf32, #tpu.memory_space<vmem>>)
      %dma_wait3A_212 = arith.constant 64 : i32
      %dma_wait3A_213 = arith.constant 0 : i32
      %dma_wait3A_214 = tpu.memref_slice %arg10[%dma_wait3A_212, %dma_wait3A_213] : memref<128x128xf32, #tpu.memory_space<vmem>> -> memref<64x128xf32, #tpu.memory_space<vmem>>
      %dma_wait3A_215 = arith.constant 64 : i32
      %dma_wait3A_216 = tpu.memref_slice %arg7[%add3A_184, %dma_wait3A_215] : memref<40x128xi32, #tpu.memory_space<vmem>> -> memref<1x64xi32, #tpu.memory_space<vmem>>
      %dma_wait3A_217 = tpu.memref_squeeze %dma_wait3A_216 : memref<1x64xi32, #tpu.memory_space<vmem>> -> memref<64xi32, #tpu.memory_space<vmem>>
      %dma_wait3A_218 = arith.constant 0 : i32
      %dma_wait3A_219 = arith.constant 0 : i32
      %dma_wait3A_220 = tpu.memref_slice %arg4[%dma_wait3A_218, %dma_wait3A_219] : memref<10000x128xf32, #tpu.memory_space<hbm>> -> memref<10000x128xf32, #tpu.memory_space<hbm>>
      tpu.wait_indirect_dma semaphore(%arg13 : memref<!tpu.dma_semaphore, #tpu.memory_space<semaphore_mem>>) src(%dma_wait3A_220 : memref<10000x128xf32, #tpu.memory_space<hbm>>) dst(%dma_wait3A_214 : memref<64x128xf32, #tpu.memory_space<vmem>>)
      %add3A_221 = arith.constant 2 : i32
      %add3A_222 = arith.addi %mul3A_182, %add3A_221 : i32
      %dma_start3A_223 = arith.constant 0 : i32
      %dma_start3A_224 = arith.constant 0 : i32
      %dma_start3A_225 = tpu.memref_slice %arg9[%dma_start3A_223, %dma_start3A_224] : memref<128x128xf32, #tpu.memory_space<vmem>> -> memref<64x128xf32, #tpu.memory_space<vmem>>
      %dma_start3A_226 = arith.constant 0 : i32
      %dma_start3A_227 = tpu.memref_slice %arg7[%add3A_222, %dma_start3A_226] : memref<40x128xi32, #tpu.memory_space<vmem>> -> memref<1x64xi32, #tpu.memory_space<vmem>>
      %dma_start3A_228 = tpu.memref_squeeze %dma_start3A_227 : memref<1x64xi32, #tpu.memory_space<vmem>> -> memref<64xi32, #tpu.memory_space<vmem>>
      %dma_start3A_229 = arith.constant 0 : i32
      %dma_start3A_230 = arith.constant 0 : i32
      %dma_start3A_231 = tpu.memref_slice %arg4[%dma_start3A_229, %dma_start3A_230] : memref<10000x128xf32, #tpu.memory_space<hbm>> -> memref<10000x128xf32, #tpu.memory_space<hbm>>
      tpu.enqueue_indirect_dma source(%dma_start3A_231 : memref<10000x128xf32, #tpu.memory_space<hbm>>) target(%dma_start3A_225 : memref<64x128xf32, #tpu.memory_space<vmem>>) offsets(%dma_start3A_228 : memref<64xi32, #tpu.memory_space<vmem>>) semaphore(%arg12 : memref<!tpu.dma_semaphore, #tpu.memory_space<semaphore_mem>>)
      %dma_start3A_232 = arith.constant 64 : i32
      %dma_start3A_233 = arith.constant 0 : i32
      %dma_start3A_234 = tpu.memref_slice %arg9[%dma_start3A_232, %dma_start3A_233] : memref<128x128xf32, #tpu.memory_space<vmem>> -> memref<64x128xf32, #tpu.memory_space<vmem>>
      %dma_start3A_235 = arith.constant 64 : i32
      %dma_start3A_236 = tpu.memref_slice %arg7[%add3A_222, %dma_start3A_235] : memref<40x128xi32, #tpu.memory_space<vmem>> -> memref<1x64xi32, #tpu.memory_space<vmem>>
      %dma_start3A_237 = tpu.memref_squeeze %dma_start3A_236 : memref<1x64xi32, #tpu.memory_space<vmem>> -> memref<64xi32, #tpu.memory_space<vmem>>
      %dma_start3A_238 = arith.constant 0 : i32
      %dma_start3A_239 = arith.constant 0 : i32
      %dma_start3A_240 = tpu.memref_slice %arg4[%dma_start3A_238, %dma_start3A_239] : memref<10000x128xf32, #tpu.memory_space<hbm>> -> memref<10000x128xf32, #tpu.memory_space<hbm>>
      tpu.enqueue_indirect_dma source(%dma_start3A_240 : memref<10000x128xf32, #tpu.memory_space<hbm>>) target(%dma_start3A_234 : memref<64x128xf32, #tpu.memory_space<vmem>>) offsets(%dma_start3A_237 : memref<64xi32, #tpu.memory_space<vmem>>) semaphore(%arg13 : memref<!tpu.dma_semaphore, #tpu.memory_space<semaphore_mem>>)
      %add3A_241 = arith.constant 1 : i32
      %add3A_242 = arith.addi %mul3A_182, %add3A_241 : i32
      "tpu.region"() ({
        %run_scoped3A_261 = tpu.sem_alloc : memref<!tpu.dma_semaphore, #tpu.memory_space<semaphore_mem>>
        %dma_start3A_262 = arith.constant 0 : i32
        %dma_start3A_263 = tpu.memref_slice %arg8[%add3A_242, %dma_start3A_262] : memref<40x128xi32, #tpu.memory_space<vmem>> -> memref<1x128xi32, #tpu.memory_space<vmem>>
        %dma_start3A_264 = tpu.memref_squeeze %dma_start3A_263 : memref<1x128xi32, #tpu.memory_space<vmem>> -> memref<128xi32, #tpu.memory_space<vmem>>
        %dma_start3A_265 = arith.constant 0 : i32
        %dma_start3A_266 = arith.constant 0 : i32
        %dma_start3A_267 = tpu.memref_slice %arg11[%dma_start3A_265, %dma_start3A_266] : memref<10240x128xf32, #tpu.memory_space<vmem_shared>> -> memref<10240x128xf32, #tpu.memory_space<vmem_shared>>
        tpu.enqueue_indirect_dma source(%arg10 : memref<128x128xf32, #tpu.memory_space<vmem>>) target(%dma_start3A_267 : memref<10240x128xf32, #tpu.memory_space<vmem_shared>>) offsets(%dma_start3A_264 : memref<128xi32, #tpu.memory_space<vmem>>) semaphore(%run_scoped3A_261 : memref<!tpu.dma_semaphore, #tpu.memory_space<semaphore_mem>>) {add = true}
        %dma_wait3A_268 = arith.constant 0 : i32
        %dma_wait3A_269 = tpu.memref_slice %arg8[%add3A_242, %dma_wait3A_268] : memref<40x128xi32, #tpu.memory_space<vmem>> -> memref<1x128xi32, #tpu.memory_space<vmem>>
        %dma_wait3A_270 = tpu.memref_squeeze %dma_wait3A_269 : memref<1x128xi32, #tpu.memory_space<vmem>> -> memref<128xi32, #tpu.memory_space<vmem>>
        %dma_wait3A_271 = arith.constant 0 : i32
        %dma_wait3A_272 = arith.constant 0 : i32
        %dma_wait3A_273 = tpu.memref_slice %arg11[%dma_wait3A_271, %dma_wait3A_272] : memref<10240x128xf32, #tpu.memory_space<vmem_shared>> -> memref<10240x128xf32, #tpu.memory_space<vmem_shared>>
        tpu.wait_indirect_dma semaphore(%run_scoped3A_261 : memref<!tpu.dma_semaphore, #tpu.memory_space<semaphore_mem>>) src(%arg10 : memref<128x128xf32, #tpu.memory_space<vmem>>) dst(%dma_wait3A_273 : memref<10240x128xf32, #tpu.memory_space<vmem_shared>>)
        tpu.yield
      }) : () -> ()
      %dma_wait3A_243 = arith.constant 0 : i32
      %dma_wait3A_244 = arith.constant 0 : i32
      %dma_wait3A_245 = tpu.memref_slice %arg9[%dma_wait3A_243, %dma_wait3A_244] : memref<128x128xf32, #tpu.memory_space<vmem>> -> memref<64x128xf32, #tpu.memory_space<vmem>>
      %dma_wait3A_246 = arith.constant 0 : i32
      %dma_wait3A_247 = tpu.memref_slice %arg7[%add3A_222, %dma_wait3A_246] : memref<40x128xi32, #tpu.memory_space<vmem>> -> memref<1x64xi32, #tpu.memory_space<vmem>>
      %dma_wait3A_248 = tpu.memref_squeeze %dma_wait3A_247 : memref<1x64xi32, #tpu.memory_space<vmem>> -> memref<64xi32, #tpu.memory_space<vmem>>
      %dma_wait3A_249 = arith.constant 0 : i32
      %dma_wait3A_250 = arith.constant 0 : i32
      %dma_wait3A_251 = tpu.memref_slice %arg4[%dma_wait3A_249, %dma_wait3A_250] : memref<10000x128xf32, #tpu.memory_space<hbm>> -> memref<10000x128xf32, #tpu.memory_space<hbm>>
      tpu.wait_indirect_dma semaphore(%arg12 : memref<!tpu.dma_semaphore, #tpu.memory_space<semaphore_mem>>) src(%dma_wait3A_251 : memref<10000x128xf32, #tpu.memory_space<hbm>>) dst(%dma_wait3A_245 : memref<64x128xf32, #tpu.memory_space<vmem>>)
      %dma_wait3A_252 = arith.constant 64 : i32
      %dma_wait3A_253 = arith.constant 0 : i32
      %dma_wait3A_254 = tpu.memref_slice %arg9[%dma_wait3A_252, %dma_wait3A_253] : memref<128x128xf32, #tpu.memory_space<vmem>> -> memref<64x128xf32, #tpu.memory_space<vmem>>
      %dma_wait3A_255 = arith.constant 64 : i32
      %dma_wait3A_256 = tpu.memref_slice %arg7[%add3A_222, %dma_wait3A_255] : memref<40x128xi32, #tpu.memory_space<vmem>> -> memref<1x64xi32, #tpu.memory_space<vmem>>
      %dma_wait3A_257 = tpu.memref_squeeze %dma_wait3A_256 : memref<1x64xi32, #tpu.memory_space<vmem>> -> memref<64xi32, #tpu.memory_space<vmem>>
      %dma_wait3A_258 = arith.constant 0 : i32
      %dma_wait3A_259 = arith.constant 0 : i32
      %dma_wait3A_260 = tpu.memref_slice %arg4[%dma_wait3A_258, %dma_wait3A_259] : memref<10000x128xf32, #tpu.memory_space<hbm>> -> memref<10000x128xf32, #tpu.memory_space<hbm>>
      tpu.wait_indirect_dma semaphore(%arg13 : memref<!tpu.dma_semaphore, #tpu.memory_space<semaphore_mem>>) src(%dma_wait3A_260 : memref<10000x128xf32, #tpu.memory_space<hbm>>) dst(%dma_wait3A_254 : memref<64x128xf32, #tpu.memory_space<vmem>>)
    }
    %scan3A_45 = arith.constant 19 : i32
    %dma_start3A_46 = arith.constant 39 : i32
    %dma_start3A_47 = arith.constant 0 : i32
    %dma_start3A_48 = arith.constant 0 : i32
    %dma_start3A_49 = tpu.memref_slice %arg10[%dma_start3A_47, %dma_start3A_48] : memref<128x128xf32, #tpu.memory_space<vmem>> -> memref<64x128xf32, #tpu.memory_space<vmem>>
    %dma_start3A_50 = arith.constant 0 : i32
    %dma_start3A_51 = tpu.memref_slice %arg7[%dma_start3A_46, %dma_start3A_50] : memref<40x128xi32, #tpu.memory_space<vmem>> -> memref<1x64xi32, #tpu.memory_space<vmem>>
    %dma_start3A_52 = tpu.memref_squeeze %dma_start3A_51 : memref<1x64xi32, #tpu.memory_space<vmem>> -> memref<64xi32, #tpu.memory_space<vmem>>
    %dma_start3A_53 = arith.constant 0 : i32
    %dma_start3A_54 = arith.constant 0 : i32
    %dma_start3A_55 = tpu.memref_slice %arg4[%dma_start3A_53, %dma_start3A_54] : memref<10000x128xf32, #tpu.memory_space<hbm>> -> memref<10000x128xf32, #tpu.memory_space<hbm>>
    tpu.enqueue_indirect_dma source(%dma_start3A_55 : memref<10000x128xf32, #tpu.memory_space<hbm>>) target(%dma_start3A_49 : memref<64x128xf32, #tpu.memory_space<vmem>>) offsets(%dma_start3A_52 : memref<64xi32, #tpu.memory_space<vmem>>) semaphore(%arg12 : memref<!tpu.dma_semaphore, #tpu.memory_space<semaphore_mem>>)
    %dma_start3A_56 = arith.constant 39 : i32
    %dma_start3A_57 = arith.constant 64 : i32
    %dma_start3A_58 = arith.constant 0 : i32
    %dma_start3A_59 = tpu.memref_slice %arg10[%dma_start3A_57, %dma_start3A_58] : memref<128x128xf32, #tpu.memory_space<vmem>> -> memref<64x128xf32, #tpu.memory_space<vmem>>
    %dma_start3A_60 = arith.constant 64 : i32
    %dma_start3A_61 = tpu.memref_slice %arg7[%dma_start3A_56, %dma_start3A_60] : memref<40x128xi32, #tpu.memory_space<vmem>> -> memref<1x64xi32, #tpu.memory_space<vmem>>
    %dma_start3A_62 = tpu.memref_squeeze %dma_start3A_61 : memref<1x64xi32, #tpu.memory_space<vmem>> -> memref<64xi32, #tpu.memory_space<vmem>>
    %dma_start3A_63 = arith.constant 0 : i32
    %dma_start3A_64 = arith.constant 0 : i32
    %dma_start3A_65 = tpu.memref_slice %arg4[%dma_start3A_63, %dma_start3A_64] : memref<10000x128xf32, #tpu.memory_space<hbm>> -> memref<10000x128xf32, #tpu.memory_space<hbm>>
    tpu.enqueue_indirect_dma source(%dma_start3A_65 : memref<10000x128xf32, #tpu.memory_space<hbm>>) target(%dma_start3A_59 : memref<64x128xf32, #tpu.memory_space<vmem>>) offsets(%dma_start3A_62 : memref<64xi32, #tpu.memory_space<vmem>>) semaphore(%arg13 : memref<!tpu.dma_semaphore, #tpu.memory_space<semaphore_mem>>)
    %run_scoped3A = arith.constant 38 : i32
    "tpu.region"() ({
      %run_scoped3A_180 = tpu.sem_alloc : memref<!tpu.dma_semaphore, #tpu.memory_space<semaphore_mem>>
      %dma_start3A_181 = arith.constant 0 : i32
      %dma_start3A_182 = tpu.memref_slice %arg8[%run_scoped3A, %dma_start3A_181] : memref<40x128xi32, #tpu.memory_space<vmem>> -> memref<1x128xi32, #tpu.memory_space<vmem>>
      %dma_start3A_183 = tpu.memref_squeeze %dma_start3A_182 : memref<1x128xi32, #tpu.memory_space<vmem>> -> memref<128xi32, #tpu.memory_space<vmem>>
      %dma_start3A_184 = arith.constant 0 : i32
      %dma_start3A_185 = arith.constant 0 : i32
      %dma_start3A_186 = tpu.memref_slice %arg11[%dma_start3A_184, %dma_start3A_185] : memref<10240x128xf32, #tpu.memory_space<vmem_shared>> -> memref<10240x128xf32, #tpu.memory_space<vmem_shared>>
      tpu.enqueue_indirect_dma source(%arg9 : memref<128x128xf32, #tpu.memory_space<vmem>>) target(%dma_start3A_186 : memref<10240x128xf32, #tpu.memory_space<vmem_shared>>) offsets(%dma_start3A_183 : memref<128xi32, #tpu.memory_space<vmem>>) semaphore(%run_scoped3A_180 : memref<!tpu.dma_semaphore, #tpu.memory_space<semaphore_mem>>) {add = true}
      %dma_wait3A_187 = arith.constant 0 : i32
      %dma_wait3A_188 = tpu.memref_slice %arg8[%run_scoped3A, %dma_wait3A_187] : memref<40x128xi32, #tpu.memory_space<vmem>> -> memref<1x128xi32, #tpu.memory_space<vmem>>
      %dma_wait3A_189 = tpu.memref_squeeze %dma_wait3A_188 : memref<1x128xi32, #tpu.memory_space<vmem>> -> memref<128xi32, #tpu.memory_space<vmem>>
      %dma_wait3A_190 = arith.constant 0 : i32
      %dma_wait3A_191 = arith.constant 0 : i32
      %dma_wait3A_192 = tpu.memref_slice %arg11[%dma_wait3A_190, %dma_wait3A_191] : memref<10240x128xf32, #tpu.memory_space<vmem_shared>> -> memref<10240x128xf32, #tpu.memory_space<vmem_shared>>
      tpu.wait_indirect_dma semaphore(%run_scoped3A_180 : memref<!tpu.dma_semaphore, #tpu.memory_space<semaphore_mem>>) src(%arg9 : memref<128x128xf32, #tpu.memory_space<vmem>>) dst(%dma_wait3A_192 : memref<10240x128xf32, #tpu.memory_space<vmem_shared>>)
      tpu.yield
    }) : () -> ()
    %dma_wait3A_66 = arith.constant 39 : i32
    %dma_wait3A_67 = arith.constant 0 : i32
    %dma_wait3A_68 = arith.constant 0 : i32
    %dma_wait3A_69 = tpu.memref_slice %arg10[%dma_wait3A_67, %dma_wait3A_68] : memref<128x128xf32, #tpu.memory_space<vmem>> -> memref<64x128xf32, #tpu.memory_space<vmem>>
    %dma_wait3A_70 = arith.constant 0 : i32
    %dma_wait3A_71 = tpu.memref_slice %arg7[%dma_wait3A_66, %dma_wait3A_70] : memref<40x128xi32, #tpu.memory_space<vmem>> -> memref<1x64xi32, #tpu.memory_space<vmem>>
    %dma_wait3A_72 = tpu.memref_squeeze %dma_wait3A_71 : memref<1x64xi32, #tpu.memory_space<vmem>> -> memref<64xi32, #tpu.memory_space<vmem>>
    %dma_wait3A_73 = arith.constant 0 : i32
    %dma_wait3A_74 = arith.constant 0 : i32
    %dma_wait3A_75 = tpu.memref_slice %arg4[%dma_wait3A_73, %dma_wait3A_74] : memref<10000x128xf32, #tpu.memory_space<hbm>> -> memref<10000x128xf32, #tpu.memory_space<hbm>>
    tpu.wait_indirect_dma semaphore(%arg12 : memref<!tpu.dma_semaphore, #tpu.memory_space<semaphore_mem>>) src(%dma_wait3A_75 : memref<10000x128xf32, #tpu.memory_space<hbm>>) dst(%dma_wait3A_69 : memref<64x128xf32, #tpu.memory_space<vmem>>)
    %dma_wait3A_76 = arith.constant 39 : i32
    %dma_wait3A_77 = arith.constant 64 : i32
    %dma_wait3A_78 = arith.constant 0 : i32
    %dma_wait3A_79 = tpu.memref_slice %arg10[%dma_wait3A_77, %dma_wait3A_78] : memref<128x128xf32, #tpu.memory_space<vmem>> -> memref<64x128xf32, #tpu.memory_space<vmem>>
    %dma_wait3A_80 = arith.constant 64 : i32
    %dma_wait3A_81 = tpu.memref_slice %arg7[%dma_wait3A_76, %dma_wait3A_80] : memref<40x128xi32, #tpu.memory_space<vmem>> -> memref<1x64xi32, #tpu.memory_space<vmem>>
    %dma_wait3A_82 = tpu.memref_squeeze %dma_wait3A_81 : memref<1x64xi32, #tpu.memory_space<vmem>> -> memref<64xi32, #tpu.memory_space<vmem>>
    %dma_wait3A_83 = arith.constant 0 : i32
    %dma_wait3A_84 = arith.constant 0 : i32
    %dma_wait3A_85 = tpu.memref_slice %arg4[%dma_wait3A_83, %dma_wait3A_84] : memref<10000x128xf32, #tpu.memory_space<hbm>> -> memref<10000x128xf32, #tpu.memory_space<hbm>>
    tpu.wait_indirect_dma semaphore(%arg13 : memref<!tpu.dma_semaphore, #tpu.memory_space<semaphore_mem>>) src(%dma_wait3A_85 : memref<10000x128xf32, #tpu.memory_space<hbm>>) dst(%dma_wait3A_79 : memref<64x128xf32, #tpu.memory_space<vmem>>)
    %run_scoped3A_86 = arith.constant 39 : i32
    "tpu.region"() ({
      %run_scoped3A_180 = tpu.sem_alloc : memref<!tpu.dma_semaphore, #tpu.memory_space<semaphore_mem>>
      %dma_start3A_181 = arith.constant 0 : i32
      %dma_start3A_182 = tpu.memref_slice %arg8[%run_scoped3A_86, %dma_start3A_181] : memref<40x128xi32, #tpu.memory_space<vmem>> -> memref<1x128xi32, #tpu.memory_space<vmem>>
      %dma_start3A_183 = tpu.memref_squeeze %dma_start3A_182 : memref<1x128xi32, #tpu.memory_space<vmem>> -> memref<128xi32, #tpu.memory_space<vmem>>
      %dma_start3A_184 = arith.constant 0 : i32
      %dma_start3A_185 = arith.constant 0 : i32
      %dma_start3A_186 = tpu.memref_slice %arg11[%dma_start3A_184, %dma_start3A_185] : memref<10240x128xf32, #tpu.memory_space<vmem_shared>> -> memref<10240x128xf32, #tpu.memory_space<vmem_shared>>
      tpu.enqueue_indirect_dma source(%arg10 : memref<128x128xf32, #tpu.memory_space<vmem>>) target(%dma_start3A_186 : memref<10240x128xf32, #tpu.memory_space<vmem_shared>>) offsets(%dma_start3A_183 : memref<128xi32, #tpu.memory_space<vmem>>) semaphore(%run_scoped3A_180 : memref<!tpu.dma_semaphore, #tpu.memory_space<semaphore_mem>>) {add = true}
      %dma_wait3A_187 = arith.constant 0 : i32
      %dma_wait3A_188 = tpu.memref_slice %arg8[%run_scoped3A_86, %dma_wait3A_187] : memref<40x128xi32, #tpu.memory_space<vmem>> -> memref<1x128xi32, #tpu.memory_space<vmem>>
      %dma_wait3A_189 = tpu.memref_squeeze %dma_wait3A_188 : memref<1x128xi32, #tpu.memory_space<vmem>> -> memref<128xi32, #tpu.memory_space<vmem>>
      %dma_wait3A_190 = arith.constant 0 : i32
      %dma_wait3A_191 = arith.constant 0 : i32
      %dma_wait3A_192 = tpu.memref_slice %arg11[%dma_wait3A_190, %dma_wait3A_191] : memref<10240x128xf32, #tpu.memory_space<vmem_shared>> -> memref<10240x128xf32, #tpu.memory_space<vmem_shared>>
      tpu.wait_indirect_dma semaphore(%run_scoped3A_180 : memref<!tpu.dma_semaphore, #tpu.memory_space<semaphore_mem>>) src(%arg10 : memref<128x128xf32, #tpu.memory_space<vmem>>) dst(%dma_wait3A_192 : memref<10240x128xf32, #tpu.memory_space<vmem_shared>>)
      tpu.yield
    }) : () -> ()
    "tpu.region"() ({
      %run_scoped3A_180 = tpu.sem_alloc : memref<!tpu.dma_semaphore, #tpu.memory_space<semaphore_mem>>
      %dma_start3A_181 = arith.constant 40 : i32
      %dma_start3A_182 = arith.constant 0 : i32
      %dma_start3A_183 = tpu.memref_slice %arg2[%add3A, %dma_start3A_181, %dma_start3A_182] : memref<32x80x128xi32, #tpu.memory_space<hbm>> -> memref<1x40x128xi32, #tpu.memory_space<hbm>>
      %dma_start3A_184 = tpu.memref_squeeze %dma_start3A_183 : memref<1x40x128xi32, #tpu.memory_space<hbm>> -> memref<40x128xi32, #tpu.memory_space<hbm>>
      %dma_start3A_185 = arith.constant 40 : i32
      %dma_start3A_186 = arith.constant 0 : i32
      %dma_start3A_187 = tpu.memref_slice %arg2[%add3A, %dma_start3A_185, %dma_start3A_186] : memref<32x80x128xi32, #tpu.memory_space<hbm>> -> memref<1x40x128xi32, #tpu.memory_space<hbm>>
      %dma_start3A_188 = tpu.memref_squeeze %dma_start3A_187 : memref<1x40x128xi32, #tpu.memory_space<hbm>> -> memref<40x128xi32, #tpu.memory_space<hbm>>
      tpu.enqueue_dma source(%dma_start3A_188 : memref<40x128xi32, #tpu.memory_space<hbm>>) target(%arg7 : memref<40x128xi32, #tpu.memory_space<vmem>>) target_semaphore(%run_scoped3A_180 : memref<!tpu.dma_semaphore, #tpu.memory_space<semaphore_mem>>)
      %dma_wait3A_189 = arith.constant 40 : i32
      %dma_wait3A_190 = arith.constant 0 : i32
      %dma_wait3A_191 = tpu.memref_slice %arg2[%add3A, %dma_wait3A_189, %dma_wait3A_190] : memref<32x80x128xi32, #tpu.memory_space<hbm>> -> memref<1x40x128xi32, #tpu.memory_space<hbm>>
      %dma_wait3A_192 = tpu.memref_squeeze %dma_wait3A_191 : memref<1x40x128xi32, #tpu.memory_space<hbm>> -> memref<40x128xi32, #tpu.memory_space<hbm>>
      %dma_wait3A_193 = arith.constant 40 : i32
      %dma_wait3A_194 = arith.constant 0 : i32
      %dma_wait3A_195 = tpu.memref_slice %arg2[%add3A, %dma_wait3A_193, %dma_wait3A_194] : memref<32x80x128xi32, #tpu.memory_space<hbm>> -> memref<1x40x128xi32, #tpu.memory_space<hbm>>
      %dma_wait3A_196 = tpu.memref_squeeze %dma_wait3A_195 : memref<1x40x128xi32, #tpu.memory_space<hbm>> -> memref<40x128xi32, #tpu.memory_space<hbm>>
      tpu.wait_dma2 semaphore(%run_scoped3A_180 : memref<!tpu.dma_semaphore, #tpu.memory_space<semaphore_mem>>) src(%dma_wait3A_196 : memref<40x128xi32, #tpu.memory_space<hbm>>) dst(%arg7 : memref<40x128xi32, #tpu.memory_space<vmem>>)
      tpu.yield
    }) : () -> ()
    "tpu.region"() ({
      %run_scoped3A_180 = tpu.sem_alloc : memref<!tpu.dma_semaphore, #tpu.memory_space<semaphore_mem>>
      %dma_start3A_181 = arith.constant 40 : i32
      %dma_start3A_182 = arith.constant 0 : i32
      %dma_start3A_183 = tpu.memref_slice %arg3[%add3A, %dma_start3A_181, %dma_start3A_182] : memref<32x80x128xi32, #tpu.memory_space<hbm>> -> memref<1x40x128xi32, #tpu.memory_space<hbm>>
      %dma_start3A_184 = tpu.memref_squeeze %dma_start3A_183 : memref<1x40x128xi32, #tpu.memory_space<hbm>> -> memref<40x128xi32, #tpu.memory_space<hbm>>
      %dma_start3A_185 = arith.constant 40 : i32
      %dma_start3A_186 = arith.constant 0 : i32
      %dma_start3A_187 = tpu.memref_slice %arg3[%add3A, %dma_start3A_185, %dma_start3A_186] : memref<32x80x128xi32, #tpu.memory_space<hbm>> -> memref<1x40x128xi32, #tpu.memory_space<hbm>>
      %dma_start3A_188 = tpu.memref_squeeze %dma_start3A_187 : memref<1x40x128xi32, #tpu.memory_space<hbm>> -> memref<40x128xi32, #tpu.memory_space<hbm>>
      tpu.enqueue_dma source(%dma_start3A_188 : memref<40x128xi32, #tpu.memory_space<hbm>>) target(%arg8 : memref<40x128xi32, #tpu.memory_space<vmem>>) target_semaphore(%run_scoped3A_180 : memref<!tpu.dma_semaphore, #tpu.memory_space<semaphore_mem>>)
      %dma_wait3A_189 = arith.constant 40 : i32
      %dma_wait3A_190 = arith.constant 0 : i32
      %dma_wait3A_191 = tpu.memref_slice %arg3[%add3A, %dma_wait3A_189, %dma_wait3A_190] : memref<32x80x128xi32, #tpu.memory_space<hbm>> -> memref<1x40x128xi32, #tpu.memory_space<hbm>>
      %dma_wait3A_192 = tpu.memref_squeeze %dma_wait3A_191 : memref<1x40x128xi32, #tpu.memory_space<hbm>> -> memref<40x128xi32, #tpu.memory_space<hbm>>
      %dma_wait3A_193 = arith.constant 40 : i32
      %dma_wait3A_194 = arith.constant 0 : i32
      %dma_wait3A_195 = tpu.memref_slice %arg3[%add3A, %dma_wait3A_193, %dma_wait3A_194] : memref<32x80x128xi32, #tpu.memory_space<hbm>> -> memref<1x40x128xi32, #tpu.memory_space<hbm>>
      %dma_wait3A_196 = tpu.memref_squeeze %dma_wait3A_195 : memref<1x40x128xi32, #tpu.memory_space<hbm>> -> memref<40x128xi32, #tpu.memory_space<hbm>>
      tpu.wait_dma2 semaphore(%run_scoped3A_180 : memref<!tpu.dma_semaphore, #tpu.memory_space<semaphore_mem>>) src(%dma_wait3A_196 : memref<40x128xi32, #tpu.memory_space<hbm>>) dst(%arg8 : memref<40x128xi32, #tpu.memory_space<vmem>>)
      tpu.yield
    }) : () -> ()
    %dma_start3A_87 = arith.constant 0 : i32
    %dma_start3A_88 = arith.constant 0 : i32
    %dma_start3A_89 = arith.constant 0 : i32
    %dma_start3A_90 = tpu.memref_slice %arg9[%dma_start3A_88, %dma_start3A_89] : memref<128x128xf32, #tpu.memory_space<vmem>> -> memref<64x128xf32, #tpu.memory_space<vmem>>
    %dma_start3A_91 = arith.constant 0 : i32
    %dma_start3A_92 = tpu.memref_slice %arg7[%dma_start3A_87, %dma_start3A_91] : memref<40x128xi32, #tpu.memory_space<vmem>> -> memref<1x64xi32, #tpu.memory_space<vmem>>
    %dma_start3A_93 = tpu.memref_squeeze %dma_start3A_92 : memref<1x64xi32, #tpu.memory_space<vmem>> -> memref<64xi32, #tpu.memory_space<vmem>>
    %dma_start3A_94 = arith.constant 0 : i32
    %dma_start3A_95 = arith.constant 0 : i32
    %dma_start3A_96 = tpu.memref_slice %arg4[%dma_start3A_94, %dma_start3A_95] : memref<10000x128xf32, #tpu.memory_space<hbm>> -> memref<10000x128xf32, #tpu.memory_space<hbm>>
    tpu.enqueue_indirect_dma source(%dma_start3A_96 : memref<10000x128xf32, #tpu.memory_space<hbm>>) target(%dma_start3A_90 : memref<64x128xf32, #tpu.memory_space<vmem>>) offsets(%dma_start3A_93 : memref<64xi32, #tpu.memory_space<vmem>>) semaphore(%arg12 : memref<!tpu.dma_semaphore, #tpu.memory_space<semaphore_mem>>)
    %dma_start3A_97 = arith.constant 0 : i32
    %dma_start3A_98 = arith.constant 64 : i32
    %dma_start3A_99 = arith.constant 0 : i32
    %dma_start3A_100 = tpu.memref_slice %arg9[%dma_start3A_98, %dma_start3A_99] : memref<128x128xf32, #tpu.memory_space<vmem>> -> memref<64x128xf32, #tpu.memory_space<vmem>>
    %dma_start3A_101 = arith.constant 64 : i32
    %dma_start3A_102 = tpu.memref_slice %arg7[%dma_start3A_97, %dma_start3A_101] : memref<40x128xi32, #tpu.memory_space<vmem>> -> memref<1x64xi32, #tpu.memory_space<vmem>>
    %dma_start3A_103 = tpu.memref_squeeze %dma_start3A_102 : memref<1x64xi32, #tpu.memory_space<vmem>> -> memref<64xi32, #tpu.memory_space<vmem>>
    %dma_start3A_104 = arith.constant 0 : i32
    %dma_start3A_105 = arith.constant 0 : i32
    %dma_start3A_106 = tpu.memref_slice %arg4[%dma_start3A_104, %dma_start3A_105] : memref<10000x128xf32, #tpu.memory_space<hbm>> -> memref<10000x128xf32, #tpu.memory_space<hbm>>
    tpu.enqueue_indirect_dma source(%dma_start3A_106 : memref<10000x128xf32, #tpu.memory_space<hbm>>) target(%dma_start3A_100 : memref<64x128xf32, #tpu.memory_space<vmem>>) offsets(%dma_start3A_103 : memref<64xi32, #tpu.memory_space<vmem>>) semaphore(%arg13 : memref<!tpu.dma_semaphore, #tpu.memory_space<semaphore_mem>>)
    %dma_wait3A_107 = arith.constant 0 : i32
    %dma_wait3A_108 = arith.constant 0 : i32
    %dma_wait3A_109 = arith.constant 0 : i32
    %dma_wait3A_110 = tpu.memref_slice %arg9[%dma_wait3A_108, %dma_wait3A_109] : memref<128x128xf32, #tpu.memory_space<vmem>> -> memref<64x128xf32, #tpu.memory_space<vmem>>
    %dma_wait3A_111 = arith.constant 0 : i32
    %dma_wait3A_112 = tpu.memref_slice %arg7[%dma_wait3A_107, %dma_wait3A_111] : memref<40x128xi32, #tpu.memory_space<vmem>> -> memref<1x64xi32, #tpu.memory_space<vmem>>
    %dma_wait3A_113 = tpu.memref_squeeze %dma_wait3A_112 : memref<1x64xi32, #tpu.memory_space<vmem>> -> memref<64xi32, #tpu.memory_space<vmem>>
    %dma_wait3A_114 = arith.constant 0 : i32
    %dma_wait3A_115 = arith.constant 0 : i32
    %dma_wait3A_116 = tpu.memref_slice %arg4[%dma_wait3A_114, %dma_wait3A_115] : memref<10000x128xf32, #tpu.memory_space<hbm>> -> memref<10000x128xf32, #tpu.memory_space<hbm>>
    tpu.wait_indirect_dma semaphore(%arg12 : memref<!tpu.dma_semaphore, #tpu.memory_space<semaphore_mem>>) src(%dma_wait3A_116 : memref<10000x128xf32, #tpu.memory_space<hbm>>) dst(%dma_wait3A_110 : memref<64x128xf32, #tpu.memory_space<vmem>>)
    %dma_wait3A_117 = arith.constant 0 : i32
    %dma_wait3A_118 = arith.constant 64 : i32
    %dma_wait3A_119 = arith.constant 0 : i32
    %dma_wait3A_120 = tpu.memref_slice %arg9[%dma_wait3A_118, %dma_wait3A_119] : memref<128x128xf32, #tpu.memory_space<vmem>> -> memref<64x128xf32, #tpu.memory_space<vmem>>
    %dma_wait3A_121 = arith.constant 64 : i32
    %dma_wait3A_122 = tpu.memref_slice %arg7[%dma_wait3A_117, %dma_wait3A_121] : memref<40x128xi32, #tpu.memory_space<vmem>> -> memref<1x64xi32, #tpu.memory_space<vmem>>
    %dma_wait3A_123 = tpu.memref_squeeze %dma_wait3A_122 : memref<1x64xi32, #tpu.memory_space<vmem>> -> memref<64xi32, #tpu.memory_space<vmem>>
    %dma_wait3A_124 = arith.constant 0 : i32
    %dma_wait3A_125 = arith.constant 0 : i32
    %dma_wait3A_126 = tpu.memref_slice %arg4[%dma_wait3A_124, %dma_wait3A_125] : memref<10000x128xf32, #tpu.memory_space<hbm>> -> memref<10000x128xf32, #tpu.memory_space<hbm>>
    tpu.wait_indirect_dma semaphore(%arg13 : memref<!tpu.dma_semaphore, #tpu.memory_space<semaphore_mem>>) src(%dma_wait3A_126 : memref<10000x128xf32, #tpu.memory_space<hbm>>) dst(%dma_wait3A_120 : memref<64x128xf32, #tpu.memory_space<vmem>>)
    %scan3A_127 = arith.constant 0 : i32
    %scan3A_128 = arith.constant 0 : i32
    %scan3A_129 = arith.constant 19 : i32
    %scan3A_130 = arith.addi %scan3A_128, %scan3A_129 : i32
    %scan3A_131 = arith.constant 1 : i32
    scf.for %scan3A_180 = %scan3A_128 to %scan3A_130 step %scan3A_131  : i32 {
      %mul3A_181 = arith.constant 2 : i32
      %mul3A_182 = arith.muli %mul3A_181, %scan3A_180 : i32
      %add3A_183 = arith.constant 1 : i32
      %add3A_184 = arith.addi %mul3A_182, %add3A_183 : i32
      %dma_start3A_185 = arith.constant 0 : i32
      %dma_start3A_186 = arith.constant 0 : i32
      %dma_start3A_187 = tpu.memref_slice %arg10[%dma_start3A_185, %dma_start3A_186] : memref<128x128xf32, #tpu.memory_space<vmem>> -> memref<64x128xf32, #tpu.memory_space<vmem>>
      %dma_start3A_188 = arith.constant 0 : i32
      %dma_start3A_189 = tpu.memref_slice %arg7[%add3A_184, %dma_start3A_188] : memref<40x128xi32, #tpu.memory_space<vmem>> -> memref<1x64xi32, #tpu.memory_space<vmem>>
      %dma_start3A_190 = tpu.memref_squeeze %dma_start3A_189 : memref<1x64xi32, #tpu.memory_space<vmem>> -> memref<64xi32, #tpu.memory_space<vmem>>
      %dma_start3A_191 = arith.constant 0 : i32
      %dma_start3A_192 = arith.constant 0 : i32
      %dma_start3A_193 = tpu.memref_slice %arg4[%dma_start3A_191, %dma_start3A_192] : memref<10000x128xf32, #tpu.memory_space<hbm>> -> memref<10000x128xf32, #tpu.memory_space<hbm>>
      tpu.enqueue_indirect_dma source(%dma_start3A_193 : memref<10000x128xf32, #tpu.memory_space<hbm>>) target(%dma_start3A_187 : memref<64x128xf32, #tpu.memory_space<vmem>>) offsets(%dma_start3A_190 : memref<64xi32, #tpu.memory_space<vmem>>) semaphore(%arg12 : memref<!tpu.dma_semaphore, #tpu.memory_space<semaphore_mem>>)
      %dma_start3A_194 = arith.constant 64 : i32
      %dma_start3A_195 = arith.constant 0 : i32
      %dma_start3A_196 = tpu.memref_slice %arg10[%dma_start3A_194, %dma_start3A_195] : memref<128x128xf32, #tpu.memory_space<vmem>> -> memref<64x128xf32, #tpu.memory_space<vmem>>
      %dma_start3A_197 = arith.constant 64 : i32
      %dma_start3A_198 = tpu.memref_slice %arg7[%add3A_184, %dma_start3A_197] : memref<40x128xi32, #tpu.memory_space<vmem>> -> memref<1x64xi32, #tpu.memory_space<vmem>>
      %dma_start3A_199 = tpu.memref_squeeze %dma_start3A_198 : memref<1x64xi32, #tpu.memory_space<vmem>> -> memref<64xi32, #tpu.memory_space<vmem>>
      %dma_start3A_200 = arith.constant 0 : i32
      %dma_start3A_201 = arith.constant 0 : i32
      %dma_start3A_202 = tpu.memref_slice %arg4[%dma_start3A_200, %dma_start3A_201] : memref<10000x128xf32, #tpu.memory_space<hbm>> -> memref<10000x128xf32, #tpu.memory_space<hbm>>
      tpu.enqueue_indirect_dma source(%dma_start3A_202 : memref<10000x128xf32, #tpu.memory_space<hbm>>) target(%dma_start3A_196 : memref<64x128xf32, #tpu.memory_space<vmem>>) offsets(%dma_start3A_199 : memref<64xi32, #tpu.memory_space<vmem>>) semaphore(%arg13 : memref<!tpu.dma_semaphore, #tpu.memory_space<semaphore_mem>>)
      "tpu.region"() ({
        %run_scoped3A_261 = tpu.sem_alloc : memref<!tpu.dma_semaphore, #tpu.memory_space<semaphore_mem>>
        %dma_start3A_262 = arith.constant 0 : i32
        %dma_start3A_263 = tpu.memref_slice %arg8[%mul3A_182, %dma_start3A_262] : memref<40x128xi32, #tpu.memory_space<vmem>> -> memref<1x128xi32, #tpu.memory_space<vmem>>
        %dma_start3A_264 = tpu.memref_squeeze %dma_start3A_263 : memref<1x128xi32, #tpu.memory_space<vmem>> -> memref<128xi32, #tpu.memory_space<vmem>>
        %dma_start3A_265 = arith.constant 0 : i32
        %dma_start3A_266 = arith.constant 0 : i32
        %dma_start3A_267 = tpu.memref_slice %arg11[%dma_start3A_265, %dma_start3A_266] : memref<10240x128xf32, #tpu.memory_space<vmem_shared>> -> memref<10240x128xf32, #tpu.memory_space<vmem_shared>>
        tpu.enqueue_indirect_dma source(%arg9 : memref<128x128xf32, #tpu.memory_space<vmem>>) target(%dma_start3A_267 : memref<10240x128xf32, #tpu.memory_space<vmem_shared>>) offsets(%dma_start3A_264 : memref<128xi32, #tpu.memory_space<vmem>>) semaphore(%run_scoped3A_261 : memref<!tpu.dma_semaphore, #tpu.memory_space<semaphore_mem>>) {add = true}
        %dma_wait3A_268 = arith.constant 0 : i32
        %dma_wait3A_269 = tpu.memref_slice %arg8[%mul3A_182, %dma_wait3A_268] : memref<40x128xi32, #tpu.memory_space<vmem>> -> memref<1x128xi32, #tpu.memory_space<vmem>>
        %dma_wait3A_270 = tpu.memref_squeeze %dma_wait3A_269 : memref<1x128xi32, #tpu.memory_space<vmem>> -> memref<128xi32, #tpu.memory_space<vmem>>
        %dma_wait3A_271 = arith.constant 0 : i32
        %dma_wait3A_272 = arith.constant 0 : i32
        %dma_wait3A_273 = tpu.memref_slice %arg11[%dma_wait3A_271, %dma_wait3A_272] : memref<10240x128xf32, #tpu.memory_space<vmem_shared>> -> memref<10240x128xf32, #tpu.memory_space<vmem_shared>>
        tpu.wait_indirect_dma semaphore(%run_scoped3A_261 : memref<!tpu.dma_semaphore, #tpu.memory_space<semaphore_mem>>) src(%arg9 : memref<128x128xf32, #tpu.memory_space<vmem>>) dst(%dma_wait3A_273 : memref<10240x128xf32, #tpu.memory_space<vmem_shared>>)
        tpu.yield
      }) : () -> ()
      %dma_wait3A_203 = arith.constant 0 : i32
      %dma_wait3A_204 = arith.constant 0 : i32
      %dma_wait3A_205 = tpu.memref_slice %arg10[%dma_wait3A_203, %dma_wait3A_204] : memref<128x128xf32, #tpu.memory_space<vmem>> -> memref<64x128xf32, #tpu.memory_space<vmem>>
      %dma_wait3A_206 = arith.constant 0 : i32
      %dma_wait3A_207 = tpu.memref_slice %arg7[%add3A_184, %dma_wait3A_206] : memref<40x128xi32, #tpu.memory_space<vmem>> -> memref<1x64xi32, #tpu.memory_space<vmem>>
      %dma_wait3A_208 = tpu.memref_squeeze %dma_wait3A_207 : memref<1x64xi32, #tpu.memory_space<vmem>> -> memref<64xi32, #tpu.memory_space<vmem>>
      %dma_wait3A_209 = arith.constant 0 : i32
      %dma_wait3A_210 = arith.constant 0 : i32
      %dma_wait3A_211 = tpu.memref_slice %arg4[%dma_wait3A_209, %dma_wait3A_210] : memref<10000x128xf32, #tpu.memory_space<hbm>> -> memref<10000x128xf32, #tpu.memory_space<hbm>>
      tpu.wait_indirect_dma semaphore(%arg12 : memref<!tpu.dma_semaphore, #tpu.memory_space<semaphore_mem>>) src(%dma_wait3A_211 : memref<10000x128xf32, #tpu.memory_space<hbm>>) dst(%dma_wait3A_205 : memref<64x128xf32, #tpu.memory_space<vmem>>)
      %dma_wait3A_212 = arith.constant 64 : i32
      %dma_wait3A_213 = arith.constant 0 : i32
      %dma_wait3A_214 = tpu.memref_slice %arg10[%dma_wait3A_212, %dma_wait3A_213] : memref<128x128xf32, #tpu.memory_space<vmem>> -> memref<64x128xf32, #tpu.memory_space<vmem>>
      %dma_wait3A_215 = arith.constant 64 : i32
      %dma_wait3A_216 = tpu.memref_slice %arg7[%add3A_184, %dma_wait3A_215] : memref<40x128xi32, #tpu.memory_space<vmem>> -> memref<1x64xi32, #tpu.memory_space<vmem>>
      %dma_wait3A_217 = tpu.memref_squeeze %dma_wait3A_216 : memref<1x64xi32, #tpu.memory_space<vmem>> -> memref<64xi32, #tpu.memory_space<vmem>>
      %dma_wait3A_218 = arith.constant 0 : i32
      %dma_wait3A_219 = arith.constant 0 : i32
      %dma_wait3A_220 = tpu.memref_slice %arg4[%dma_wait3A_218, %dma_wait3A_219] : memref<10000x128xf32, #tpu.memory_space<hbm>> -> memref<10000x128xf32, #tpu.memory_space<hbm>>
      tpu.wait_indirect_dma semaphore(%arg13 : memref<!tpu.dma_semaphore, #tpu.memory_space<semaphore_mem>>) src(%dma_wait3A_220 : memref<10000x128xf32, #tpu.memory_space<hbm>>) dst(%dma_wait3A_214 : memref<64x128xf32, #tpu.memory_space<vmem>>)
      %add3A_221 = arith.constant 2 : i32
      %add3A_222 = arith.addi %mul3A_182, %add3A_221 : i32
      %dma_start3A_223 = arith.constant 0 : i32
      %dma_start3A_224 = arith.constant 0 : i32
      %dma_start3A_225 = tpu.memref_slice %arg9[%dma_start3A_223, %dma_start3A_224] : memref<128x128xf32, #tpu.memory_space<vmem>> -> memref<64x128xf32, #tpu.memory_space<vmem>>
      %dma_start3A_226 = arith.constant 0 : i32
      %dma_start3A_227 = tpu.memref_slice %arg7[%add3A_222, %dma_start3A_226] : memref<40x128xi32, #tpu.memory_space<vmem>> -> memref<1x64xi32, #tpu.memory_space<vmem>>
      %dma_start3A_228 = tpu.memref_squeeze %dma_start3A_227 : memref<1x64xi32, #tpu.memory_space<vmem>> -> memref<64xi32, #tpu.memory_space<vmem>>
      %dma_start3A_229 = arith.constant 0 : i32
      %dma_start3A_230 = arith.constant 0 : i32
      %dma_start3A_231 = tpu.memref_slice %arg4[%dma_start3A_229, %dma_start3A_230] : memref<10000x128xf32, #tpu.memory_space<hbm>> -> memref<10000x128xf32, #tpu.memory_space<hbm>>
      tpu.enqueue_indirect_dma source(%dma_start3A_231 : memref<10000x128xf32, #tpu.memory_space<hbm>>) target(%dma_start3A_225 : memref<64x128xf32, #tpu.memory_space<vmem>>) offsets(%dma_start3A_228 : memref<64xi32, #tpu.memory_space<vmem>>) semaphore(%arg12 : memref<!tpu.dma_semaphore, #tpu.memory_space<semaphore_mem>>)
      %dma_start3A_232 = arith.constant 64 : i32
      %dma_start3A_233 = arith.constant 0 : i32
      %dma_start3A_234 = tpu.memref_slice %arg9[%dma_start3A_232, %dma_start3A_233] : memref<128x128xf32, #tpu.memory_space<vmem>> -> memref<64x128xf32, #tpu.memory_space<vmem>>
      %dma_start3A_235 = arith.constant 64 : i32
      %dma_start3A_236 = tpu.memref_slice %arg7[%add3A_222, %dma_start3A_235] : memref<40x128xi32, #tpu.memory_space<vmem>> -> memref<1x64xi32, #tpu.memory_space<vmem>>
      %dma_start3A_237 = tpu.memref_squeeze %dma_start3A_236 : memref<1x64xi32, #tpu.memory_space<vmem>> -> memref<64xi32, #tpu.memory_space<vmem>>
      %dma_start3A_238 = arith.constant 0 : i32
      %dma_start3A_239 = arith.constant 0 : i32
      %dma_start3A_240 = tpu.memref_slice %arg4[%dma_start3A_238, %dma_start3A_239] : memref<10000x128xf32, #tpu.memory_space<hbm>> -> memref<10000x128xf32, #tpu.memory_space<hbm>>
      tpu.enqueue_indirect_dma source(%dma_start3A_240 : memref<10000x128xf32, #tpu.memory_space<hbm>>) target(%dma_start3A_234 : memref<64x128xf32, #tpu.memory_space<vmem>>) offsets(%dma_start3A_237 : memref<64xi32, #tpu.memory_space<vmem>>) semaphore(%arg13 : memref<!tpu.dma_semaphore, #tpu.memory_space<semaphore_mem>>)
      %add3A_241 = arith.constant 1 : i32
      %add3A_242 = arith.addi %mul3A_182, %add3A_241 : i32
      "tpu.region"() ({
        %run_scoped3A_261 = tpu.sem_alloc : memref<!tpu.dma_semaphore, #tpu.memory_space<semaphore_mem>>
        %dma_start3A_262 = arith.constant 0 : i32
        %dma_start3A_263 = tpu.memref_slice %arg8[%add3A_242, %dma_start3A_262] : memref<40x128xi32, #tpu.memory_space<vmem>> -> memref<1x128xi32, #tpu.memory_space<vmem>>
        %dma_start3A_264 = tpu.memref_squeeze %dma_start3A_263 : memref<1x128xi32, #tpu.memory_space<vmem>> -> memref<128xi32, #tpu.memory_space<vmem>>
        %dma_start3A_265 = arith.constant 0 : i32
        %dma_start3A_266 = arith.constant 0 : i32
        %dma_start3A_267 = tpu.memref_slice %arg11[%dma_start3A_265, %dma_start3A_266] : memref<10240x128xf32, #tpu.memory_space<vmem_shared>> -> memref<10240x128xf32, #tpu.memory_space<vmem_shared>>
        tpu.enqueue_indirect_dma source(%arg10 : memref<128x128xf32, #tpu.memory_space<vmem>>) target(%dma_start3A_267 : memref<10240x128xf32, #tpu.memory_space<vmem_shared>>) offsets(%dma_start3A_264 : memref<128xi32, #tpu.memory_space<vmem>>) semaphore(%run_scoped3A_261 : memref<!tpu.dma_semaphore, #tpu.memory_space<semaphore_mem>>) {add = true}
        %dma_wait3A_268 = arith.constant 0 : i32
        %dma_wait3A_269 = tpu.memref_slice %arg8[%add3A_242, %dma_wait3A_268] : memref<40x128xi32, #tpu.memory_space<vmem>> -> memref<1x128xi32, #tpu.memory_space<vmem>>
        %dma_wait3A_270 = tpu.memref_squeeze %dma_wait3A_269 : memref<1x128xi32, #tpu.memory_space<vmem>> -> memref<128xi32, #tpu.memory_space<vmem>>
        %dma_wait3A_271 = arith.constant 0 : i32
        %dma_wait3A_272 = arith.constant 0 : i32
        %dma_wait3A_273 = tpu.memref_slice %arg11[%dma_wait3A_271, %dma_wait3A_272] : memref<10240x128xf32, #tpu.memory_space<vmem_shared>> -> memref<10240x128xf32, #tpu.memory_space<vmem_shared>>
        tpu.wait_indirect_dma semaphore(%run_scoped3A_261 : memref<!tpu.dma_semaphore, #tpu.memory_space<semaphore_mem>>) src(%arg10 : memref<128x128xf32, #tpu.memory_space<vmem>>) dst(%dma_wait3A_273 : memref<10240x128xf32, #tpu.memory_space<vmem_shared>>)
        tpu.yield
      }) : () -> ()
      %dma_wait3A_243 = arith.constant 0 : i32
      %dma_wait3A_244 = arith.constant 0 : i32
      %dma_wait3A_245 = tpu.memref_slice %arg9[%dma_wait3A_243, %dma_wait3A_244] : memref<128x128xf32, #tpu.memory_space<vmem>> -> memref<64x128xf32, #tpu.memory_space<vmem>>
      %dma_wait3A_246 = arith.constant 0 : i32
      %dma_wait3A_247 = tpu.memref_slice %arg7[%add3A_222, %dma_wait3A_246] : memref<40x128xi32, #tpu.memory_space<vmem>> -> memref<1x64xi32, #tpu.memory_space<vmem>>
      %dma_wait3A_248 = tpu.memref_squeeze %dma_wait3A_247 : memref<1x64xi32, #tpu.memory_space<vmem>> -> memref<64xi32, #tpu.memory_space<vmem>>
      %dma_wait3A_249 = arith.constant 0 : i32
      %dma_wait3A_250 = arith.constant 0 : i32
      %dma_wait3A_251 = tpu.memref_slice %arg4[%dma_wait3A_249, %dma_wait3A_250] : memref<10000x128xf32, #tpu.memory_space<hbm>> -> memref<10000x128xf32, #tpu.memory_space<hbm>>
      tpu.wait_indirect_dma semaphore(%arg12 : memref<!tpu.dma_semaphore, #tpu.memory_space<semaphore_mem>>) src(%dma_wait3A_251 : memref<10000x128xf32, #tpu.memory_space<hbm>>) dst(%dma_wait3A_245 : memref<64x128xf32, #tpu.memory_space<vmem>>)
      %dma_wait3A_252 = arith.constant 64 : i32
      %dma_wait3A_253 = arith.constant 0 : i32
      %dma_wait3A_254 = tpu.memref_slice %arg9[%dma_wait3A_252, %dma_wait3A_253] : memref<128x128xf32, #tpu.memory_space<vmem>> -> memref<64x128xf32, #tpu.memory_space<vmem>>
      %dma_wait3A_255 = arith.constant 64 : i32
      %dma_wait3A_256 = tpu.memref_slice %arg7[%add3A_222, %dma_wait3A_255] : memref<40x128xi32, #tpu.memory_space<vmem>> -> memref<1x64xi32, #tpu.memory_space<vmem>>
      %dma_wait3A_257 = tpu.memref_squeeze %dma_wait3A_256 : memref<1x64xi32, #tpu.memory_space<vmem>> -> memref<64xi32, #tpu.memory_space<vmem>>
      %dma_wait3A_258 = arith.constant 0 : i32
      %dma_wait3A_259 = arith.constant 0 : i32
      %dma_wait3A_260 = tpu.memref_slice %arg4[%dma_wait3A_258, %dma_wait3A_259] : memref<10000x128xf32, #tpu.memory_space<hbm>> -> memref<10000x128xf32, #tpu.memory_space<hbm>>
      tpu.wait_indirect_dma semaphore(%arg13 : memref<!tpu.dma_semaphore, #tpu.memory_space<semaphore_mem>>) src(%dma_wait3A_260 : memref<10000x128xf32, #tpu.memory_space<hbm>>) dst(%dma_wait3A_254 : memref<64x128xf32, #tpu.memory_space<vmem>>)
    }
    %scan3A_132 = arith.constant 19 : i32
    %dma_start3A_133 = arith.constant 39 : i32
    %dma_start3A_134 = arith.constant 0 : i32
    %dma_start3A_135 = arith.constant 0 : i32
    %dma_start3A_136 = tpu.memref_slice %arg10[%dma_start3A_134, %dma_start3A_135] : memref<128x128xf32, #tpu.memory_space<vmem>> -> memref<64x128xf32, #tpu.memory_space<vmem>>
    %dma_start3A_137 = arith.constant 0 : i32
    %dma_start3A_138 = tpu.memref_slice %arg7[%dma_start3A_133, %dma_start3A_137] : memref<40x128xi32, #tpu.memory_space<vmem>> -> memref<1x64xi32, #tpu.memory_space<vmem>>
    %dma_start3A_139 = tpu.memref_squeeze %dma_start3A_138 : memref<1x64xi32, #tpu.memory_space<vmem>> -> memref<64xi32, #tpu.memory_space<vmem>>
    %dma_start3A_140 = arith.constant 0 : i32
    %dma_start3A_141 = arith.constant 0 : i32
    %dma_start3A_142 = tpu.memref_slice %arg4[%dma_start3A_140, %dma_start3A_141] : memref<10000x128xf32, #tpu.memory_space<hbm>> -> memref<10000x128xf32, #tpu.memory_space<hbm>>
    tpu.enqueue_indirect_dma source(%dma_start3A_142 : memref<10000x128xf32, #tpu.memory_space<hbm>>) target(%dma_start3A_136 : memref<64x128xf32, #tpu.memory_space<vmem>>) offsets(%dma_start3A_139 : memref<64xi32, #tpu.memory_space<vmem>>) semaphore(%arg12 : memref<!tpu.dma_semaphore, #tpu.memory_space<semaphore_mem>>)
    %dma_start3A_143 = arith.constant 39 : i32
    %dma_start3A_144 = arith.constant 64 : i32
    %dma_start3A_145 = arith.constant 0 : i32
    %dma_start3A_146 = tpu.memref_slice %arg10[%dma_start3A_144, %dma_start3A_145] : memref<128x128xf32, #tpu.memory_space<vmem>> -> memref<64x128xf32, #tpu.memory_space<vmem>>
    %dma_start3A_147 = arith.constant 64 : i32
    %dma_start3A_148 = tpu.memref_slice %arg7[%dma_start3A_143, %dma_start3A_147] : memref<40x128xi32, #tpu.memory_space<vmem>> -> memref<1x64xi32, #tpu.memory_space<vmem>>
    %dma_start3A_149 = tpu.memref_squeeze %dma_start3A_148 : memref<1x64xi32, #tpu.memory_space<vmem>> -> memref<64xi32, #tpu.memory_space<vmem>>
    %dma_start3A_150 = arith.constant 0 : i32
    %dma_start3A_151 = arith.constant 0 : i32
    %dma_start3A_152 = tpu.memref_slice %arg4[%dma_start3A_150, %dma_start3A_151] : memref<10000x128xf32, #tpu.memory_space<hbm>> -> memref<10000x128xf32, #tpu.memory_space<hbm>>
    tpu.enqueue_indirect_dma source(%dma_start3A_152 : memref<10000x128xf32, #tpu.memory_space<hbm>>) target(%dma_start3A_146 : memref<64x128xf32, #tpu.memory_space<vmem>>) offsets(%dma_start3A_149 : memref<64xi32, #tpu.memory_space<vmem>>) semaphore(%arg13 : memref<!tpu.dma_semaphore, #tpu.memory_space<semaphore_mem>>)
    %run_scoped3A_153 = arith.constant 38 : i32
    "tpu.region"() ({
      %run_scoped3A_180 = tpu.sem_alloc : memref<!tpu.dma_semaphore, #tpu.memory_space<semaphore_mem>>
      %dma_start3A_181 = arith.constant 0 : i32
      %dma_start3A_182 = tpu.memref_slice %arg8[%run_scoped3A_153, %dma_start3A_181] : memref<40x128xi32, #tpu.memory_space<vmem>> -> memref<1x128xi32, #tpu.memory_space<vmem>>
      %dma_start3A_183 = tpu.memref_squeeze %dma_start3A_182 : memref<1x128xi32, #tpu.memory_space<vmem>> -> memref<128xi32, #tpu.memory_space<vmem>>
      %dma_start3A_184 = arith.constant 0 : i32
      %dma_start3A_185 = arith.constant 0 : i32
      %dma_start3A_186 = tpu.memref_slice %arg11[%dma_start3A_184, %dma_start3A_185] : memref<10240x128xf32, #tpu.memory_space<vmem_shared>> -> memref<10240x128xf32, #tpu.memory_space<vmem_shared>>
      tpu.enqueue_indirect_dma source(%arg9 : memref<128x128xf32, #tpu.memory_space<vmem>>) target(%dma_start3A_186 : memref<10240x128xf32, #tpu.memory_space<vmem_shared>>) offsets(%dma_start3A_183 : memref<128xi32, #tpu.memory_space<vmem>>) semaphore(%run_scoped3A_180 : memref<!tpu.dma_semaphore, #tpu.memory_space<semaphore_mem>>) {add = true}
      %dma_wait3A_187 = arith.constant 0 : i32
      %dma_wait3A_188 = tpu.memref_slice %arg8[%run_scoped3A_153, %dma_wait3A_187] : memref<40x128xi32, #tpu.memory_space<vmem>> -> memref<1x128xi32, #tpu.memory_space<vmem>>
      %dma_wait3A_189 = tpu.memref_squeeze %dma_wait3A_188 : memref<1x128xi32, #tpu.memory_space<vmem>> -> memref<128xi32, #tpu.memory_space<vmem>>
      %dma_wait3A_190 = arith.constant 0 : i32
      %dma_wait3A_191 = arith.constant 0 : i32
      %dma_wait3A_192 = tpu.memref_slice %arg11[%dma_wait3A_190, %dma_wait3A_191] : memref<10240x128xf32, #tpu.memory_space<vmem_shared>> -> memref<10240x128xf32, #tpu.memory_space<vmem_shared>>
      tpu.wait_indirect_dma semaphore(%run_scoped3A_180 : memref<!tpu.dma_semaphore, #tpu.memory_space<semaphore_mem>>) src(%arg9 : memref<128x128xf32, #tpu.memory_space<vmem>>) dst(%dma_wait3A_192 : memref<10240x128xf32, #tpu.memory_space<vmem_shared>>)
      tpu.yield
    }) : () -> ()
    %dma_wait3A_154 = arith.constant 39 : i32
    %dma_wait3A_155 = arith.constant 0 : i32
    %dma_wait3A_156 = arith.constant 0 : i32
    %dma_wait3A_157 = tpu.memref_slice %arg10[%dma_wait3A_155, %dma_wait3A_156] : memref<128x128xf32, #tpu.memory_space<vmem>> -> memref<64x128xf32, #tpu.memory_space<vmem>>
    %dma_wait3A_158 = arith.constant 0 : i32
    %dma_wait3A_159 = tpu.memref_slice %arg7[%dma_wait3A_154, %dma_wait3A_158] : memref<40x128xi32, #tpu.memory_space<vmem>> -> memref<1x64xi32, #tpu.memory_space<vmem>>
    %dma_wait3A_160 = tpu.memref_squeeze %dma_wait3A_159 : memref<1x64xi32, #tpu.memory_space<vmem>> -> memref<64xi32, #tpu.memory_space<vmem>>
    %dma_wait3A_161 = arith.constant 0 : i32
    %dma_wait3A_162 = arith.constant 0 : i32
    %dma_wait3A_163 = tpu.memref_slice %arg4[%dma_wait3A_161, %dma_wait3A_162] : memref<10000x128xf32, #tpu.memory_space<hbm>> -> memref<10000x128xf32, #tpu.memory_space<hbm>>
    tpu.wait_indirect_dma semaphore(%arg12 : memref<!tpu.dma_semaphore, #tpu.memory_space<semaphore_mem>>) src(%dma_wait3A_163 : memref<10000x128xf32, #tpu.memory_space<hbm>>) dst(%dma_wait3A_157 : memref<64x128xf32, #tpu.memory_space<vmem>>)
    %dma_wait3A_164 = arith.constant 39 : i32
    %dma_wait3A_165 = arith.constant 64 : i32
    %dma_wait3A_166 = arith.constant 0 : i32
    %dma_wait3A_167 = tpu.memref_slice %arg10[%dma_wait3A_165, %dma_wait3A_166] : memref<128x128xf32, #tpu.memory_space<vmem>> -> memref<64x128xf32, #tpu.memory_space<vmem>>
    %dma_wait3A_168 = arith.constant 64 : i32
    %dma_wait3A_169 = tpu.memref_slice %arg7[%dma_wait3A_164, %dma_wait3A_168] : memref<40x128xi32, #tpu.memory_space<vmem>> -> memref<1x64xi32, #tpu.memory_space<vmem>>
    %dma_wait3A_170 = tpu.memref_squeeze %dma_wait3A_169 : memref<1x64xi32, #tpu.memory_space<vmem>> -> memref<64xi32, #tpu.memory_space<vmem>>
    %dma_wait3A_171 = arith.constant 0 : i32
    %dma_wait3A_172 = arith.constant 0 : i32
    %dma_wait3A_173 = tpu.memref_slice %arg4[%dma_wait3A_171, %dma_wait3A_172] : memref<10000x128xf32, #tpu.memory_space<hbm>> -> memref<10000x128xf32, #tpu.memory_space<hbm>>
    tpu.wait_indirect_dma semaphore(%arg13 : memref<!tpu.dma_semaphore, #tpu.memory_space<semaphore_mem>>) src(%dma_wait3A_173 : memref<10000x128xf32, #tpu.memory_space<hbm>>) dst(%dma_wait3A_167 : memref<64x128xf32, #tpu.memory_space<vmem>>)
    %run_scoped3A_174 = arith.constant 39 : i32
    "tpu.region"() ({
      %run_scoped3A_180 = tpu.sem_alloc : memref<!tpu.dma_semaphore, #tpu.memory_space<semaphore_mem>>
      %dma_start3A_181 = arith.constant 0 : i32
      %dma_start3A_182 = tpu.memref_slice %arg8[%run_scoped3A_174, %dma_start3A_181] : memref<40x128xi32, #tpu.memory_space<vmem>> -> memref<1x128xi32, #tpu.memory_space<vmem>>
      %dma_start3A_183 = tpu.memref_squeeze %dma_start3A_182 : memref<1x128xi32, #tpu.memory_space<vmem>> -> memref<128xi32, #tpu.memory_space<vmem>>
      %dma_start3A_184 = arith.constant 0 : i32
      %dma_start3A_185 = arith.constant 0 : i32
      %dma_start3A_186 = tpu.memref_slice %arg11[%dma_start3A_184, %dma_start3A_185] : memref<10240x128xf32, #tpu.memory_space<vmem_shared>> -> memref<10240x128xf32, #tpu.memory_space<vmem_shared>>
      tpu.enqueue_indirect_dma source(%arg10 : memref<128x128xf32, #tpu.memory_space<vmem>>) target(%dma_start3A_186 : memref<10240x128xf32, #tpu.memory_space<vmem_shared>>) offsets(%dma_start3A_183 : memref<128xi32, #tpu.memory_space<vmem>>) semaphore(%run_scoped3A_180 : memref<!tpu.dma_semaphore, #tpu.memory_space<semaphore_mem>>) {add = true}
      %dma_wait3A_187 = arith.constant 0 : i32
      %dma_wait3A_188 = tpu.memref_slice %arg8[%run_scoped3A_174, %dma_wait3A_187] : memref<40x128xi32, #tpu.memory_space<vmem>> -> memref<1x128xi32, #tpu.memory_space<vmem>>
      %dma_wait3A_189 = tpu.memref_squeeze %dma_wait3A_188 : memref<1x128xi32, #tpu.memory_space<vmem>> -> memref<128xi32, #tpu.memory_space<vmem>>
      %dma_wait3A_190 = arith.constant 0 : i32
      %dma_wait3A_191 = arith.constant 0 : i32
      %dma_wait3A_192 = tpu.memref_slice %arg11[%dma_wait3A_190, %dma_wait3A_191] : memref<10240x128xf32, #tpu.memory_space<vmem_shared>> -> memref<10240x128xf32, #tpu.memory_space<vmem_shared>>
      tpu.wait_indirect_dma semaphore(%run_scoped3A_180 : memref<!tpu.dma_semaphore, #tpu.memory_space<semaphore_mem>>) src(%arg10 : memref<128x128xf32, #tpu.memory_space<vmem>>) dst(%dma_wait3A_192 : memref<10240x128xf32, #tpu.memory_space<vmem_shared>>)
      tpu.yield
    }) : () -> ()
    %barrier3A_175 = arith.constant 0 : index
    tpu.barrier barrier_id(%barrier3A_175)
    %mul3A_176 = arith.constant 640 : i32
    %mul3A_177 = arith.muli %arg1, %mul3A_176 : i32
    %mul3A_178 = arith.constant 640 : i32
    %mul3A_179 = arith.muli %arg1, %mul3A_178 : i32
    "tpu.region"() ({
      %run_scoped3A_180 = tpu.sem_alloc : memref<!tpu.dma_semaphore, #tpu.memory_space<semaphore_mem>>
      %dma_start3A_181 = arith.constant 0 : i32
      %dma_start3A_182 = tpu.memref_slice %arg6[%arg0, %mul3A_179, %dma_start3A_181] : memref<2x10240x128xf32, #tpu.memory_space<hbm>> -> memref<1x640x128xf32, #tpu.memory_space<hbm>>
      %dma_start3A_183 = tpu.memref_squeeze %dma_start3A_182 : memref<1x640x128xf32, #tpu.memory_space<hbm>> -> memref<640x128xf32, #tpu.memory_space<hbm>>
      %dma_start3A_184 = arith.constant 0 : i32
      %dma_start3A_185 = tpu.memref_slice %arg11[%mul3A_177, %dma_start3A_184] : memref<10240x128xf32, #tpu.memory_space<vmem_shared>> -> memref<640x128xf32, #tpu.memory_space<vmem_shared>>
      tpu.enqueue_dma source(%dma_start3A_185 : memref<640x128xf32, #tpu.memory_space<vmem_shared>>) target(%dma_start3A_183 : memref<640x128xf32, #tpu.memory_space<hbm>>) target_semaphore(%run_scoped3A_180 : memref<!tpu.dma_semaphore, #tpu.memory_space<semaphore_mem>>)
      %dma_wait3A_186 = arith.constant 0 : i32
      %dma_wait3A_187 = tpu.memref_slice %arg6[%arg0, %mul3A_179, %dma_wait3A_186] : memref<2x10240x128xf32, #tpu.memory_space<hbm>> -> memref<1x640x128xf32, #tpu.memory_space<hbm>>
      %dma_wait3A_188 = tpu.memref_squeeze %dma_wait3A_187 : memref<1x640x128xf32, #tpu.memory_space<hbm>> -> memref<640x128xf32, #tpu.memory_space<hbm>>
      %dma_wait3A_189 = arith.constant 0 : i32
      %dma_wait3A_190 = tpu.memref_slice %arg11[%mul3A_177, %dma_wait3A_189] : memref<10240x128xf32, #tpu.memory_space<vmem_shared>> -> memref<640x128xf32, #tpu.memory_space<vmem_shared>>
      tpu.wait_dma2 semaphore(%run_scoped3A_180 : memref<!tpu.dma_semaphore, #tpu.memory_space<semaphore_mem>>) src(%dma_wait3A_190 : memref<640x128xf32, #tpu.memory_space<vmem_shared>>) dst(%dma_wait3A_188 : memref<640x128xf32, #tpu.memory_space<hbm>>)
      tpu.yield
    }) : () -> ()
    return
  }
}

#map = affine_map<(d0, d1) -> (0, 0, 0)>
#map1 = affine_map<(d0, d1) -> (0, 0)>
module attributes {stable_mosaic.version = 14 : i64} {
  func.func @scat_kernel(%arg0: i32, %arg1: i32, %arg2: memref<32x80x128xi32, #tpu.memory_space<hbm>>, %arg3: memref<32x80x128xi32, #tpu.memory_space<hbm>>, %arg4: memref<10000x128xf32, #tpu.memory_space<hbm>>, %arg5: memref<640x128xf32, #tpu.memory_space<hbm>>, %arg6: memref<2x10240x128xf32, #tpu.memory_space<hbm>>, %arg7: memref<40x128xi32, #tpu.memory_space<vmem>>, %arg8: memref<40x128xi32, #tpu.memory_space<vmem>>, %arg9: memref<128x128xf32, #tpu.memory_space<vmem>>, %arg10: memref<128x128xf32, #tpu.memory_space<vmem>>, %arg11: memref<10240x128xf32, #tpu.memory_space<vmem_shared>>, %arg12: memref<!tpu.dma_semaphore, #tpu.memory_space<semaphore_mem>>, %arg13: memref<!tpu.dma_semaphore, #tpu.memory_space<semaphore_mem>>) attributes {dimension_semantics = [#tpu.dimension_semantics<core_parallel>, #tpu.dimension_semantics<subcore_parallel>], iteration_bounds = array<i64: 2, 16>, scalar_prefetch = 0 : i64, scratch_operands = 7 : i64, tpu.core_type = #tpu.core_type<sc_vector_subcore>, window_params = [{transform_indices = #map}, {transform_indices = #map}, {transform_indices = #map1}, {transform_indices = #map1}, {transform_indices = #map}]} {
    %mul3A = arith.constant 16 : i32
    %mul3A_0 = arith.muli %arg0, %mul3A : i32
    %add3A = arith.addi %mul3A_0, %arg1 : i32
    %mul3A_1 = arith.constant 640 : i32
    %mul3A_2 = arith.muli %arg1, %mul3A_1 : i32
    "tpu.region"() ({
      %run_scoped3A_180 = tpu.sem_alloc : memref<!tpu.dma_semaphore, #tpu.memory_space<semaphore_mem>>
      %dma_start3A_181 = arith.constant 0 : i32
      %dma_start3A_182 = tpu.memref_slice %arg11[%mul3A_2, %dma_start3A_181] : memref<10240x128xf32, #tpu.memory_space<vmem_shared>> -> memref<640x128xf32, #tpu.memory_space<vmem_shared>>
      tpu.enqueue_dma source(%arg5 : memref<640x128xf32, #tpu.memory_space<hbm>>) target(%dma_start3A_182 : memref<640x128xf32, #tpu.memory_space<vmem_shared>>) target_semaphore(%run_scoped3A_180 : memref<!tpu.dma_semaphore, #tpu.memory_space<semaphore_mem>>)
      %dma_wait3A_183 = arith.constant 0 : i32
      %dma_wait3A_184 = tpu.memref_slice %arg11[%mul3A_2, %dma_wait3A_183] : memref<10240x128xf32, #tpu.memory_space<vmem_shared>> -> memref<640x128xf32, #tpu.memory_space<vmem_shared>>
      tpu.wait_dma2 semaphore(%run_scoped3A_180 : memref<!tpu.dma_semaphore, #tpu.memory_space<semaphore_mem>>) src(%arg5 : memref<640x128xf32, #tpu.memory_space<hbm>>) dst(%dma_wait3A_184 : memref<640x128xf32, #tpu.memory_space<vmem_shared>>)
      tpu.yield
    }) : () -> ()
    %barrier3A = arith.constant 0 : index
    tpu.barrier barrier_id(%barrier3A)
    "tpu.region"() ({
      %run_scoped3A_180 = tpu.sem_alloc : memref<!tpu.dma_semaphore, #tpu.memory_space<semaphore_mem>>
      %dma_start3A_181 = arith.constant 0 : i32
      %dma_start3A_182 = arith.constant 0 : i32
      %dma_start3A_183 = tpu.memref_slice %arg2[%add3A, %dma_start3A_181, %dma_start3A_182] : memref<32x80x128xi32, #tpu.memory_space<hbm>> -> memref<1x40x128xi32, #tpu.memory_space<hbm>>
      %dma_start3A_184 = tpu.memref_squeeze %dma_start3A_183 : memref<1x40x128xi32, #tpu.memory_space<hbm>> -> memref<40x128xi32, #tpu.memory_space<hbm>>
      %dma_start3A_185 = arith.constant 0 : i32
      %dma_start3A_186 = arith.constant 0 : i32
      %dma_start3A_187 = tpu.memref_slice %arg2[%add3A, %dma_start3A_185, %dma_start3A_186] : memref<32x80x128xi32, #tpu.memory_space<hbm>> -> memref<1x40x128xi32, #tpu.memory_space<hbm>>
      %dma_start3A_188 = tpu.memref_squeeze %dma_start3A_187 : memref<1x40x128xi32, #tpu.memory_space<hbm>> -> memref<40x128xi32, #tpu.memory_space<hbm>>
      tpu.enqueue_dma source(%dma_start3A_188 : memref<40x128xi32, #tpu.memory_space<hbm>>) target(%arg7 : memref<40x128xi32, #tpu.memory_space<vmem>>) target_semaphore(%run_scoped3A_180 : memref<!tpu.dma_semaphore, #tpu.memory_space<semaphore_mem>>)
      %dma_wait3A_189 = arith.constant 0 : i32
      %dma_wait3A_190 = arith.constant 0 : i32
      %dma_wait3A_191 = tpu.memref_slice %arg2[%add3A, %dma_wait3A_189, %dma_wait3A_190] : memref<32x80x128xi32, #tpu.memory_space<hbm>> -> memref<1x40x128xi32, #tpu.memory_space<hbm>>
      %dma_wait3A_192 = tpu.memref_squeeze %dma_wait3A_191 : memref<1x40x128xi32, #tpu.memory_space<hbm>> -> memref<40x128xi32, #tpu.memory_space<hbm>>
      %dma_wait3A_193 = arith.constant 0 : i32
      %dma_wait3A_194 = arith.constant 0 : i32
      %dma_wait3A_195 = tpu.memref_slice %arg2[%add3A, %dma_wait3A_193, %dma_wait3A_194] : memref<32x80x128xi32, #tpu.memory_space<hbm>> -> memref<1x40x128xi32, #tpu.memory_space<hbm>>
      %dma_wait3A_196 = tpu.memref_squeeze %dma_wait3A_195 : memref<1x40x128xi32, #tpu.memory_space<hbm>> -> memref<40x128xi32, #tpu.memory_space<hbm>>
      tpu.wait_dma2 semaphore(%run_scoped3A_180 : memref<!tpu.dma_semaphore, #tpu.memory_space<semaphore_mem>>) src(%dma_wait3A_196 : memref<40x128xi32, #tpu.memory_space<hbm>>) dst(%arg7 : memref<40x128xi32, #tpu.memory_space<vmem>>)
      tpu.yield
    }) : () -> ()
    "tpu.region"() ({
      %run_scoped3A_180 = tpu.sem_alloc : memref<!tpu.dma_semaphore, #tpu.memory_space<semaphore_mem>>
      %dma_start3A_181 = arith.constant 0 : i32
      %dma_start3A_182 = arith.constant 0 : i32
      %dma_start3A_183 = tpu.memref_slice %arg3[%add3A, %dma_start3A_181, %dma_start3A_182] : memref<32x80x128xi32, #tpu.memory_space<hbm>> -> memref<1x40x128xi32, #tpu.memory_space<hbm>>
      %dma_start3A_184 = tpu.memref_squeeze %dma_start3A_183 : memref<1x40x128xi32, #tpu.memory_space<hbm>> -> memref<40x128xi32, #tpu.memory_space<hbm>>
      %dma_start3A_185 = arith.constant 0 : i32
      %dma_start3A_186 = arith.constant 0 : i32
      %dma_start3A_187 = tpu.memref_slice %arg3[%add3A, %dma_start3A_185, %dma_start3A_186] : memref<32x80x128xi32, #tpu.memory_space<hbm>> -> memref<1x40x128xi32, #tpu.memory_space<hbm>>
      %dma_start3A_188 = tpu.memref_squeeze %dma_start3A_187 : memref<1x40x128xi32, #tpu.memory_space<hbm>> -> memref<40x128xi32, #tpu.memory_space<hbm>>
      tpu.enqueue_dma source(%dma_start3A_188 : memref<40x128xi32, #tpu.memory_space<hbm>>) target(%arg8 : memref<40x128xi32, #tpu.memory_space<vmem>>) target_semaphore(%run_scoped3A_180 : memref<!tpu.dma_semaphore, #tpu.memory_space<semaphore_mem>>)
      %dma_wait3A_189 = arith.constant 0 : i32
      %dma_wait3A_190 = arith.constant 0 : i32
      %dma_wait3A_191 = tpu.memref_slice %arg3[%add3A, %dma_wait3A_189, %dma_wait3A_190] : memref<32x80x128xi32, #tpu.memory_space<hbm>> -> memref<1x40x128xi32, #tpu.memory_space<hbm>>
      %dma_wait3A_192 = tpu.memref_squeeze %dma_wait3A_191 : memref<1x40x128xi32, #tpu.memory_space<hbm>> -> memref<40x128xi32, #tpu.memory_space<hbm>>
      %dma_wait3A_193 = arith.constant 0 : i32
      %dma_wait3A_194 = arith.constant 0 : i32
      %dma_wait3A_195 = tpu.memref_slice %arg3[%add3A, %dma_wait3A_193, %dma_wait3A_194] : memref<32x80x128xi32, #tpu.memory_space<hbm>> -> memref<1x40x128xi32, #tpu.memory_space<hbm>>
      %dma_wait3A_196 = tpu.memref_squeeze %dma_wait3A_195 : memref<1x40x128xi32, #tpu.memory_space<hbm>> -> memref<40x128xi32, #tpu.memory_space<hbm>>
      tpu.wait_dma2 semaphore(%run_scoped3A_180 : memref<!tpu.dma_semaphore, #tpu.memory_space<semaphore_mem>>) src(%dma_wait3A_196 : memref<40x128xi32, #tpu.memory_space<hbm>>) dst(%arg8 : memref<40x128xi32, #tpu.memory_space<vmem>>)
      tpu.yield
    }) : () -> ()
    %dma_start3A = arith.constant 0 : i32
    %dma_start3A_3 = arith.constant 0 : i32
    %dma_start3A_4 = arith.constant 0 : i32
    %dma_start3A_5 = tpu.memref_slice %arg9[%dma_start3A_3, %dma_start3A_4] : memref<128x128xf32, #tpu.memory_space<vmem>> -> memref<64x128xf32, #tpu.memory_space<vmem>>
    %dma_start3A_6 = arith.constant 0 : i32
    %dma_start3A_7 = tpu.memref_slice %arg7[%dma_start3A, %dma_start3A_6] : memref<40x128xi32, #tpu.memory_space<vmem>> -> memref<1x64xi32, #tpu.memory_space<vmem>>
    %dma_start3A_8 = tpu.memref_squeeze %dma_start3A_7 : memref<1x64xi32, #tpu.memory_space<vmem>> -> memref<64xi32, #tpu.memory_space<vmem>>
    %dma_start3A_9 = arith.constant 0 : i32
    %dma_start3A_10 = arith.constant 0 : i32
    %dma_start3A_11 = tpu.memref_slice %arg4[%dma_start3A_9, %dma_start3A_10] : memref<10000x128xf32, #tpu.memory_space<hbm>> -> memref<10000x128xf32, #tpu.memory_space<hbm>>
    tpu.enqueue_indirect_dma source(%dma_start3A_11 : memref<10000x128xf32, #tpu.memory_space<hbm>>) target(%dma_start3A_5 : memref<64x128xf32, #tpu.memory_space<vmem>>) offsets(%dma_start3A_8 : memref<64xi32, #tpu.memory_space<vmem>>) semaphore(%arg12 : memref<!tpu.dma_semaphore, #tpu.memory_space<semaphore_mem>>)
    %dma_start3A_12 = arith.constant 0 : i32
    %dma_start3A_13 = arith.constant 64 : i32
    %dma_start3A_14 = arith.constant 0 : i32
    %dma_start3A_15 = tpu.memref_slice %arg9[%dma_start3A_13, %dma_start3A_14] : memref<128x128xf32, #tpu.memory_space<vmem>> -> memref<64x128xf32, #tpu.memory_space<vmem>>
    %dma_start3A_16 = arith.constant 64 : i32
    %dma_start3A_17 = tpu.memref_slice %arg7[%dma_start3A_12, %dma_start3A_16] : memref<40x128xi32, #tpu.memory_space<vmem>> -> memref<1x64xi32, #tpu.memory_space<vmem>>
    %dma_start3A_18 = tpu.memref_squeeze %dma_start3A_17 : memref<1x64xi32, #tpu.memory_space<vmem>> -> memref<64xi32, #tpu.memory_space<vmem>>
    %dma_start3A_19 = arith.constant 0 : i32
    %dma_start3A_20 = arith.constant 0 : i32
    %dma_start3A_21 = tpu.memref_slice %arg4[%dma_start3A_19, %dma_start3A_20] : memref<10000x128xf32, #tpu.memory_space<hbm>> -> memref<10000x128xf32, #tpu.memory_space<hbm>>
    tpu.enqueue_indirect_dma source(%dma_start3A_21 : memref<10000x128xf32, #tpu.memory_space<hbm>>) target(%dma_start3A_15 : memref<64x128xf32, #tpu.memory_space<vmem>>) offsets(%dma_start3A_18 : memref<64xi32, #tpu.memory_space<vmem>>) semaphore(%arg13 : memref<!tpu.dma_semaphore, #tpu.memory_space<semaphore_mem>>)
    %dma_wait3A = arith.constant 0 : i32
    %dma_wait3A_22 = arith.constant 0 : i32
    %dma_wait3A_23 = arith.constant 0 : i32
    %dma_wait3A_24 = tpu.memref_slice %arg9[%dma_wait3A_22, %dma_wait3A_23] : memref<128x128xf32, #tpu.memory_space<vmem>> -> memref<64x128xf32, #tpu.memory_space<vmem>>
    %dma_wait3A_25 = arith.constant 0 : i32
    %dma_wait3A_26 = tpu.memref_slice %arg7[%dma_wait3A, %dma_wait3A_25] : memref<40x128xi32, #tpu.memory_space<vmem>> -> memref<1x64xi32, #tpu.memory_space<vmem>>
    %dma_wait3A_27 = tpu.memref_squeeze %dma_wait3A_26 : memref<1x64xi32, #tpu.memory_space<vmem>> -> memref<64xi32, #tpu.memory_space<vmem>>
    %dma_wait3A_28 = arith.constant 0 : i32
    %dma_wait3A_29 = arith.constant 0 : i32
    %dma_wait3A_30 = tpu.memref_slice %arg4[%dma_wait3A_28, %dma_wait3A_29] : memref<10000x128xf32, #tpu.memory_space<hbm>> -> memref<10000x128xf32, #tpu.memory_space<hbm>>
    tpu.wait_indirect_dma semaphore(%arg12 : memref<!tpu.dma_semaphore, #tpu.memory_space<semaphore_mem>>) src(%dma_wait3A_30 : memref<10000x128xf32, #tpu.memory_space<hbm>>) dst(%dma_wait3A_24 : memref<64x128xf32, #tpu.memory_space<vmem>>)
    %dma_wait3A_31 = arith.constant 0 : i32
    %dma_wait3A_32 = arith.constant 64 : i32
    %dma_wait3A_33 = arith.constant 0 : i32
    %dma_wait3A_34 = tpu.memref_slice %arg9[%dma_wait3A_32, %dma_wait3A_33] : memref<128x128xf32, #tpu.memory_space<vmem>> -> memref<64x128xf32, #tpu.memory_space<vmem>>
    %dma_wait3A_35 = arith.constant 64 : i32
    %dma_wait3A_36 = tpu.memref_slice %arg7[%dma_wait3A_31, %dma_wait3A_35] : memref<40x128xi32, #tpu.memory_space<vmem>> -> memref<1x64xi32, #tpu.memory_space<vmem>>
    %dma_wait3A_37 = tpu.memref_squeeze %dma_wait3A_36 : memref<1x64xi32, #tpu.memory_space<vmem>> -> memref<64xi32, #tpu.memory_space<vmem>>
    %dma_wait3A_38 = arith.constant 0 : i32
    %dma_wait3A_39 = arith.constant 0 : i32
    %dma_wait3A_40 = tpu.memref_slice %arg4[%dma_wait3A_38, %dma_wait3A_39] : memref<10000x128xf32, #tpu.memory_space<hbm>> -> memref<10000x128xf32, #tpu.memory_space<hbm>>
    tpu.wait_indirect_dma semaphore(%arg13 : memref<!tpu.dma_semaphore, #tpu.memory_space<semaphore_mem>>) src(%dma_wait3A_40 : memref<10000x128xf32, #tpu.memory_space<hbm>>) dst(%dma_wait3A_34 : memref<64x128xf32, #tpu.memory_space<vmem>>)
    %scan3A = arith.constant 0 : i32
    %scan3A_41 = arith.constant 0 : i32
    %scan3A_42 = arith.constant 19 : i32
    %scan3A_43 = arith.addi %scan3A_41, %scan3A_42 : i32
    %scan3A_44 = arith.constant 1 : i32
    scf.for %scan3A_180 = %scan3A_41 to %scan3A_43 step %scan3A_44  : i32 {
      %mul3A_181 = arith.constant 2 : i32
      %mul3A_182 = arith.muli %mul3A_181, %scan3A_180 : i32
      %add3A_183 = arith.constant 1 : i32
      %add3A_184 = arith.addi %mul3A_182, %add3A_183 : i32
      %dma_start3A_185 = arith.constant 0 : i32
      %dma_start3A_186 = arith.constant 0 : i32
      %dma_start3A_187 = tpu.memref_slice %arg10[%dma_start3A_185, %dma_start3A_186] : memref<128x128xf32, #tpu.memory_space<vmem>> -> memref<64x128xf32, #tpu.memory_space<vmem>>
      %dma_start3A_188 = arith.constant 0 : i32
      %dma_start3A_189 = tpu.memref_slice %arg7[%add3A_184, %dma_start3A_188] : memref<40x128xi32, #tpu.memory_space<vmem>> -> memref<1x64xi32, #tpu.memory_space<vmem>>
      %dma_start3A_190 = tpu.memref_squeeze %dma_start3A_189 : memref<1x64xi32, #tpu.memory_space<vmem>> -> memref<64xi32, #tpu.memory_space<vmem>>
      %dma_start3A_191 = arith.constant 0 : i32
      %dma_start3A_192 = arith.constant 0 : i32
      %dma_start3A_193 = tpu.memref_slice %arg4[%dma_start3A_191, %dma_start3A_192] : memref<10000x128xf32, #tpu.memory_space<hbm>> -> memref<10000x128xf32, #tpu.memory_space<hbm>>
      tpu.enqueue_indirect_dma source(%dma_start3A_193 : memref<10000x128xf32, #tpu.memory_space<hbm>>) target(%dma_start3A_187 : memref<64x128xf32, #tpu.memory_space<vmem>>) offsets(%dma_start3A_190 : memref<64xi32, #tpu.memory_space<vmem>>) semaphore(%arg12 : memref<!tpu.dma_semaphore, #tpu.memory_space<semaphore_mem>>)
      %dma_start3A_194 = arith.constant 64 : i32
      %dma_start3A_195 = arith.constant 0 : i32
      %dma_start3A_196 = tpu.memref_slice %arg10[%dma_start3A_194, %dma_start3A_195] : memref<128x128xf32, #tpu.memory_space<vmem>> -> memref<64x128xf32, #tpu.memory_space<vmem>>
      %dma_start3A_197 = arith.constant 64 : i32
      %dma_start3A_198 = tpu.memref_slice %arg7[%add3A_184, %dma_start3A_197] : memref<40x128xi32, #tpu.memory_space<vmem>> -> memref<1x64xi32, #tpu.memory_space<vmem>>
      %dma_start3A_199 = tpu.memref_squeeze %dma_start3A_198 : memref<1x64xi32, #tpu.memory_space<vmem>> -> memref<64xi32, #tpu.memory_space<vmem>>
      %dma_start3A_200 = arith.constant 0 : i32
      %dma_start3A_201 = arith.constant 0 : i32
      %dma_start3A_202 = tpu.memref_slice %arg4[%dma_start3A_200, %dma_start3A_201] : memref<10000x128xf32, #tpu.memory_space<hbm>> -> memref<10000x128xf32, #tpu.memory_space<hbm>>
      tpu.enqueue_indirect_dma source(%dma_start3A_202 : memref<10000x128xf32, #tpu.memory_space<hbm>>) target(%dma_start3A_196 : memref<64x128xf32, #tpu.memory_space<vmem>>) offsets(%dma_start3A_199 : memref<64xi32, #tpu.memory_space<vmem>>) semaphore(%arg13 : memref<!tpu.dma_semaphore, #tpu.memory_space<semaphore_mem>>)
      "tpu.region"() ({
        %run_scoped3A_261 = tpu.sem_alloc : memref<!tpu.dma_semaphore, #tpu.memory_space<semaphore_mem>>
        %dma_start3A_262 = arith.constant 0 : i32
        %dma_start3A_263 = tpu.memref_slice %arg8[%mul3A_182, %dma_start3A_262] : memref<40x128xi32, #tpu.memory_space<vmem>> -> memref<1x128xi32, #tpu.memory_space<vmem>>
        %dma_start3A_264 = tpu.memref_squeeze %dma_start3A_263 : memref<1x128xi32, #tpu.memory_space<vmem>> -> memref<128xi32, #tpu.memory_space<vmem>>
        %dma_start3A_265 = arith.constant 0 : i32
        %dma_start3A_266 = arith.constant 0 : i32
        %dma_start3A_267 = tpu.memref_slice %arg11[%dma_start3A_265, %dma_start3A_266] : memref<10240x128xf32, #tpu.memory_space<vmem_shared>> -> memref<10240x128xf32, #tpu.memory_space<vmem_shared>>
        tpu.enqueue_indirect_dma source(%arg9 : memref<128x128xf32, #tpu.memory_space<vmem>>) target(%dma_start3A_267 : memref<10240x128xf32, #tpu.memory_space<vmem_shared>>) offsets(%dma_start3A_264 : memref<128xi32, #tpu.memory_space<vmem>>) semaphore(%run_scoped3A_261 : memref<!tpu.dma_semaphore, #tpu.memory_space<semaphore_mem>>) {add = true}
        %dma_wait3A_268 = arith.constant 0 : i32
        %dma_wait3A_269 = tpu.memref_slice %arg8[%mul3A_182, %dma_wait3A_268] : memref<40x128xi32, #tpu.memory_space<vmem>> -> memref<1x128xi32, #tpu.memory_space<vmem>>
        %dma_wait3A_270 = tpu.memref_squeeze %dma_wait3A_269 : memref<1x128xi32, #tpu.memory_space<vmem>> -> memref<128xi32, #tpu.memory_space<vmem>>
        %dma_wait3A_271 = arith.constant 0 : i32
        %dma_wait3A_272 = arith.constant 0 : i32
        %dma_wait3A_273 = tpu.memref_slice %arg11[%dma_wait3A_271, %dma_wait3A_272] : memref<10240x128xf32, #tpu.memory_space<vmem_shared>> -> memref<10240x128xf32, #tpu.memory_space<vmem_shared>>
        tpu.wait_indirect_dma semaphore(%run_scoped3A_261 : memref<!tpu.dma_semaphore, #tpu.memory_space<semaphore_mem>>) src(%arg9 : memref<128x128xf32, #tpu.memory_space<vmem>>) dst(%dma_wait3A_273 : memref<10240x128xf32, #tpu.memory_space<vmem_shared>>)
        tpu.yield
      }) : () -> ()
      %dma_wait3A_203 = arith.constant 0 : i32
      %dma_wait3A_204 = arith.constant 0 : i32
      %dma_wait3A_205 = tpu.memref_slice %arg10[%dma_wait3A_203, %dma_wait3A_204] : memref<128x128xf32, #tpu.memory_space<vmem>> -> memref<64x128xf32, #tpu.memory_space<vmem>>
      %dma_wait3A_206 = arith.constant 0 : i32
      %dma_wait3A_207 = tpu.memref_slice %arg7[%add3A_184, %dma_wait3A_206] : memref<40x128xi32, #tpu.memory_space<vmem>> -> memref<1x64xi32, #tpu.memory_space<vmem>>
      %dma_wait3A_208 = tpu.memref_squeeze %dma_wait3A_207 : memref<1x64xi32, #tpu.memory_space<vmem>> -> memref<64xi32, #tpu.memory_space<vmem>>
      %dma_wait3A_209 = arith.constant 0 : i32
      %dma_wait3A_210 = arith.constant 0 : i32
      %dma_wait3A_211 = tpu.memref_slice %arg4[%dma_wait3A_209, %dma_wait3A_210] : memref<10000x128xf32, #tpu.memory_space<hbm>> -> memref<10000x128xf32, #tpu.memory_space<hbm>>
      tpu.wait_indirect_dma semaphore(%arg12 : memref<!tpu.dma_semaphore, #tpu.memory_space<semaphore_mem>>) src(%dma_wait3A_211 : memref<10000x128xf32, #tpu.memory_space<hbm>>) dst(%dma_wait3A_205 : memref<64x128xf32, #tpu.memory_space<vmem>>)
      %dma_wait3A_212 = arith.constant 64 : i32
      %dma_wait3A_213 = arith.constant 0 : i32
      %dma_wait3A_214 = tpu.memref_slice %arg10[%dma_wait3A_212, %dma_wait3A_213] : memref<128x128xf32, #tpu.memory_space<vmem>> -> memref<64x128xf32, #tpu.memory_space<vmem>>
      %dma_wait3A_215 = arith.constant 64 : i32
      %dma_wait3A_216 = tpu.memref_slice %arg7[%add3A_184, %dma_wait3A_215] : memref<40x128xi32, #tpu.memory_space<vmem>> -> memref<1x64xi32, #tpu.memory_space<vmem>>
      %dma_wait3A_217 = tpu.memref_squeeze %dma_wait3A_216 : memref<1x64xi32, #tpu.memory_space<vmem>> -> memref<64xi32, #tpu.memory_space<vmem>>
      %dma_wait3A_218 = arith.constant 0 : i32
      %dma_wait3A_219 = arith.constant 0 : i32
      %dma_wait3A_220 = tpu.memref_slice %arg4[%dma_wait3A_218, %dma_wait3A_219] : memref<10000x128xf32, #tpu.memory_space<hbm>> -> memref<10000x128xf32, #tpu.memory_space<hbm>>
      tpu.wait_indirect_dma semaphore(%arg13 : memref<!tpu.dma_semaphore, #tpu.memory_space<semaphore_mem>>) src(%dma_wait3A_220 : memref<10000x128xf32, #tpu.memory_space<hbm>>) dst(%dma_wait3A_214 : memref<64x128xf32, #tpu.memory_space<vmem>>)
      %add3A_221 = arith.constant 2 : i32
      %add3A_222 = arith.addi %mul3A_182, %add3A_221 : i32
      %dma_start3A_223 = arith.constant 0 : i32
      %dma_start3A_224 = arith.constant 0 : i32
      %dma_start3A_225 = tpu.memref_slice %arg9[%dma_start3A_223, %dma_start3A_224] : memref<128x128xf32, #tpu.memory_space<vmem>> -> memref<64x128xf32, #tpu.memory_space<vmem>>
      %dma_start3A_226 = arith.constant 0 : i32
      %dma_start3A_227 = tpu.memref_slice %arg7[%add3A_222, %dma_start3A_226] : memref<40x128xi32, #tpu.memory_space<vmem>> -> memref<1x64xi32, #tpu.memory_space<vmem>>
      %dma_start3A_228 = tpu.memref_squeeze %dma_start3A_227 : memref<1x64xi32, #tpu.memory_space<vmem>> -> memref<64xi32, #tpu.memory_space<vmem>>
      %dma_start3A_229 = arith.constant 0 : i32
      %dma_start3A_230 = arith.constant 0 : i32
      %dma_start3A_231 = tpu.memref_slice %arg4[%dma_start3A_229, %dma_start3A_230] : memref<10000x128xf32, #tpu.memory_space<hbm>> -> memref<10000x128xf32, #tpu.memory_space<hbm>>
      tpu.enqueue_indirect_dma source(%dma_start3A_231 : memref<10000x128xf32, #tpu.memory_space<hbm>>) target(%dma_start3A_225 : memref<64x128xf32, #tpu.memory_space<vmem>>) offsets(%dma_start3A_228 : memref<64xi32, #tpu.memory_space<vmem>>) semaphore(%arg12 : memref<!tpu.dma_semaphore, #tpu.memory_space<semaphore_mem>>)
      %dma_start3A_232 = arith.constant 64 : i32
      %dma_start3A_233 = arith.constant 0 : i32
      %dma_start3A_234 = tpu.memref_slice %arg9[%dma_start3A_232, %dma_start3A_233] : memref<128x128xf32, #tpu.memory_space<vmem>> -> memref<64x128xf32, #tpu.memory_space<vmem>>
      %dma_start3A_235 = arith.constant 64 : i32
      %dma_start3A_236 = tpu.memref_slice %arg7[%add3A_222, %dma_start3A_235] : memref<40x128xi32, #tpu.memory_space<vmem>> -> memref<1x64xi32, #tpu.memory_space<vmem>>
      %dma_start3A_237 = tpu.memref_squeeze %dma_start3A_236 : memref<1x64xi32, #tpu.memory_space<vmem>> -> memref<64xi32, #tpu.memory_space<vmem>>
      %dma_start3A_238 = arith.constant 0 : i32
      %dma_start3A_239 = arith.constant 0 : i32
      %dma_start3A_240 = tpu.memref_slice %arg4[%dma_start3A_238, %dma_start3A_239] : memref<10000x128xf32, #tpu.memory_space<hbm>> -> memref<10000x128xf32, #tpu.memory_space<hbm>>
      tpu.enqueue_indirect_dma source(%dma_start3A_240 : memref<10000x128xf32, #tpu.memory_space<hbm>>) target(%dma_start3A_234 : memref<64x128xf32, #tpu.memory_space<vmem>>) offsets(%dma_start3A_237 : memref<64xi32, #tpu.memory_space<vmem>>) semaphore(%arg13 : memref<!tpu.dma_semaphore, #tpu.memory_space<semaphore_mem>>)
      %add3A_241 = arith.constant 1 : i32
      %add3A_242 = arith.addi %mul3A_182, %add3A_241 : i32
      "tpu.region"() ({
        %run_scoped3A_261 = tpu.sem_alloc : memref<!tpu.dma_semaphore, #tpu.memory_space<semaphore_mem>>
        %dma_start3A_262 = arith.constant 0 : i32
        %dma_start3A_263 = tpu.memref_slice %arg8[%add3A_242, %dma_start3A_262] : memref<40x128xi32, #tpu.memory_space<vmem>> -> memref<1x128xi32, #tpu.memory_space<vmem>>
        %dma_start3A_264 = tpu.memref_squeeze %dma_start3A_263 : memref<1x128xi32, #tpu.memory_space<vmem>> -> memref<128xi32, #tpu.memory_space<vmem>>
        %dma_start3A_265 = arith.constant 0 : i32
        %dma_start3A_266 = arith.constant 0 : i32
        %dma_start3A_267 = tpu.memref_slice %arg11[%dma_start3A_265, %dma_start3A_266] : memref<10240x128xf32, #tpu.memory_space<vmem_shared>> -> memref<10240x128xf32, #tpu.memory_space<vmem_shared>>
        tpu.enqueue_indirect_dma source(%arg10 : memref<128x128xf32, #tpu.memory_space<vmem>>) target(%dma_start3A_267 : memref<10240x128xf32, #tpu.memory_space<vmem_shared>>) offsets(%dma_start3A_264 : memref<128xi32, #tpu.memory_space<vmem>>) semaphore(%run_scoped3A_261 : memref<!tpu.dma_semaphore, #tpu.memory_space<semaphore_mem>>) {add = true}
        %dma_wait3A_268 = arith.constant 0 : i32
        %dma_wait3A_269 = tpu.memref_slice %arg8[%add3A_242, %dma_wait3A_268] : memref<40x128xi32, #tpu.memory_space<vmem>> -> memref<1x128xi32, #tpu.memory_space<vmem>>
        %dma_wait3A_270 = tpu.memref_squeeze %dma_wait3A_269 : memref<1x128xi32, #tpu.memory_space<vmem>> -> memref<128xi32, #tpu.memory_space<vmem>>
        %dma_wait3A_271 = arith.constant 0 : i32
        %dma_wait3A_272 = arith.constant 0 : i32
        %dma_wait3A_273 = tpu.memref_slice %arg11[%dma_wait3A_271, %dma_wait3A_272] : memref<10240x128xf32, #tpu.memory_space<vmem_shared>> -> memref<10240x128xf32, #tpu.memory_space<vmem_shared>>
        tpu.wait_indirect_dma semaphore(%run_scoped3A_261 : memref<!tpu.dma_semaphore, #tpu.memory_space<semaphore_mem>>) src(%arg10 : memref<128x128xf32, #tpu.memory_space<vmem>>) dst(%dma_wait3A_273 : memref<10240x128xf32, #tpu.memory_space<vmem_shared>>)
        tpu.yield
      }) : () -> ()
      %dma_wait3A_243 = arith.constant 0 : i32
      %dma_wait3A_244 = arith.constant 0 : i32
      %dma_wait3A_245 = tpu.memref_slice %arg9[%dma_wait3A_243, %dma_wait3A_244] : memref<128x128xf32, #tpu.memory_space<vmem>> -> memref<64x128xf32, #tpu.memory_space<vmem>>
      %dma_wait3A_246 = arith.constant 0 : i32
      %dma_wait3A_247 = tpu.memref_slice %arg7[%add3A_222, %dma_wait3A_246] : memref<40x128xi32, #tpu.memory_space<vmem>> -> memref<1x64xi32, #tpu.memory_space<vmem>>
      %dma_wait3A_248 = tpu.memref_squeeze %dma_wait3A_247 : memref<1x64xi32, #tpu.memory_space<vmem>> -> memref<64xi32, #tpu.memory_space<vmem>>
      %dma_wait3A_249 = arith.constant 0 : i32
      %dma_wait3A_250 = arith.constant 0 : i32
      %dma_wait3A_251 = tpu.memref_slice %arg4[%dma_wait3A_249, %dma_wait3A_250] : memref<10000x128xf32, #tpu.memory_space<hbm>> -> memref<10000x128xf32, #tpu.memory_space<hbm>>
      tpu.wait_indirect_dma semaphore(%arg12 : memref<!tpu.dma_semaphore, #tpu.memory_space<semaphore_mem>>) src(%dma_wait3A_251 : memref<10000x128xf32, #tpu.memory_space<hbm>>) dst(%dma_wait3A_245 : memref<64x128xf32, #tpu.memory_space<vmem>>)
      %dma_wait3A_252 = arith.constant 64 : i32
      %dma_wait3A_253 = arith.constant 0 : i32
      %dma_wait3A_254 = tpu.memref_slice %arg9[%dma_wait3A_252, %dma_wait3A_253] : memref<128x128xf32, #tpu.memory_space<vmem>> -> memref<64x128xf32, #tpu.memory_space<vmem>>
      %dma_wait3A_255 = arith.constant 64 : i32
      %dma_wait3A_256 = tpu.memref_slice %arg7[%add3A_222, %dma_wait3A_255] : memref<40x128xi32, #tpu.memory_space<vmem>> -> memref<1x64xi32, #tpu.memory_space<vmem>>
      %dma_wait3A_257 = tpu.memref_squeeze %dma_wait3A_256 : memref<1x64xi32, #tpu.memory_space<vmem>> -> memref<64xi32, #tpu.memory_space<vmem>>
      %dma_wait3A_258 = arith.constant 0 : i32
      %dma_wait3A_259 = arith.constant 0 : i32
      %dma_wait3A_260 = tpu.memref_slice %arg4[%dma_wait3A_258, %dma_wait3A_259] : memref<10000x128xf32, #tpu.memory_space<hbm>> -> memref<10000x128xf32, #tpu.memory_space<hbm>>
      tpu.wait_indirect_dma semaphore(%arg13 : memref<!tpu.dma_semaphore, #tpu.memory_space<semaphore_mem>>) src(%dma_wait3A_260 : memref<10000x128xf32, #tpu.memory_space<hbm>>) dst(%dma_wait3A_254 : memref<64x128xf32, #tpu.memory_space<vmem>>)
    }
    %scan3A_45 = arith.constant 19 : i32
    %dma_start3A_46 = arith.constant 39 : i32
    %dma_start3A_47 = arith.constant 0 : i32
    %dma_start3A_48 = arith.constant 0 : i32
    %dma_start3A_49 = tpu.memref_slice %arg10[%dma_start3A_47, %dma_start3A_48] : memref<128x128xf32, #tpu.memory_space<vmem>> -> memref<64x128xf32, #tpu.memory_space<vmem>>
    %dma_start3A_50 = arith.constant 0 : i32
    %dma_start3A_51 = tpu.memref_slice %arg7[%dma_start3A_46, %dma_start3A_50] : memref<40x128xi32, #tpu.memory_space<vmem>> -> memref<1x64xi32, #tpu.memory_space<vmem>>
    %dma_start3A_52 = tpu.memref_squeeze %dma_start3A_51 : memref<1x64xi32, #tpu.memory_space<vmem>> -> memref<64xi32, #tpu.memory_space<vmem>>
    %dma_start3A_53 = arith.constant 0 : i32
    %dma_start3A_54 = arith.constant 0 : i32
    %dma_start3A_55 = tpu.memref_slice %arg4[%dma_start3A_53, %dma_start3A_54] : memref<10000x128xf32, #tpu.memory_space<hbm>> -> memref<10000x128xf32, #tpu.memory_space<hbm>>
    tpu.enqueue_indirect_dma source(%dma_start3A_55 : memref<10000x128xf32, #tpu.memory_space<hbm>>) target(%dma_start3A_49 : memref<64x128xf32, #tpu.memory_space<vmem>>) offsets(%dma_start3A_52 : memref<64xi32, #tpu.memory_space<vmem>>) semaphore(%arg12 : memref<!tpu.dma_semaphore, #tpu.memory_space<semaphore_mem>>)
    %dma_start3A_56 = arith.constant 39 : i32
    %dma_start3A_57 = arith.constant 64 : i32
    %dma_start3A_58 = arith.constant 0 : i32
    %dma_start3A_59 = tpu.memref_slice %arg10[%dma_start3A_57, %dma_start3A_58] : memref<128x128xf32, #tpu.memory_space<vmem>> -> memref<64x128xf32, #tpu.memory_space<vmem>>
    %dma_start3A_60 = arith.constant 64 : i32
    %dma_start3A_61 = tpu.memref_slice %arg7[%dma_start3A_56, %dma_start3A_60] : memref<40x128xi32, #tpu.memory_space<vmem>> -> memref<1x64xi32, #tpu.memory_space<vmem>>
    %dma_start3A_62 = tpu.memref_squeeze %dma_start3A_61 : memref<1x64xi32, #tpu.memory_space<vmem>> -> memref<64xi32, #tpu.memory_space<vmem>>
    %dma_start3A_63 = arith.constant 0 : i32
    %dma_start3A_64 = arith.constant 0 : i32
    %dma_start3A_65 = tpu.memref_slice %arg4[%dma_start3A_63, %dma_start3A_64] : memref<10000x128xf32, #tpu.memory_space<hbm>> -> memref<10000x128xf32, #tpu.memory_space<hbm>>
    tpu.enqueue_indirect_dma source(%dma_start3A_65 : memref<10000x128xf32, #tpu.memory_space<hbm>>) target(%dma_start3A_59 : memref<64x128xf32, #tpu.memory_space<vmem>>) offsets(%dma_start3A_62 : memref<64xi32, #tpu.memory_space<vmem>>) semaphore(%arg13 : memref<!tpu.dma_semaphore, #tpu.memory_space<semaphore_mem>>)
    %run_scoped3A = arith.constant 38 : i32
    "tpu.region"() ({
      %run_scoped3A_180 = tpu.sem_alloc : memref<!tpu.dma_semaphore, #tpu.memory_space<semaphore_mem>>
      %dma_start3A_181 = arith.constant 0 : i32
      %dma_start3A_182 = tpu.memref_slice %arg8[%run_scoped3A, %dma_start3A_181] : memref<40x128xi32, #tpu.memory_space<vmem>> -> memref<1x128xi32, #tpu.memory_space<vmem>>
      %dma_start3A_183 = tpu.memref_squeeze %dma_start3A_182 : memref<1x128xi32, #tpu.memory_space<vmem>> -> memref<128xi32, #tpu.memory_space<vmem>>
      %dma_start3A_184 = arith.constant 0 : i32
      %dma_start3A_185 = arith.constant 0 : i32
      %dma_start3A_186 = tpu.memref_slice %arg11[%dma_start3A_184, %dma_start3A_185] : memref<10240x128xf32, #tpu.memory_space<vmem_shared>> -> memref<10240x128xf32, #tpu.memory_space<vmem_shared>>
      tpu.enqueue_indirect_dma source(%arg9 : memref<128x128xf32, #tpu.memory_space<vmem>>) target(%dma_start3A_186 : memref<10240x128xf32, #tpu.memory_space<vmem_shared>>) offsets(%dma_start3A_183 : memref<128xi32, #tpu.memory_space<vmem>>) semaphore(%run_scoped3A_180 : memref<!tpu.dma_semaphore, #tpu.memory_space<semaphore_mem>>) {add = true}
      %dma_wait3A_187 = arith.constant 0 : i32
      %dma_wait3A_188 = tpu.memref_slice %arg8[%run_scoped3A, %dma_wait3A_187] : memref<40x128xi32, #tpu.memory_space<vmem>> -> memref<1x128xi32, #tpu.memory_space<vmem>>
      %dma_wait3A_189 = tpu.memref_squeeze %dma_wait3A_188 : memref<1x128xi32, #tpu.memory_space<vmem>> -> memref<128xi32, #tpu.memory_space<vmem>>
      %dma_wait3A_190 = arith.constant 0 : i32
      %dma_wait3A_191 = arith.constant 0 : i32
      %dma_wait3A_192 = tpu.memref_slice %arg11[%dma_wait3A_190, %dma_wait3A_191] : memref<10240x128xf32, #tpu.memory_space<vmem_shared>> -> memref<10240x128xf32, #tpu.memory_space<vmem_shared>>
      tpu.wait_indirect_dma semaphore(%run_scoped3A_180 : memref<!tpu.dma_semaphore, #tpu.memory_space<semaphore_mem>>) src(%arg9 : memref<128x128xf32, #tpu.memory_space<vmem>>) dst(%dma_wait3A_192 : memref<10240x128xf32, #tpu.memory_space<vmem_shared>>)
      tpu.yield
    }) : () -> ()
    %dma_wait3A_66 = arith.constant 39 : i32
    %dma_wait3A_67 = arith.constant 0 : i32
    %dma_wait3A_68 = arith.constant 0 : i32
    %dma_wait3A_69 = tpu.memref_slice %arg10[%dma_wait3A_67, %dma_wait3A_68] : memref<128x128xf32, #tpu.memory_space<vmem>> -> memref<64x128xf32, #tpu.memory_space<vmem>>
    %dma_wait3A_70 = arith.constant 0 : i32
    %dma_wait3A_71 = tpu.memref_slice %arg7[%dma_wait3A_66, %dma_wait3A_70] : memref<40x128xi32, #tpu.memory_space<vmem>> -> memref<1x64xi32, #tpu.memory_space<vmem>>
    %dma_wait3A_72 = tpu.memref_squeeze %dma_wait3A_71 : memref<1x64xi32, #tpu.memory_space<vmem>> -> memref<64xi32, #tpu.memory_space<vmem>>
    %dma_wait3A_73 = arith.constant 0 : i32
    %dma_wait3A_74 = arith.constant 0 : i32
    %dma_wait3A_75 = tpu.memref_slice %arg4[%dma_wait3A_73, %dma_wait3A_74] : memref<10000x128xf32, #tpu.memory_space<hbm>> -> memref<10000x128xf32, #tpu.memory_space<hbm>>
    tpu.wait_indirect_dma semaphore(%arg12 : memref<!tpu.dma_semaphore, #tpu.memory_space<semaphore_mem>>) src(%dma_wait3A_75 : memref<10000x128xf32, #tpu.memory_space<hbm>>) dst(%dma_wait3A_69 : memref<64x128xf32, #tpu.memory_space<vmem>>)
    %dma_wait3A_76 = arith.constant 39 : i32
    %dma_wait3A_77 = arith.constant 64 : i32
    %dma_wait3A_78 = arith.constant 0 : i32
    %dma_wait3A_79 = tpu.memref_slice %arg10[%dma_wait3A_77, %dma_wait3A_78] : memref<128x128xf32, #tpu.memory_space<vmem>> -> memref<64x128xf32, #tpu.memory_space<vmem>>
    %dma_wait3A_80 = arith.constant 64 : i32
    %dma_wait3A_81 = tpu.memref_slice %arg7[%dma_wait3A_76, %dma_wait3A_80] : memref<40x128xi32, #tpu.memory_space<vmem>> -> memref<1x64xi32, #tpu.memory_space<vmem>>
    %dma_wait3A_82 = tpu.memref_squeeze %dma_wait3A_81 : memref<1x64xi32, #tpu.memory_space<vmem>> -> memref<64xi32, #tpu.memory_space<vmem>>
    %dma_wait3A_83 = arith.constant 0 : i32
    %dma_wait3A_84 = arith.constant 0 : i32
    %dma_wait3A_85 = tpu.memref_slice %arg4[%dma_wait3A_83, %dma_wait3A_84] : memref<10000x128xf32, #tpu.memory_space<hbm>> -> memref<10000x128xf32, #tpu.memory_space<hbm>>
    tpu.wait_indirect_dma semaphore(%arg13 : memref<!tpu.dma_semaphore, #tpu.memory_space<semaphore_mem>>) src(%dma_wait3A_85 : memref<10000x128xf32, #tpu.memory_space<hbm>>) dst(%dma_wait3A_79 : memref<64x128xf32, #tpu.memory_space<vmem>>)
    %run_scoped3A_86 = arith.constant 39 : i32
    "tpu.region"() ({
      %run_scoped3A_180 = tpu.sem_alloc : memref<!tpu.dma_semaphore, #tpu.memory_space<semaphore_mem>>
      %dma_start3A_181 = arith.constant 0 : i32
      %dma_start3A_182 = tpu.memref_slice %arg8[%run_scoped3A_86, %dma_start3A_181] : memref<40x128xi32, #tpu.memory_space<vmem>> -> memref<1x128xi32, #tpu.memory_space<vmem>>
      %dma_start3A_183 = tpu.memref_squeeze %dma_start3A_182 : memref<1x128xi32, #tpu.memory_space<vmem>> -> memref<128xi32, #tpu.memory_space<vmem>>
      %dma_start3A_184 = arith.constant 0 : i32
      %dma_start3A_185 = arith.constant 0 : i32
      %dma_start3A_186 = tpu.memref_slice %arg11[%dma_start3A_184, %dma_start3A_185] : memref<10240x128xf32, #tpu.memory_space<vmem_shared>> -> memref<10240x128xf32, #tpu.memory_space<vmem_shared>>
      tpu.enqueue_indirect_dma source(%arg10 : memref<128x128xf32, #tpu.memory_space<vmem>>) target(%dma_start3A_186 : memref<10240x128xf32, #tpu.memory_space<vmem_shared>>) offsets(%dma_start3A_183 : memref<128xi32, #tpu.memory_space<vmem>>) semaphore(%run_scoped3A_180 : memref<!tpu.dma_semaphore, #tpu.memory_space<semaphore_mem>>) {add = true}
      %dma_wait3A_187 = arith.constant 0 : i32
      %dma_wait3A_188 = tpu.memref_slice %arg8[%run_scoped3A_86, %dma_wait3A_187] : memref<40x128xi32, #tpu.memory_space<vmem>> -> memref<1x128xi32, #tpu.memory_space<vmem>>
      %dma_wait3A_189 = tpu.memref_squeeze %dma_wait3A_188 : memref<1x128xi32, #tpu.memory_space<vmem>> -> memref<128xi32, #tpu.memory_space<vmem>>
      %dma_wait3A_190 = arith.constant 0 : i32
      %dma_wait3A_191 = arith.constant 0 : i32
      %dma_wait3A_192 = tpu.memref_slice %arg11[%dma_wait3A_190, %dma_wait3A_191] : memref<10240x128xf32, #tpu.memory_space<vmem_shared>> -> memref<10240x128xf32, #tpu.memory_space<vmem_shared>>
      tpu.wait_indirect_dma semaphore(%run_scoped3A_180 : memref<!tpu.dma_semaphore, #tpu.memory_space<semaphore_mem>>) src(%arg10 : memref<128x128xf32, #tpu.memory_space<vmem>>) dst(%dma_wait3A_192 : memref<10240x128xf32, #tpu.memory_space<vmem_shared>>)
      tpu.yield
    }) : () -> ()
    "tpu.region"() ({
      %run_scoped3A_180 = tpu.sem_alloc : memref<!tpu.dma_semaphore, #tpu.memory_space<semaphore_mem>>
      %dma_start3A_181 = arith.constant 40 : i32
      %dma_start3A_182 = arith.constant 0 : i32
      %dma_start3A_183 = tpu.memref_slice %arg2[%add3A, %dma_start3A_181, %dma_start3A_182] : memref<32x80x128xi32, #tpu.memory_space<hbm>> -> memref<1x40x128xi32, #tpu.memory_space<hbm>>
      %dma_start3A_184 = tpu.memref_squeeze %dma_start3A_183 : memref<1x40x128xi32, #tpu.memory_space<hbm>> -> memref<40x128xi32, #tpu.memory_space<hbm>>
      %dma_start3A_185 = arith.constant 40 : i32
      %dma_start3A_186 = arith.constant 0 : i32
      %dma_start3A_187 = tpu.memref_slice %arg2[%add3A, %dma_start3A_185, %dma_start3A_186] : memref<32x80x128xi32, #tpu.memory_space<hbm>> -> memref<1x40x128xi32, #tpu.memory_space<hbm>>
      %dma_start3A_188 = tpu.memref_squeeze %dma_start3A_187 : memref<1x40x128xi32, #tpu.memory_space<hbm>> -> memref<40x128xi32, #tpu.memory_space<hbm>>
      tpu.enqueue_dma source(%dma_start3A_188 : memref<40x128xi32, #tpu.memory_space<hbm>>) target(%arg7 : memref<40x128xi32, #tpu.memory_space<vmem>>) target_semaphore(%run_scoped3A_180 : memref<!tpu.dma_semaphore, #tpu.memory_space<semaphore_mem>>)
      %dma_wait3A_189 = arith.constant 40 : i32
      %dma_wait3A_190 = arith.constant 0 : i32
      %dma_wait3A_191 = tpu.memref_slice %arg2[%add3A, %dma_wait3A_189, %dma_wait3A_190] : memref<32x80x128xi32, #tpu.memory_space<hbm>> -> memref<1x40x128xi32, #tpu.memory_space<hbm>>
      %dma_wait3A_192 = tpu.memref_squeeze %dma_wait3A_191 : memref<1x40x128xi32, #tpu.memory_space<hbm>> -> memref<40x128xi32, #tpu.memory_space<hbm>>
      %dma_wait3A_193 = arith.constant 40 : i32
      %dma_wait3A_194 = arith.constant 0 : i32
      %dma_wait3A_195 = tpu.memref_slice %arg2[%add3A, %dma_wait3A_193, %dma_wait3A_194] : memref<32x80x128xi32, #tpu.memory_space<hbm>> -> memref<1x40x128xi32, #tpu.memory_space<hbm>>
      %dma_wait3A_196 = tpu.memref_squeeze %dma_wait3A_195 : memref<1x40x128xi32, #tpu.memory_space<hbm>> -> memref<40x128xi32, #tpu.memory_space<hbm>>
      tpu.wait_dma2 semaphore(%run_scoped3A_180 : memref<!tpu.dma_semaphore, #tpu.memory_space<semaphore_mem>>) src(%dma_wait3A_196 : memref<40x128xi32, #tpu.memory_space<hbm>>) dst(%arg7 : memref<40x128xi32, #tpu.memory_space<vmem>>)
      tpu.yield
    }) : () -> ()
    "tpu.region"() ({
      %run_scoped3A_180 = tpu.sem_alloc : memref<!tpu.dma_semaphore, #tpu.memory_space<semaphore_mem>>
      %dma_start3A_181 = arith.constant 40 : i32
      %dma_start3A_182 = arith.constant 0 : i32
      %dma_start3A_183 = tpu.memref_slice %arg3[%add3A, %dma_start3A_181, %dma_start3A_182] : memref<32x80x128xi32, #tpu.memory_space<hbm>> -> memref<1x40x128xi32, #tpu.memory_space<hbm>>
      %dma_start3A_184 = tpu.memref_squeeze %dma_start3A_183 : memref<1x40x128xi32, #tpu.memory_space<hbm>> -> memref<40x128xi32, #tpu.memory_space<hbm>>
      %dma_start3A_185 = arith.constant 40 : i32
      %dma_start3A_186 = arith.constant 0 : i32
      %dma_start3A_187 = tpu.memref_slice %arg3[%add3A, %dma_start3A_185, %dma_start3A_186] : memref<32x80x128xi32, #tpu.memory_space<hbm>> -> memref<1x40x128xi32, #tpu.memory_space<hbm>>
      %dma_start3A_188 = tpu.memref_squeeze %dma_start3A_187 : memref<1x40x128xi32, #tpu.memory_space<hbm>> -> memref<40x128xi32, #tpu.memory_space<hbm>>
      tpu.enqueue_dma source(%dma_start3A_188 : memref<40x128xi32, #tpu.memory_space<hbm>>) target(%arg8 : memref<40x128xi32, #tpu.memory_space<vmem>>) target_semaphore(%run_scoped3A_180 : memref<!tpu.dma_semaphore, #tpu.memory_space<semaphore_mem>>)
      %dma_wait3A_189 = arith.constant 40 : i32
      %dma_wait3A_190 = arith.constant 0 : i32
      %dma_wait3A_191 = tpu.memref_slice %arg3[%add3A, %dma_wait3A_189, %dma_wait3A_190] : memref<32x80x128xi32, #tpu.memory_space<hbm>> -> memref<1x40x128xi32, #tpu.memory_space<hbm>>
      %dma_wait3A_192 = tpu.memref_squeeze %dma_wait3A_191 : memref<1x40x128xi32, #tpu.memory_space<hbm>> -> memref<40x128xi32, #tpu.memory_space<hbm>>
      %dma_wait3A_193 = arith.constant 40 : i32
      %dma_wait3A_194 = arith.constant 0 : i32
      %dma_wait3A_195 = tpu.memref_slice %arg3[%add3A, %dma_wait3A_193, %dma_wait3A_194] : memref<32x80x128xi32, #tpu.memory_space<hbm>> -> memref<1x40x128xi32, #tpu.memory_space<hbm>>
      %dma_wait3A_196 = tpu.memref_squeeze %dma_wait3A_195 : memref<1x40x128xi32, #tpu.memory_space<hbm>> -> memref<40x128xi32, #tpu.memory_space<hbm>>
      tpu.wait_dma2 semaphore(%run_scoped3A_180 : memref<!tpu.dma_semaphore, #tpu.memory_space<semaphore_mem>>) src(%dma_wait3A_196 : memref<40x128xi32, #tpu.memory_space<hbm>>) dst(%arg8 : memref<40x128xi32, #tpu.memory_space<vmem>>)
      tpu.yield
    }) : () -> ()
    %dma_start3A_87 = arith.constant 0 : i32
    %dma_start3A_88 = arith.constant 0 : i32
    %dma_start3A_89 = arith.constant 0 : i32
    %dma_start3A_90 = tpu.memref_slice %arg9[%dma_start3A_88, %dma_start3A_89] : memref<128x128xf32, #tpu.memory_space<vmem>> -> memref<64x128xf32, #tpu.memory_space<vmem>>
    %dma_start3A_91 = arith.constant 0 : i32
    %dma_start3A_92 = tpu.memref_slice %arg7[%dma_start3A_87, %dma_start3A_91] : memref<40x128xi32, #tpu.memory_space<vmem>> -> memref<1x64xi32, #tpu.memory_space<vmem>>
    %dma_start3A_93 = tpu.memref_squeeze %dma_start3A_92 : memref<1x64xi32, #tpu.memory_space<vmem>> -> memref<64xi32, #tpu.memory_space<vmem>>
    %dma_start3A_94 = arith.constant 0 : i32
    %dma_start3A_95 = arith.constant 0 : i32
    %dma_start3A_96 = tpu.memref_slice %arg4[%dma_start3A_94, %dma_start3A_95] : memref<10000x128xf32, #tpu.memory_space<hbm>> -> memref<10000x128xf32, #tpu.memory_space<hbm>>
    tpu.enqueue_indirect_dma source(%dma_start3A_96 : memref<10000x128xf32, #tpu.memory_space<hbm>>) target(%dma_start3A_90 : memref<64x128xf32, #tpu.memory_space<vmem>>) offsets(%dma_start3A_93 : memref<64xi32, #tpu.memory_space<vmem>>) semaphore(%arg12 : memref<!tpu.dma_semaphore, #tpu.memory_space<semaphore_mem>>)
    %dma_start3A_97 = arith.constant 0 : i32
    %dma_start3A_98 = arith.constant 64 : i32
    %dma_start3A_99 = arith.constant 0 : i32
    %dma_start3A_100 = tpu.memref_slice %arg9[%dma_start3A_98, %dma_start3A_99] : memref<128x128xf32, #tpu.memory_space<vmem>> -> memref<64x128xf32, #tpu.memory_space<vmem>>
    %dma_start3A_101 = arith.constant 64 : i32
    %dma_start3A_102 = tpu.memref_slice %arg7[%dma_start3A_97, %dma_start3A_101] : memref<40x128xi32, #tpu.memory_space<vmem>> -> memref<1x64xi32, #tpu.memory_space<vmem>>
    %dma_start3A_103 = tpu.memref_squeeze %dma_start3A_102 : memref<1x64xi32, #tpu.memory_space<vmem>> -> memref<64xi32, #tpu.memory_space<vmem>>
    %dma_start3A_104 = arith.constant 0 : i32
    %dma_start3A_105 = arith.constant 0 : i32
    %dma_start3A_106 = tpu.memref_slice %arg4[%dma_start3A_104, %dma_start3A_105] : memref<10000x128xf32, #tpu.memory_space<hbm>> -> memref<10000x128xf32, #tpu.memory_space<hbm>>
    tpu.enqueue_indirect_dma source(%dma_start3A_106 : memref<10000x128xf32, #tpu.memory_space<hbm>>) target(%dma_start3A_100 : memref<64x128xf32, #tpu.memory_space<vmem>>) offsets(%dma_start3A_103 : memref<64xi32, #tpu.memory_space<vmem>>) semaphore(%arg13 : memref<!tpu.dma_semaphore, #tpu.memory_space<semaphore_mem>>)
    %dma_wait3A_107 = arith.constant 0 : i32
    %dma_wait3A_108 = arith.constant 0 : i32
    %dma_wait3A_109 = arith.constant 0 : i32
    %dma_wait3A_110 = tpu.memref_slice %arg9[%dma_wait3A_108, %dma_wait3A_109] : memref<128x128xf32, #tpu.memory_space<vmem>> -> memref<64x128xf32, #tpu.memory_space<vmem>>
    %dma_wait3A_111 = arith.constant 0 : i32
    %dma_wait3A_112 = tpu.memref_slice %arg7[%dma_wait3A_107, %dma_wait3A_111] : memref<40x128xi32, #tpu.memory_space<vmem>> -> memref<1x64xi32, #tpu.memory_space<vmem>>
    %dma_wait3A_113 = tpu.memref_squeeze %dma_wait3A_112 : memref<1x64xi32, #tpu.memory_space<vmem>> -> memref<64xi32, #tpu.memory_space<vmem>>
    %dma_wait3A_114 = arith.constant 0 : i32
    %dma_wait3A_115 = arith.constant 0 : i32
    %dma_wait3A_116 = tpu.memref_slice %arg4[%dma_wait3A_114, %dma_wait3A_115] : memref<10000x128xf32, #tpu.memory_space<hbm>> -> memref<10000x128xf32, #tpu.memory_space<hbm>>
    tpu.wait_indirect_dma semaphore(%arg12 : memref<!tpu.dma_semaphore, #tpu.memory_space<semaphore_mem>>) src(%dma_wait3A_116 : memref<10000x128xf32, #tpu.memory_space<hbm>>) dst(%dma_wait3A_110 : memref<64x128xf32, #tpu.memory_space<vmem>>)
    %dma_wait3A_117 = arith.constant 0 : i32
    %dma_wait3A_118 = arith.constant 64 : i32
    %dma_wait3A_119 = arith.constant 0 : i32
    %dma_wait3A_120 = tpu.memref_slice %arg9[%dma_wait3A_118, %dma_wait3A_119] : memref<128x128xf32, #tpu.memory_space<vmem>> -> memref<64x128xf32, #tpu.memory_space<vmem>>
    %dma_wait3A_121 = arith.constant 64 : i32
    %dma_wait3A_122 = tpu.memref_slice %arg7[%dma_wait3A_117, %dma_wait3A_121] : memref<40x128xi32, #tpu.memory_space<vmem>> -> memref<1x64xi32, #tpu.memory_space<vmem>>
    %dma_wait3A_123 = tpu.memref_squeeze %dma_wait3A_122 : memref<1x64xi32, #tpu.memory_space<vmem>> -> memref<64xi32, #tpu.memory_space<vmem>>
    %dma_wait3A_124 = arith.constant 0 : i32
    %dma_wait3A_125 = arith.constant 0 : i32
    %dma_wait3A_126 = tpu.memref_slice %arg4[%dma_wait3A_124, %dma_wait3A_125] : memref<10000x128xf32, #tpu.memory_space<hbm>> -> memref<10000x128xf32, #tpu.memory_space<hbm>>
    tpu.wait_indirect_dma semaphore(%arg13 : memref<!tpu.dma_semaphore, #tpu.memory_space<semaphore_mem>>) src(%dma_wait3A_126 : memref<10000x128xf32, #tpu.memory_space<hbm>>) dst(%dma_wait3A_120 : memref<64x128xf32, #tpu.memory_space<vmem>>)
    %scan3A_127 = arith.constant 0 : i32
    %scan3A_128 = arith.constant 0 : i32
    %scan3A_129 = arith.constant 19 : i32
    %scan3A_130 = arith.addi %scan3A_128, %scan3A_129 : i32
    %scan3A_131 = arith.constant 1 : i32
    scf.for %scan3A_180 = %scan3A_128 to %scan3A_130 step %scan3A_131  : i32 {
      %mul3A_181 = arith.constant 2 : i32
      %mul3A_182 = arith.muli %mul3A_181, %scan3A_180 : i32
      %add3A_183 = arith.constant 1 : i32
      %add3A_184 = arith.addi %mul3A_182, %add3A_183 : i32
      %dma_start3A_185 = arith.constant 0 : i32
      %dma_start3A_186 = arith.constant 0 : i32
      %dma_start3A_187 = tpu.memref_slice %arg10[%dma_start3A_185, %dma_start3A_186] : memref<128x128xf32, #tpu.memory_space<vmem>> -> memref<64x128xf32, #tpu.memory_space<vmem>>
      %dma_start3A_188 = arith.constant 0 : i32
      %dma_start3A_189 = tpu.memref_slice %arg7[%add3A_184, %dma_start3A_188] : memref<40x128xi32, #tpu.memory_space<vmem>> -> memref<1x64xi32, #tpu.memory_space<vmem>>
      %dma_start3A_190 = tpu.memref_squeeze %dma_start3A_189 : memref<1x64xi32, #tpu.memory_space<vmem>> -> memref<64xi32, #tpu.memory_space<vmem>>
      %dma_start3A_191 = arith.constant 0 : i32
      %dma_start3A_192 = arith.constant 0 : i32
      %dma_start3A_193 = tpu.memref_slice %arg4[%dma_start3A_191, %dma_start3A_192] : memref<10000x128xf32, #tpu.memory_space<hbm>> -> memref<10000x128xf32, #tpu.memory_space<hbm>>
      tpu.enqueue_indirect_dma source(%dma_start3A_193 : memref<10000x128xf32, #tpu.memory_space<hbm>>) target(%dma_start3A_187 : memref<64x128xf32, #tpu.memory_space<vmem>>) offsets(%dma_start3A_190 : memref<64xi32, #tpu.memory_space<vmem>>) semaphore(%arg12 : memref<!tpu.dma_semaphore, #tpu.memory_space<semaphore_mem>>)
      %dma_start3A_194 = arith.constant 64 : i32
      %dma_start3A_195 = arith.constant 0 : i32
      %dma_start3A_196 = tpu.memref_slice %arg10[%dma_start3A_194, %dma_start3A_195] : memref<128x128xf32, #tpu.memory_space<vmem>> -> memref<64x128xf32, #tpu.memory_space<vmem>>
      %dma_start3A_197 = arith.constant 64 : i32
      %dma_start3A_198 = tpu.memref_slice %arg7[%add3A_184, %dma_start3A_197] : memref<40x128xi32, #tpu.memory_space<vmem>> -> memref<1x64xi32, #tpu.memory_space<vmem>>
      %dma_start3A_199 = tpu.memref_squeeze %dma_start3A_198 : memref<1x64xi32, #tpu.memory_space<vmem>> -> memref<64xi32, #tpu.memory_space<vmem>>
      %dma_start3A_200 = arith.constant 0 : i32
      %dma_start3A_201 = arith.constant 0 : i32
      %dma_start3A_202 = tpu.memref_slice %arg4[%dma_start3A_200, %dma_start3A_201] : memref<10000x128xf32, #tpu.memory_space<hbm>> -> memref<10000x128xf32, #tpu.memory_space<hbm>>
      tpu.enqueue_indirect_dma source(%dma_start3A_202 : memref<10000x128xf32, #tpu.memory_space<hbm>>) target(%dma_start3A_196 : memref<64x128xf32, #tpu.memory_space<vmem>>) offsets(%dma_start3A_199 : memref<64xi32, #tpu.memory_space<vmem>>) semaphore(%arg13 : memref<!tpu.dma_semaphore, #tpu.memory_space<semaphore_mem>>)
      "tpu.region"() ({
        %run_scoped3A_261 = tpu.sem_alloc : memref<!tpu.dma_semaphore, #tpu.memory_space<semaphore_mem>>
        %dma_start3A_262 = arith.constant 0 : i32
        %dma_start3A_263 = tpu.memref_slice %arg8[%mul3A_182, %dma_start3A_262] : memref<40x128xi32, #tpu.memory_space<vmem>> -> memref<1x128xi32, #tpu.memory_space<vmem>>
        %dma_start3A_264 = tpu.memref_squeeze %dma_start3A_263 : memref<1x128xi32, #tpu.memory_space<vmem>> -> memref<128xi32, #tpu.memory_space<vmem>>
        %dma_start3A_265 = arith.constant 0 : i32
        %dma_start3A_266 = arith.constant 0 : i32
        %dma_start3A_267 = tpu.memref_slice %arg11[%dma_start3A_265, %dma_start3A_266] : memref<10240x128xf32, #tpu.memory_space<vmem_shared>> -> memref<10240x128xf32, #tpu.memory_space<vmem_shared>>
        tpu.enqueue_indirect_dma source(%arg9 : memref<128x128xf32, #tpu.memory_space<vmem>>) target(%dma_start3A_267 : memref<10240x128xf32, #tpu.memory_space<vmem_shared>>) offsets(%dma_start3A_264 : memref<128xi32, #tpu.memory_space<vmem>>) semaphore(%run_scoped3A_261 : memref<!tpu.dma_semaphore, #tpu.memory_space<semaphore_mem>>) {add = true}
        %dma_wait3A_268 = arith.constant 0 : i32
        %dma_wait3A_269 = tpu.memref_slice %arg8[%mul3A_182, %dma_wait3A_268] : memref<40x128xi32, #tpu.memory_space<vmem>> -> memref<1x128xi32, #tpu.memory_space<vmem>>
        %dma_wait3A_270 = tpu.memref_squeeze %dma_wait3A_269 : memref<1x128xi32, #tpu.memory_space<vmem>> -> memref<128xi32, #tpu.memory_space<vmem>>
        %dma_wait3A_271 = arith.constant 0 : i32
        %dma_wait3A_272 = arith.constant 0 : i32
        %dma_wait3A_273 = tpu.memref_slice %arg11[%dma_wait3A_271, %dma_wait3A_272] : memref<10240x128xf32, #tpu.memory_space<vmem_shared>> -> memref<10240x128xf32, #tpu.memory_space<vmem_shared>>
        tpu.wait_indirect_dma semaphore(%run_scoped3A_261 : memref<!tpu.dma_semaphore, #tpu.memory_space<semaphore_mem>>) src(%arg9 : memref<128x128xf32, #tpu.memory_space<vmem>>) dst(%dma_wait3A_273 : memref<10240x128xf32, #tpu.memory_space<vmem_shared>>)
        tpu.yield
      }) : () -> ()
      %dma_wait3A_203 = arith.constant 0 : i32
      %dma_wait3A_204 = arith.constant 0 : i32
      %dma_wait3A_205 = tpu.memref_slice %arg10[%dma_wait3A_203, %dma_wait3A_204] : memref<128x128xf32, #tpu.memory_space<vmem>> -> memref<64x128xf32, #tpu.memory_space<vmem>>
      %dma_wait3A_206 = arith.constant 0 : i32
      %dma_wait3A_207 = tpu.memref_slice %arg7[%add3A_184, %dma_wait3A_206] : memref<40x128xi32, #tpu.memory_space<vmem>> -> memref<1x64xi32, #tpu.memory_space<vmem>>
      %dma_wait3A_208 = tpu.memref_squeeze %dma_wait3A_207 : memref<1x64xi32, #tpu.memory_space<vmem>> -> memref<64xi32, #tpu.memory_space<vmem>>
      %dma_wait3A_209 = arith.constant 0 : i32
      %dma_wait3A_210 = arith.constant 0 : i32
      %dma_wait3A_211 = tpu.memref_slice %arg4[%dma_wait3A_209, %dma_wait3A_210] : memref<10000x128xf32, #tpu.memory_space<hbm>> -> memref<10000x128xf32, #tpu.memory_space<hbm>>
      tpu.wait_indirect_dma semaphore(%arg12 : memref<!tpu.dma_semaphore, #tpu.memory_space<semaphore_mem>>) src(%dma_wait3A_211 : memref<10000x128xf32, #tpu.memory_space<hbm>>) dst(%dma_wait3A_205 : memref<64x128xf32, #tpu.memory_space<vmem>>)
      %dma_wait3A_212 = arith.constant 64 : i32
      %dma_wait3A_213 = arith.constant 0 : i32
      %dma_wait3A_214 = tpu.memref_slice %arg10[%dma_wait3A_212, %dma_wait3A_213] : memref<128x128xf32, #tpu.memory_space<vmem>> -> memref<64x128xf32, #tpu.memory_space<vmem>>
      %dma_wait3A_215 = arith.constant 64 : i32
      %dma_wait3A_216 = tpu.memref_slice %arg7[%add3A_184, %dma_wait3A_215] : memref<40x128xi32, #tpu.memory_space<vmem>> -> memref<1x64xi32, #tpu.memory_space<vmem>>
      %dma_wait3A_217 = tpu.memref_squeeze %dma_wait3A_216 : memref<1x64xi32, #tpu.memory_space<vmem>> -> memref<64xi32, #tpu.memory_space<vmem>>
      %dma_wait3A_218 = arith.constant 0 : i32
      %dma_wait3A_219 = arith.constant 0 : i32
      %dma_wait3A_220 = tpu.memref_slice %arg4[%dma_wait3A_218, %dma_wait3A_219] : memref<10000x128xf32, #tpu.memory_space<hbm>> -> memref<10000x128xf32, #tpu.memory_space<hbm>>
      tpu.wait_indirect_dma semaphore(%arg13 : memref<!tpu.dma_semaphore, #tpu.memory_space<semaphore_mem>>) src(%dma_wait3A_220 : memref<10000x128xf32, #tpu.memory_space<hbm>>) dst(%dma_wait3A_214 : memref<64x128xf32, #tpu.memory_space<vmem>>)
      %add3A_221 = arith.constant 2 : i32
      %add3A_222 = arith.addi %mul3A_182, %add3A_221 : i32
      %dma_start3A_223 = arith.constant 0 : i32
      %dma_start3A_224 = arith.constant 0 : i32
      %dma_start3A_225 = tpu.memref_slice %arg9[%dma_start3A_223, %dma_start3A_224] : memref<128x128xf32, #tpu.memory_space<vmem>> -> memref<64x128xf32, #tpu.memory_space<vmem>>
      %dma_start3A_226 = arith.constant 0 : i32
      %dma_start3A_227 = tpu.memref_slice %arg7[%add3A_222, %dma_start3A_226] : memref<40x128xi32, #tpu.memory_space<vmem>> -> memref<1x64xi32, #tpu.memory_space<vmem>>
      %dma_start3A_228 = tpu.memref_squeeze %dma_start3A_227 : memref<1x64xi32, #tpu.memory_space<vmem>> -> memref<64xi32, #tpu.memory_space<vmem>>
      %dma_start3A_229 = arith.constant 0 : i32
      %dma_start3A_230 = arith.constant 0 : i32
      %dma_start3A_231 = tpu.memref_slice %arg4[%dma_start3A_229, %dma_start3A_230] : memref<10000x128xf32, #tpu.memory_space<hbm>> -> memref<10000x128xf32, #tpu.memory_space<hbm>>
      tpu.enqueue_indirect_dma source(%dma_start3A_231 : memref<10000x128xf32, #tpu.memory_space<hbm>>) target(%dma_start3A_225 : memref<64x128xf32, #tpu.memory_space<vmem>>) offsets(%dma_start3A_228 : memref<64xi32, #tpu.memory_space<vmem>>) semaphore(%arg12 : memref<!tpu.dma_semaphore, #tpu.memory_space<semaphore_mem>>)
      %dma_start3A_232 = arith.constant 64 : i32
      %dma_start3A_233 = arith.constant 0 : i32
      %dma_start3A_234 = tpu.memref_slice %arg9[%dma_start3A_232, %dma_start3A_233] : memref<128x128xf32, #tpu.memory_space<vmem>> -> memref<64x128xf32, #tpu.memory_space<vmem>>
      %dma_start3A_235 = arith.constant 64 : i32
      %dma_start3A_236 = tpu.memref_slice %arg7[%add3A_222, %dma_start3A_235] : memref<40x128xi32, #tpu.memory_space<vmem>> -> memref<1x64xi32, #tpu.memory_space<vmem>>
      %dma_start3A_237 = tpu.memref_squeeze %dma_start3A_236 : memref<1x64xi32, #tpu.memory_space<vmem>> -> memref<64xi32, #tpu.memory_space<vmem>>
      %dma_start3A_238 = arith.constant 0 : i32
      %dma_start3A_239 = arith.constant 0 : i32
      %dma_start3A_240 = tpu.memref_slice %arg4[%dma_start3A_238, %dma_start3A_239] : memref<10000x128xf32, #tpu.memory_space<hbm>> -> memref<10000x128xf32, #tpu.memory_space<hbm>>
      tpu.enqueue_indirect_dma source(%dma_start3A_240 : memref<10000x128xf32, #tpu.memory_space<hbm>>) target(%dma_start3A_234 : memref<64x128xf32, #tpu.memory_space<vmem>>) offsets(%dma_start3A_237 : memref<64xi32, #tpu.memory_space<vmem>>) semaphore(%arg13 : memref<!tpu.dma_semaphore, #tpu.memory_space<semaphore_mem>>)
      %add3A_241 = arith.constant 1 : i32
      %add3A_242 = arith.addi %mul3A_182, %add3A_241 : i32
      "tpu.region"() ({
        %run_scoped3A_261 = tpu.sem_alloc : memref<!tpu.dma_semaphore, #tpu.memory_space<semaphore_mem>>
        %dma_start3A_262 = arith.constant 0 : i32
        %dma_start3A_263 = tpu.memref_slice %arg8[%add3A_242, %dma_start3A_262] : memref<40x128xi32, #tpu.memory_space<vmem>> -> memref<1x128xi32, #tpu.memory_space<vmem>>
        %dma_start3A_264 = tpu.memref_squeeze %dma_start3A_263 : memref<1x128xi32, #tpu.memory_space<vmem>> -> memref<128xi32, #tpu.memory_space<vmem>>
        %dma_start3A_265 = arith.constant 0 : i32
        %dma_start3A_266 = arith.constant 0 : i32
        %dma_start3A_267 = tpu.memref_slice %arg11[%dma_start3A_265, %dma_start3A_266] : memref<10240x128xf32, #tpu.memory_space<vmem_shared>> -> memref<10240x128xf32, #tpu.memory_space<vmem_shared>>
        tpu.enqueue_indirect_dma source(%arg10 : memref<128x128xf32, #tpu.memory_space<vmem>>) target(%dma_start3A_267 : memref<10240x128xf32, #tpu.memory_space<vmem_shared>>) offsets(%dma_start3A_264 : memref<128xi32, #tpu.memory_space<vmem>>) semaphore(%run_scoped3A_261 : memref<!tpu.dma_semaphore, #tpu.memory_space<semaphore_mem>>) {add = true}
        %dma_wait3A_268 = arith.constant 0 : i32
        %dma_wait3A_269 = tpu.memref_slice %arg8[%add3A_242, %dma_wait3A_268] : memref<40x128xi32, #tpu.memory_space<vmem>> -> memref<1x128xi32, #tpu.memory_space<vmem>>
        %dma_wait3A_270 = tpu.memref_squeeze %dma_wait3A_269 : memref<1x128xi32, #tpu.memory_space<vmem>> -> memref<128xi32, #tpu.memory_space<vmem>>
        %dma_wait3A_271 = arith.constant 0 : i32
        %dma_wait3A_272 = arith.constant 0 : i32
        %dma_wait3A_273 = tpu.memref_slice %arg11[%dma_wait3A_271, %dma_wait3A_272] : memref<10240x128xf32, #tpu.memory_space<vmem_shared>> -> memref<10240x128xf32, #tpu.memory_space<vmem_shared>>
        tpu.wait_indirect_dma semaphore(%run_scoped3A_261 : memref<!tpu.dma_semaphore, #tpu.memory_space<semaphore_mem>>) src(%arg10 : memref<128x128xf32, #tpu.memory_space<vmem>>) dst(%dma_wait3A_273 : memref<10240x128xf32, #tpu.memory_space<vmem_shared>>)
        tpu.yield
      }) : () -> ()
      %dma_wait3A_243 = arith.constant 0 : i32
      %dma_wait3A_244 = arith.constant 0 : i32
      %dma_wait3A_245 = tpu.memref_slice %arg9[%dma_wait3A_243, %dma_wait3A_244] : memref<128x128xf32, #tpu.memory_space<vmem>> -> memref<64x128xf32, #tpu.memory_space<vmem>>
      %dma_wait3A_246 = arith.constant 0 : i32
      %dma_wait3A_247 = tpu.memref_slice %arg7[%add3A_222, %dma_wait3A_246] : memref<40x128xi32, #tpu.memory_space<vmem>> -> memref<1x64xi32, #tpu.memory_space<vmem>>
      %dma_wait3A_248 = tpu.memref_squeeze %dma_wait3A_247 : memref<1x64xi32, #tpu.memory_space<vmem>> -> memref<64xi32, #tpu.memory_space<vmem>>
      %dma_wait3A_249 = arith.constant 0 : i32
      %dma_wait3A_250 = arith.constant 0 : i32
      %dma_wait3A_251 = tpu.memref_slice %arg4[%dma_wait3A_249, %dma_wait3A_250] : memref<10000x128xf32, #tpu.memory_space<hbm>> -> memref<10000x128xf32, #tpu.memory_space<hbm>>
      tpu.wait_indirect_dma semaphore(%arg12 : memref<!tpu.dma_semaphore, #tpu.memory_space<semaphore_mem>>) src(%dma_wait3A_251 : memref<10000x128xf32, #tpu.memory_space<hbm>>) dst(%dma_wait3A_245 : memref<64x128xf32, #tpu.memory_space<vmem>>)
      %dma_wait3A_252 = arith.constant 64 : i32
      %dma_wait3A_253 = arith.constant 0 : i32
      %dma_wait3A_254 = tpu.memref_slice %arg9[%dma_wait3A_252, %dma_wait3A_253] : memref<128x128xf32, #tpu.memory_space<vmem>> -> memref<64x128xf32, #tpu.memory_space<vmem>>
      %dma_wait3A_255 = arith.constant 64 : i32
      %dma_wait3A_256 = tpu.memref_slice %arg7[%add3A_222, %dma_wait3A_255] : memref<40x128xi32, #tpu.memory_space<vmem>> -> memref<1x64xi32, #tpu.memory_space<vmem>>
      %dma_wait3A_257 = tpu.memref_squeeze %dma_wait3A_256 : memref<1x64xi32, #tpu.memory_space<vmem>> -> memref<64xi32, #tpu.memory_space<vmem>>
      %dma_wait3A_258 = arith.constant 0 : i32
      %dma_wait3A_259 = arith.constant 0 : i32
      %dma_wait3A_260 = tpu.memref_slice %arg4[%dma_wait3A_258, %dma_wait3A_259] : memref<10000x128xf32, #tpu.memory_space<hbm>> -> memref<10000x128xf32, #tpu.memory_space<hbm>>
      tpu.wait_indirect_dma semaphore(%arg13 : memref<!tpu.dma_semaphore, #tpu.memory_space<semaphore_mem>>) src(%dma_wait3A_260 : memref<10000x128xf32, #tpu.memory_space<hbm>>) dst(%dma_wait3A_254 : memref<64x128xf32, #tpu.memory_space<vmem>>)
    }
    %scan3A_132 = arith.constant 19 : i32
    %dma_start3A_133 = arith.constant 39 : i32
    %dma_start3A_134 = arith.constant 0 : i32
    %dma_start3A_135 = arith.constant 0 : i32
    %dma_start3A_136 = tpu.memref_slice %arg10[%dma_start3A_134, %dma_start3A_135] : memref<128x128xf32, #tpu.memory_space<vmem>> -> memref<64x128xf32, #tpu.memory_space<vmem>>
    %dma_start3A_137 = arith.constant 0 : i32
    %dma_start3A_138 = tpu.memref_slice %arg7[%dma_start3A_133, %dma_start3A_137] : memref<40x128xi32, #tpu.memory_space<vmem>> -> memref<1x64xi32, #tpu.memory_space<vmem>>
    %dma_start3A_139 = tpu.memref_squeeze %dma_start3A_138 : memref<1x64xi32, #tpu.memory_space<vmem>> -> memref<64xi32, #tpu.memory_space<vmem>>
    %dma_start3A_140 = arith.constant 0 : i32
    %dma_start3A_141 = arith.constant 0 : i32
    %dma_start3A_142 = tpu.memref_slice %arg4[%dma_start3A_140, %dma_start3A_141] : memref<10000x128xf32, #tpu.memory_space<hbm>> -> memref<10000x128xf32, #tpu.memory_space<hbm>>
    tpu.enqueue_indirect_dma source(%dma_start3A_142 : memref<10000x128xf32, #tpu.memory_space<hbm>>) target(%dma_start3A_136 : memref<64x128xf32, #tpu.memory_space<vmem>>) offsets(%dma_start3A_139 : memref<64xi32, #tpu.memory_space<vmem>>) semaphore(%arg12 : memref<!tpu.dma_semaphore, #tpu.memory_space<semaphore_mem>>)
    %dma_start3A_143 = arith.constant 39 : i32
    %dma_start3A_144 = arith.constant 64 : i32
    %dma_start3A_145 = arith.constant 0 : i32
    %dma_start3A_146 = tpu.memref_slice %arg10[%dma_start3A_144, %dma_start3A_145] : memref<128x128xf32, #tpu.memory_space<vmem>> -> memref<64x128xf32, #tpu.memory_space<vmem>>
    %dma_start3A_147 = arith.constant 64 : i32
    %dma_start3A_148 = tpu.memref_slice %arg7[%dma_start3A_143, %dma_start3A_147] : memref<40x128xi32, #tpu.memory_space<vmem>> -> memref<1x64xi32, #tpu.memory_space<vmem>>
    %dma_start3A_149 = tpu.memref_squeeze %dma_start3A_148 : memref<1x64xi32, #tpu.memory_space<vmem>> -> memref<64xi32, #tpu.memory_space<vmem>>
    %dma_start3A_150 = arith.constant 0 : i32
    %dma_start3A_151 = arith.constant 0 : i32
    %dma_start3A_152 = tpu.memref_slice %arg4[%dma_start3A_150, %dma_start3A_151] : memref<10000x128xf32, #tpu.memory_space<hbm>> -> memref<10000x128xf32, #tpu.memory_space<hbm>>
    tpu.enqueue_indirect_dma source(%dma_start3A_152 : memref<10000x128xf32, #tpu.memory_space<hbm>>) target(%dma_start3A_146 : memref<64x128xf32, #tpu.memory_space<vmem>>) offsets(%dma_start3A_149 : memref<64xi32, #tpu.memory_space<vmem>>) semaphore(%arg13 : memref<!tpu.dma_semaphore, #tpu.memory_space<semaphore_mem>>)
    %run_scoped3A_153 = arith.constant 38 : i32
    "tpu.region"() ({
      %run_scoped3A_180 = tpu.sem_alloc : memref<!tpu.dma_semaphore, #tpu.memory_space<semaphore_mem>>
      %dma_start3A_181 = arith.constant 0 : i32
      %dma_start3A_182 = tpu.memref_slice %arg8[%run_scoped3A_153, %dma_start3A_181] : memref<40x128xi32, #tpu.memory_space<vmem>> -> memref<1x128xi32, #tpu.memory_space<vmem>>
      %dma_start3A_183 = tpu.memref_squeeze %dma_start3A_182 : memref<1x128xi32, #tpu.memory_space<vmem>> -> memref<128xi32, #tpu.memory_space<vmem>>
      %dma_start3A_184 = arith.constant 0 : i32
      %dma_start3A_185 = arith.constant 0 : i32
      %dma_start3A_186 = tpu.memref_slice %arg11[%dma_start3A_184, %dma_start3A_185] : memref<10240x128xf32, #tpu.memory_space<vmem_shared>> -> memref<10240x128xf32, #tpu.memory_space<vmem_shared>>
      tpu.enqueue_indirect_dma source(%arg9 : memref<128x128xf32, #tpu.memory_space<vmem>>) target(%dma_start3A_186 : memref<10240x128xf32, #tpu.memory_space<vmem_shared>>) offsets(%dma_start3A_183 : memref<128xi32, #tpu.memory_space<vmem>>) semaphore(%run_scoped3A_180 : memref<!tpu.dma_semaphore, #tpu.memory_space<semaphore_mem>>) {add = true}
      %dma_wait3A_187 = arith.constant 0 : i32
      %dma_wait3A_188 = tpu.memref_slice %arg8[%run_scoped3A_153, %dma_wait3A_187] : memref<40x128xi32, #tpu.memory_space<vmem>> -> memref<1x128xi32, #tpu.memory_space<vmem>>
      %dma_wait3A_189 = tpu.memref_squeeze %dma_wait3A_188 : memref<1x128xi32, #tpu.memory_space<vmem>> -> memref<128xi32, #tpu.memory_space<vmem>>
      %dma_wait3A_190 = arith.constant 0 : i32
      %dma_wait3A_191 = arith.constant 0 : i32
      %dma_wait3A_192 = tpu.memref_slice %arg11[%dma_wait3A_190, %dma_wait3A_191] : memref<10240x128xf32, #tpu.memory_space<vmem_shared>> -> memref<10240x128xf32, #tpu.memory_space<vmem_shared>>
      tpu.wait_indirect_dma semaphore(%run_scoped3A_180 : memref<!tpu.dma_semaphore, #tpu.memory_space<semaphore_mem>>) src(%arg9 : memref<128x128xf32, #tpu.memory_space<vmem>>) dst(%dma_wait3A_192 : memref<10240x128xf32, #tpu.memory_space<vmem_shared>>)
      tpu.yield
    }) : () -> ()
    %dma_wait3A_154 = arith.constant 39 : i32
    %dma_wait3A_155 = arith.constant 0 : i32
    %dma_wait3A_156 = arith.constant 0 : i32
    %dma_wait3A_157 = tpu.memref_slice %arg10[%dma_wait3A_155, %dma_wait3A_156] : memref<128x128xf32, #tpu.memory_space<vmem>> -> memref<64x128xf32, #tpu.memory_space<vmem>>
    %dma_wait3A_158 = arith.constant 0 : i32
    %dma_wait3A_159 = tpu.memref_slice %arg7[%dma_wait3A_154, %dma_wait3A_158] : memref<40x128xi32, #tpu.memory_space<vmem>> -> memref<1x64xi32, #tpu.memory_space<vmem>>
    %dma_wait3A_160 = tpu.memref_squeeze %dma_wait3A_159 : memref<1x64xi32, #tpu.memory_space<vmem>> -> memref<64xi32, #tpu.memory_space<vmem>>
    %dma_wait3A_161 = arith.constant 0 : i32
    %dma_wait3A_162 = arith.constant 0 : i32
    %dma_wait3A_163 = tpu.memref_slice %arg4[%dma_wait3A_161, %dma_wait3A_162] : memref<10000x128xf32, #tpu.memory_space<hbm>> -> memref<10000x128xf32, #tpu.memory_space<hbm>>
    tpu.wait_indirect_dma semaphore(%arg12 : memref<!tpu.dma_semaphore, #tpu.memory_space<semaphore_mem>>) src(%dma_wait3A_163 : memref<10000x128xf32, #tpu.memory_space<hbm>>) dst(%dma_wait3A_157 : memref<64x128xf32, #tpu.memory_space<vmem>>)
    %dma_wait3A_164 = arith.constant 39 : i32
    %dma_wait3A_165 = arith.constant 64 : i32
    %dma_wait3A_166 = arith.constant 0 : i32
    %dma_wait3A_167 = tpu.memref_slice %arg10[%dma_wait3A_165, %dma_wait3A_166] : memref<128x128xf32, #tpu.memory_space<vmem>> -> memref<64x128xf32, #tpu.memory_space<vmem>>
    %dma_wait3A_168 = arith.constant 64 : i32
    %dma_wait3A_169 = tpu.memref_slice %arg7[%dma_wait3A_164, %dma_wait3A_168] : memref<40x128xi32, #tpu.memory_space<vmem>> -> memref<1x64xi32, #tpu.memory_space<vmem>>
    %dma_wait3A_170 = tpu.memref_squeeze %dma_wait3A_169 : memref<1x64xi32, #tpu.memory_space<vmem>> -> memref<64xi32, #tpu.memory_space<vmem>>
    %dma_wait3A_171 = arith.constant 0 : i32
    %dma_wait3A_172 = arith.constant 0 : i32
    %dma_wait3A_173 = tpu.memref_slice %arg4[%dma_wait3A_171, %dma_wait3A_172] : memref<10000x128xf32, #tpu.memory_space<hbm>> -> memref<10000x128xf32, #tpu.memory_space<hbm>>
    tpu.wait_indirect_dma semaphore(%arg13 : memref<!tpu.dma_semaphore, #tpu.memory_space<semaphore_mem>>) src(%dma_wait3A_173 : memref<10000x128xf32, #tpu.memory_space<hbm>>) dst(%dma_wait3A_167 : memref<64x128xf32, #tpu.memory_space<vmem>>)
    %run_scoped3A_174 = arith.constant 39 : i32
    "tpu.region"() ({
      %run_scoped3A_180 = tpu.sem_alloc : memref<!tpu.dma_semaphore, #tpu.memory_space<semaphore_mem>>
      %dma_start3A_181 = arith.constant 0 : i32
      %dma_start3A_182 = tpu.memref_slice %arg8[%run_scoped3A_174, %dma_start3A_181] : memref<40x128xi32, #tpu.memory_space<vmem>> -> memref<1x128xi32, #tpu.memory_space<vmem>>
      %dma_start3A_183 = tpu.memref_squeeze %dma_start3A_182 : memref<1x128xi32, #tpu.memory_space<vmem>> -> memref<128xi32, #tpu.memory_space<vmem>>
      %dma_start3A_184 = arith.constant 0 : i32
      %dma_start3A_185 = arith.constant 0 : i32
      %dma_start3A_186 = tpu.memref_slice %arg11[%dma_start3A_184, %dma_start3A_185] : memref<10240x128xf32, #tpu.memory_space<vmem_shared>> -> memref<10240x128xf32, #tpu.memory_space<vmem_shared>>
      tpu.enqueue_indirect_dma source(%arg10 : memref<128x128xf32, #tpu.memory_space<vmem>>) target(%dma_start3A_186 : memref<10240x128xf32, #tpu.memory_space<vmem_shared>>) offsets(%dma_start3A_183 : memref<128xi32, #tpu.memory_space<vmem>>) semaphore(%run_scoped3A_180 : memref<!tpu.dma_semaphore, #tpu.memory_space<semaphore_mem>>) {add = true}
      %dma_wait3A_187 = arith.constant 0 : i32
      %dma_wait3A_188 = tpu.memref_slice %arg8[%run_scoped3A_174, %dma_wait3A_187] : memref<40x128xi32, #tpu.memory_space<vmem>> -> memref<1x128xi32, #tpu.memory_space<vmem>>
      %dma_wait3A_189 = tpu.memref_squeeze %dma_wait3A_188 : memref<1x128xi32, #tpu.memory_space<vmem>> -> memref<128xi32, #tpu.memory_space<vmem>>
      %dma_wait3A_190 = arith.constant 0 : i32
      %dma_wait3A_191 = arith.constant 0 : i32
      %dma_wait3A_192 = tpu.memref_slice %arg11[%dma_wait3A_190, %dma_wait3A_191] : memref<10240x128xf32, #tpu.memory_space<vmem_shared>> -> memref<10240x128xf32, #tpu.memory_space<vmem_shared>>
      tpu.wait_indirect_dma semaphore(%run_scoped3A_180 : memref<!tpu.dma_semaphore, #tpu.memory_space<semaphore_mem>>) src(%arg10 : memref<128x128xf32, #tpu.memory_space<vmem>>) dst(%dma_wait3A_192 : memref<10240x128xf32, #tpu.memory_space<vmem_shared>>)
      tpu.yield
    }) : () -> ()
    %barrier3A_175 = arith.constant 0 : index
    tpu.barrier barrier_id(%barrier3A_175)
    %mul3A_176 = arith.constant 640 : i32
    %mul3A_177 = arith.muli %arg1, %mul3A_176 : i32
    %mul3A_178 = arith.constant 640 : i32
    %mul3A_179 = arith.muli %arg1, %mul3A_178 : i32
    "tpu.region"() ({
      %run_scoped3A_180 = tpu.sem_alloc : memref<!tpu.dma_semaphore, #tpu.memory_space<semaphore_mem>>
      %dma_start3A_181 = arith.constant 0 : i32
      %dma_start3A_182 = tpu.memref_slice %arg6[%arg0, %mul3A_179, %dma_start3A_181] : memref<2x10240x128xf32, #tpu.memory_space<hbm>> -> memref<1x640x128xf32, #tpu.memory_space<hbm>>
      %dma_start3A_183 = tpu.memref_squeeze %dma_start3A_182 : memref<1x640x128xf32, #tpu.memory_space<hbm>> -> memref<640x128xf32, #tpu.memory_space<hbm>>
      %dma_start3A_184 = arith.constant 0 : i32
      %dma_start3A_185 = tpu.memref_slice %arg11[%mul3A_177, %dma_start3A_184] : memref<10240x128xf32, #tpu.memory_space<vmem_shared>> -> memref<640x128xf32, #tpu.memory_space<vmem_shared>>
      tpu.enqueue_dma source(%dma_start3A_185 : memref<640x128xf32, #tpu.memory_space<vmem_shared>>) target(%dma_start3A_183 : memref<640x128xf32, #tpu.memory_space<hbm>>) target_semaphore(%run_scoped3A_180 : memref<!tpu.dma_semaphore, #tpu.memory_space<semaphore_mem>>)
      %dma_wait3A_186 = arith.constant 0 : i32
      %dma_wait3A_187 = tpu.memref_slice %arg6[%arg0, %mul3A_179, %dma_wait3A_186] : memref<2x10240x128xf32, #tpu.memory_space<hbm>> -> memref<1x640x128xf32, #tpu.memory_space<hbm>>
      %dma_wait3A_188 = tpu.memref_squeeze %dma_wait3A_187 : memref<1x640x128xf32, #tpu.memory_space<hbm>> -> memref<640x128xf32, #tpu.memory_space<hbm>>
      %dma_wait3A_189 = arith.constant 0 : i32
      %dma_wait3A_190 = tpu.memref_slice %arg11[%mul3A_177, %dma_wait3A_189] : memref<10240x128xf32, #tpu.memory_space<vmem_shared>> -> memref<640x128xf32, #tpu.memory_space<vmem_shared>>
      tpu.wait_dma2 semaphore(%run_scoped3A_180 : memref<!tpu.dma_semaphore, #tpu.memory_space<semaphore_mem>>) src(%dma_wait3A_190 : memref<640x128xf32, #tpu.memory_space<vmem_shared>>) dst(%dma_wait3A_188 : memref<640x128xf32, #tpu.memory_space<hbm>>)
      tpu.yield
    }) : () -> ()
    return
  }
}

module attributes {stable_mosaic.version = 14 : i64} {
  func.func @_tc1a_body(%arg0: i32, %arg1: memref<1000x128xf32, #tpu.memory_space<vmem>>, %arg2: memref<128x128xf32, #tpu.memory_space<vmem>>, %arg3: memref<1000x128xf32, #tpu.memory_space<vmem>>) attributes {dimension_semantics = [#tpu.dimension_semantics<arbitrary>], iteration_bounds = array<i64: 10>, scalar_prefetch = 0 : i64, scratch_operands = 0 : i64, tpu.core_type = #tpu.core_type<tc>, window_params = [{transform_indices = @transform_0, window_bounds = array<i64: 1000, 128>}, {pipeline_mode = #tpu.pipeline_mode<synchronous>, transform_indices = @transform_1, window_bounds = array<i64: 128, 128>}, {transform_indices = @transform_2, window_bounds = array<i64: 1000, 128>}]} {
    %get3A = arith.constant 0 : index
    %get3A_0 = arith.constant 0 : index
    %get3A_1 = vector.load %arg1[%get3A, %get3A_0] : memref<1000x128xf32, #tpu.memory_space<vmem>>, vector<1000x128xf32>
    %get3A_2 = arith.constant 0 : index
    %get3A_3 = arith.constant 0 : index
    %get3A_4 = vector.load %arg2[%get3A_2, %get3A_3] : memref<128x128xf32, #tpu.memory_space<vmem>>, vector<128x128xf32>
    %dot_general3A = arith.constant dense<0.000000e+00> : vector<1000x128xf32>
    %dot_general3A_5 = tpu.matmul %get3A_1, %get3A_4, %dot_general3A {dimension_numbers = #tpu.dot_dimension_numbers<[1], [0], [0], [1], [0, 0, 1, 1], [], []>, transpose_lhs_hint = false} : vector<1000x128xf32>, vector<128x128xf32>, vector<1000x128xf32> -> vector<1000x128xf32>
    %swap3A = arith.constant 0 : index
    %swap3A_6 = arith.constant 0 : index
    %swap3A_7 = vector.load %arg3[%swap3A, %swap3A_6] : memref<1000x128xf32, #tpu.memory_space<vmem>>, vector<1000x128xf32>
    tpu.vector_store %arg3[%swap3A, %swap3A_6], %dot_general3A_5 {strides = array<i32>} : memref<1000x128xf32, #tpu.memory_space<vmem>>, vector<1000x128xf32>,
    return
  }
  func.func @transform_0(%arg0: i32) -> (i32, i32) {
    %c0_i32 = arith.constant 0 : i32
    %c0_i32_0 = arith.constant 0 : i32
    return %arg0, %c0_i32 : i32, i32
  }
  func.func @transform_1(%arg0: i32) -> (i32, i32) {
    %c0_i32 = arith.constant 0 : i32
    %c0_i32_0 = arith.constant 0 : i32
    %c0_i32_1 = arith.constant 0 : i32
    return %c0_i32, %c0_i32_0 : i32, i32
  }
  func.func @transform_2(%arg0: i32) -> (i32, i32) {
    %c0_i32 = arith.constant 0 : i32
    %c0_i32_0 = arith.constant 0 : i32
    return %arg0, %c0_i32 : i32, i32
  }
}

module attributes {stable_mosaic.version = 14 : i64} {
  func.func @_tc1b_body(%arg0: i32, %arg1: memref<1000x128xf32, #tpu.memory_space<vmem>>, %arg2: memref<1x1000x128xf32, #tpu.memory_space<vmem>>, %arg3: memref<1x1000x128xf32, #tpu.memory_space<vmem>>, %arg4: memref<1000x128xf32, #tpu.memory_space<vmem>>) attributes {dimension_semantics = [#tpu.dimension_semantics<arbitrary>], iteration_bounds = array<i64: 10>, scalar_prefetch = 0 : i64, scratch_operands = 0 : i64, tpu.core_type = #tpu.core_type<tc>, window_params = [{transform_indices = @transform_0, window_bounds = array<i64: 1000, 128>}, {transform_indices = @transform_1, window_bounds = array<i64: 1, 1000, 128>}, {transform_indices = @transform_2, window_bounds = array<i64: 1, 1000, 128>}, {transform_indices = @transform_3, window_bounds = array<i64: 1000, 128>}]} {
    %get3A = arith.constant 0 : index
    %get3A_0 = arith.constant 0 : index
    %get3A_1 = arith.constant 0 : index
    %get3A_2 = vector.load %arg2[%get3A, %get3A_0, %get3A_1] : memref<1x1000x128xf32, #tpu.memory_space<vmem>>, vector<1x1000x128xf32>
    %get3A_3 = vector.shape_cast %get3A_2 : vector<1x1000x128xf32> to vector<1000x128xf32>
    %get3A_4 = arith.constant 0 : index
    %get3A_5 = arith.constant 0 : index
    %get3A_6 = arith.constant 0 : index
    %get3A_7 = vector.load %arg3[%get3A_4, %get3A_5, %get3A_6] : memref<1x1000x128xf32, #tpu.memory_space<vmem>>, vector<1x1000x128xf32>
    %get3A_8 = vector.shape_cast %get3A_7 : vector<1x1000x128xf32> to vector<1000x128xf32>
    %slice3A = vector.extract_strided_slice %get3A_3 {offsets = [0, 0], sizes = [1000, 1], strides = [1, 1]} : vector<1000x128xf32> to vector<1000x1xf32>
    %slice3A_9 = vector.extract_strided_slice %get3A_8 {offsets = [0, 0], sizes = [1000, 1], strides = [1, 1]} : vector<1000x128xf32> to vector<1000x1xf32>
    %add3A = arith.addf %slice3A, %slice3A_9 : vector<1000x1xf32>
    %add3A_10 = arith.constant 1.000000e+00 : f32
    %add3A_11 = vector.broadcast %add3A_10 : f32 to vector<1000x1xf32>
    %add3A_12 = arith.addf %add3A, %add3A_11 : vector<1000x1xf32>
    %rsqrt3A = math.rsqrt %add3A_12 : vector<1000x1xf32>
    %get3A_13 = arith.constant 0 : index
    %get3A_14 = arith.constant 0 : index
    %get3A_15 = vector.load %arg1[%get3A_13, %get3A_14] : memref<1000x128xf32, #tpu.memory_space<vmem>>, vector<1000x128xf32>
    %mul3A = vector.broadcast %rsqrt3A : vector<1000x1xf32> to vector<1000x128xf32>
    %mul3A_16 = arith.mulf %get3A_15, %mul3A : vector<1000x128xf32>
    %swap3A = arith.constant 0 : index
    %swap3A_17 = arith.constant 0 : index
    %swap3A_18 = vector.load %arg4[%swap3A, %swap3A_17] : memref<1000x128xf32, #tpu.memory_space<vmem>>, vector<1000x128xf32>
    tpu.vector_store %arg4[%swap3A, %swap3A_17], %mul3A_16 {strides = array<i32>} : memref<1000x128xf32, #tpu.memory_space<vmem>>, vector<1000x128xf32>,
    return
  }
  func.func @transform_0(%arg0: i32) -> (i32, i32) {
    %c0_i32 = arith.constant 0 : i32
    %c0_i32_0 = arith.constant 0 : i32
    return %arg0, %c0_i32 : i32, i32
  }
  func.func @transform_1(%arg0: i32) -> (i32, i32, i32) {
    %c0_i32 = arith.constant 0 : i32
    %c0_i32_0 = arith.constant 0 : i32
    %c0_i32_1 = arith.constant 0 : i32
    return %c0_i32, %arg0, %c0_i32_0 : i32, i32, i32
  }
  func.func @transform_2(%arg0: i32) -> (i32, i32, i32) {
    %c1_i32 = arith.constant 1 : i32
    %c0_i32 = arith.constant 0 : i32
    %c0_i32_0 = arith.constant 0 : i32
    return %c1_i32, %arg0, %c0_i32 : i32, i32, i32
  }
  func.func @transform_3(%arg0: i32) -> (i32, i32) {
    %c0_i32 = arith.constant 0 : i32
    %c0_i32_0 = arith.constant 0 : i32
    return %arg0, %c0_i32 : i32, i32
  }
}

module attributes {stable_mosaic.version = 14 : i64} {
  func.func @_tc2_body(%arg0: i32, %arg1: memref<1000x128xf32, #tpu.memory_space<vmem>>, %arg2: memref<1x1000x128xf32, #tpu.memory_space<vmem>>, %arg3: memref<1x1000x128xf32, #tpu.memory_space<vmem>>, %arg4: memref<1x1000x128xf32, #tpu.memory_space<vmem>>, %arg5: memref<1x1000x128xf32, #tpu.memory_space<vmem>>, %arg6: memref<1x128xf32, #tpu.memory_space<vmem>>, %arg7: memref<128x128xf32, #tpu.memory_space<vmem>>, %arg8: memref<1000x128xf32, #tpu.memory_space<vmem>>) attributes {dimension_semantics = [#tpu.dimension_semantics<arbitrary>], iteration_bounds = array<i64: 10>, scalar_prefetch = 0 : i64, scratch_operands = 0 : i64, tpu.core_type = #tpu.core_type<tc>, window_params = [{transform_indices = @transform_0, window_bounds = array<i64: 1000, 128>}, {transform_indices = @transform_1, window_bounds = array<i64: 1, 1000, 128>}, {transform_indices = @transform_2, window_bounds = array<i64: 1, 1000, 128>}, {transform_indices = @transform_3, window_bounds = array<i64: 1, 1000, 128>}, {transform_indices = @transform_4, window_bounds = array<i64: 1, 1000, 128>}, {pipeline_mode = #tpu.pipeline_mode<synchronous>, transform_indices = @transform_5, window_bounds = array<i64: 1, 128>}, {pipeline_mode = #tpu.pipeline_mode<synchronous>, transform_indices = @transform_6, window_bounds = array<i64: 128, 128>}, {transform_indices = @transform_7, window_bounds = array<i64: 1000, 128>}]} {
    %get3A = arith.constant 0 : index
    %get3A_0 = arith.constant 0 : index
    %get3A_1 = arith.constant 0 : index
    %get3A_2 = vector.load %arg4[%get3A, %get3A_0, %get3A_1] : memref<1x1000x128xf32, #tpu.memory_space<vmem>>, vector<1x1000x128xf32>
    %get3A_3 = vector.shape_cast %get3A_2 : vector<1x1000x128xf32> to vector<1000x128xf32>
    %get3A_4 = arith.constant 0 : index
    %get3A_5 = arith.constant 0 : index
    %get3A_6 = arith.constant 0 : index
    %get3A_7 = vector.load %arg5[%get3A_4, %get3A_5, %get3A_6] : memref<1x1000x128xf32, #tpu.memory_space<vmem>>, vector<1x1000x128xf32>
    %get3A_8 = vector.shape_cast %get3A_7 : vector<1x1000x128xf32> to vector<1000x128xf32>
    %slice3A = vector.extract_strided_slice %get3A_3 {offsets = [0, 0], sizes = [1000, 1], strides = [1, 1]} : vector<1000x128xf32> to vector<1000x1xf32>
    %slice3A_9 = vector.extract_strided_slice %get3A_8 {offsets = [0, 0], sizes = [1000, 1], strides = [1, 1]} : vector<1000x128xf32> to vector<1000x1xf32>
    %add3A = arith.addf %slice3A, %slice3A_9 : vector<1000x1xf32>
    %add3A_10 = arith.constant 1.000000e+00 : f32
    %add3A_11 = vector.broadcast %add3A_10 : f32 to vector<1000x1xf32>
    %add3A_12 = arith.addf %add3A, %add3A_11 : vector<1000x1xf32>
    %rsqrt3A = math.rsqrt %add3A_12 : vector<1000x1xf32>
    %get3A_13 = arith.constant 0 : index
    %get3A_14 = arith.constant 0 : index
    %get3A_15 = arith.constant 0 : index
    %get3A_16 = vector.load %arg2[%get3A_13, %get3A_14, %get3A_15] : memref<1x1000x128xf32, #tpu.memory_space<vmem>>, vector<1x1000x128xf32>
    %get3A_17 = vector.shape_cast %get3A_16 : vector<1x1000x128xf32> to vector<1000x128xf32>
    %get3A_18 = arith.constant 0 : index
    %get3A_19 = arith.constant 0 : index
    %get3A_20 = arith.constant 0 : index
    %get3A_21 = vector.load %arg3[%get3A_18, %get3A_19, %get3A_20] : memref<1x1000x128xf32, #tpu.memory_space<vmem>>, vector<1x1000x128xf32>
    %get3A_22 = vector.shape_cast %get3A_21 : vector<1x1000x128xf32> to vector<1000x128xf32>
    %add3A_23 = arith.addf %get3A_17, %get3A_22 : vector<1000x128xf32>
    %get3A_24 = arith.constant 0 : index
    %get3A_25 = arith.constant 0 : index
    %get3A_26 = vector.load %arg1[%get3A_24, %get3A_25] : memref<1000x128xf32, #tpu.memory_space<vmem>>, vector<1000x128xf32>
    %add3A_27 = arith.addf %add3A_23, %get3A_26 : vector<1000x128xf32>
    %mul3A = vector.broadcast %rsqrt3A : vector<1000x1xf32> to vector<1000x128xf32>
    %mul3A_28 = arith.mulf %mul3A, %add3A_27 : vector<1000x128xf32>
    %get3A_29 = arith.constant 0 : index
    %get3A_30 = arith.constant 0 : index
    %get3A_31 = vector.load %arg6[%get3A_29, %get3A_30] : memref<1x128xf32, #tpu.memory_space<vmem>>, vector<1x128xf32>
    %add3A_32 = vector.broadcast %get3A_31 : vector<1x128xf32> to vector<1000x128xf32>
    %add3A_33 = arith.addf %mul3A_28, %add3A_32 : vector<1000x128xf32>
    %max3A = arith.constant 0.000000e+00 : f32
    %max3A_34 = vector.broadcast %max3A : f32 to vector<1000x128xf32>
    %max3A_35 = arith.maximumf %add3A_33, %max3A_34 : vector<1000x128xf32>
    %get3A_36 = arith.constant 0 : index
    %get3A_37 = arith.constant 0 : index
    %get3A_38 = vector.load %arg7[%get3A_36, %get3A_37] : memref<128x128xf32, #tpu.memory_space<vmem>>, vector<128x128xf32>
    %dot_general3A = arith.constant dense<0.000000e+00> : vector<1000x128xf32>
    %dot_general3A_39 = tpu.matmul %max3A_35, %get3A_38, %dot_general3A {dimension_numbers = #tpu.dot_dimension_numbers<[1], [0], [0], [1], [0, 0, 1, 1], [], []>, transpose_lhs_hint = false} : vector<1000x128xf32>, vector<128x128xf32>, vector<1000x128xf32> -> vector<1000x128xf32>
    %mul3A_40 = vector.broadcast %rsqrt3A : vector<1000x1xf32> to vector<1000x128xf32>
    %mul3A_41 = arith.mulf %dot_general3A_39, %mul3A_40 : vector<1000x128xf32>
    %swap3A = arith.constant 0 : index
    %swap3A_42 = arith.constant 0 : index
    %swap3A_43 = vector.load %arg8[%swap3A, %swap3A_42] : memref<1000x128xf32, #tpu.memory_space<vmem>>, vector<1000x128xf32>
    tpu.vector_store %arg8[%swap3A, %swap3A_42], %mul3A_41 {strides = array<i32>} : memref<1000x128xf32, #tpu.memory_space<vmem>>, vector<1000x128xf32>,
    return
  }
  func.func @transform_0(%arg0: i32) -> (i32, i32) {
    %c0_i32 = arith.constant 0 : i32
    %c0_i32_0 = arith.constant 0 : i32
    return %arg0, %c0_i32 : i32, i32
  }
  func.func @transform_1(%arg0: i32) -> (i32, i32, i32) {
    %c0_i32 = arith.constant 0 : i32
    %c0_i32_0 = arith.constant 0 : i32
    %c0_i32_1 = arith.constant 0 : i32
    return %c0_i32, %arg0, %c0_i32_0 : i32, i32, i32
  }
  func.func @transform_2(%arg0: i32) -> (i32, i32, i32) {
    %c1_i32 = arith.constant 1 : i32
    %c0_i32 = arith.constant 0 : i32
    %c0_i32_0 = arith.constant 0 : i32
    return %c1_i32, %arg0, %c0_i32 : i32, i32, i32
  }
  func.func @transform_3(%arg0: i32) -> (i32, i32, i32) {
    %c0_i32 = arith.constant 0 : i32
    %c0_i32_0 = arith.constant 0 : i32
    %c0_i32_1 = arith.constant 0 : i32
    return %c0_i32, %arg0, %c0_i32_0 : i32, i32, i32
  }
  func.func @transform_4(%arg0: i32) -> (i32, i32, i32) {
    %c1_i32 = arith.constant 1 : i32
    %c0_i32 = arith.constant 0 : i32
    %c0_i32_0 = arith.constant 0 : i32
    return %c1_i32, %arg0, %c0_i32 : i32, i32, i32
  }
  func.func @transform_5(%arg0: i32) -> (i32, i32) {
    %c0_i32 = arith.constant 0 : i32
    %c0_i32_0 = arith.constant 0 : i32
    %c0_i32_1 = arith.constant 0 : i32
    return %c0_i32, %c0_i32_0 : i32, i32
  }
  func.func @transform_6(%arg0: i32) -> (i32, i32) {
    %c0_i32 = arith.constant 0 : i32
    %c0_i32_0 = arith.constant 0 : i32
    %c0_i32_1 = arith.constant 0 : i32
    return %c0_i32, %c0_i32_0 : i32, i32
  }
  func.func @transform_7(%arg0: i32) -> (i32, i32) {
    %c0_i32 = arith.constant 0 : i32
    %c0_i32_0 = arith.constant 0 : i32
    return %arg0, %c0_i32 : i32, i32
  }
}

module attributes {stable_mosaic.version = 14 : i64} {
  func.func @_tc3_body(%arg0: i32, %arg1: memref<1000x128xf32, #tpu.memory_space<vmem>>, %arg2: memref<1x1000x128xf32, #tpu.memory_space<vmem>>, %arg3: memref<1x1000x128xf32, #tpu.memory_space<vmem>>, %arg4: memref<1x1000x128xf32, #tpu.memory_space<vmem>>, %arg5: memref<1x1000x128xf32, #tpu.memory_space<vmem>>, %arg6: memref<1x128xf32, #tpu.memory_space<vmem>>, %arg7: memref<1000x128xf32, #tpu.memory_space<vmem>>) attributes {dimension_semantics = [#tpu.dimension_semantics<arbitrary>], iteration_bounds = array<i64: 10>, scalar_prefetch = 0 : i64, scratch_operands = 0 : i64, tpu.core_type = #tpu.core_type<tc>, window_params = [{transform_indices = @transform_0, window_bounds = array<i64: 1000, 128>}, {transform_indices = @transform_1, window_bounds = array<i64: 1, 1000, 128>}, {transform_indices = @transform_2, window_bounds = array<i64: 1, 1000, 128>}, {transform_indices = @transform_3, window_bounds = array<i64: 1, 1000, 128>}, {transform_indices = @transform_4, window_bounds = array<i64: 1, 1000, 128>}, {pipeline_mode = #tpu.pipeline_mode<synchronous>, transform_indices = @transform_5, window_bounds = array<i64: 1, 128>}, {transform_indices = @transform_6, window_bounds = array<i64: 1000, 128>}]} {
    %get3A = arith.constant 0 : index
    %get3A_0 = arith.constant 0 : index
    %get3A_1 = arith.constant 0 : index
    %get3A_2 = vector.load %arg4[%get3A, %get3A_0, %get3A_1] : memref<1x1000x128xf32, #tpu.memory_space<vmem>>, vector<1x1000x128xf32>
    %get3A_3 = vector.shape_cast %get3A_2 : vector<1x1000x128xf32> to vector<1000x128xf32>
    %get3A_4 = arith.constant 0 : index
    %get3A_5 = arith.constant 0 : index
    %get3A_6 = arith.constant 0 : index
    %get3A_7 = vector.load %arg5[%get3A_4, %get3A_5, %get3A_6] : memref<1x1000x128xf32, #tpu.memory_space<vmem>>, vector<1x1000x128xf32>
    %get3A_8 = vector.shape_cast %get3A_7 : vector<1x1000x128xf32> to vector<1000x128xf32>
    %slice3A = vector.extract_strided_slice %get3A_3 {offsets = [0, 0], sizes = [1000, 1], strides = [1, 1]} : vector<1000x128xf32> to vector<1000x1xf32>
    %slice3A_9 = vector.extract_strided_slice %get3A_8 {offsets = [0, 0], sizes = [1000, 1], strides = [1, 1]} : vector<1000x128xf32> to vector<1000x1xf32>
    %add3A = arith.addf %slice3A, %slice3A_9 : vector<1000x1xf32>
    %add3A_10 = arith.constant 1.000000e+00 : f32
    %add3A_11 = vector.broadcast %add3A_10 : f32 to vector<1000x1xf32>
    %add3A_12 = arith.addf %add3A, %add3A_11 : vector<1000x1xf32>
    %rsqrt3A = math.rsqrt %add3A_12 : vector<1000x1xf32>
    %get3A_13 = arith.constant 0 : index
    %get3A_14 = arith.constant 0 : index
    %get3A_15 = arith.constant 0 : index
    %get3A_16 = vector.load %arg2[%get3A_13, %get3A_14, %get3A_15] : memref<1x1000x128xf32, #tpu.memory_space<vmem>>, vector<1x1000x128xf32>
    %get3A_17 = vector.shape_cast %get3A_16 : vector<1x1000x128xf32> to vector<1000x128xf32>
    %get3A_18 = arith.constant 0 : index
    %get3A_19 = arith.constant 0 : index
    %get3A_20 = arith.constant 0 : index
    %get3A_21 = vector.load %arg3[%get3A_18, %get3A_19, %get3A_20] : memref<1x1000x128xf32, #tpu.memory_space<vmem>>, vector<1x1000x128xf32>
    %get3A_22 = vector.shape_cast %get3A_21 : vector<1x1000x128xf32> to vector<1000x128xf32>
    %add3A_23 = arith.addf %get3A_17, %get3A_22 : vector<1000x128xf32>
    %get3A_24 = arith.constant 0 : index
    %get3A_25 = arith.constant 0 : index
    %get3A_26 = vector.load %arg1[%get3A_24, %get3A_25] : memref<1000x128xf32, #tpu.memory_space<vmem>>, vector<1000x128xf32>
    %add3A_27 = arith.addf %add3A_23, %get3A_26 : vector<1000x128xf32>
    %mul3A = vector.broadcast %rsqrt3A : vector<1000x1xf32> to vector<1000x128xf32>
    %mul3A_28 = arith.mulf %mul3A, %add3A_27 : vector<1000x128xf32>
    %get3A_29 = arith.constant 0 : index
    %get3A_30 = arith.constant 0 : index
    %get3A_31 = vector.load %arg6[%get3A_29, %get3A_30] : memref<1x128xf32, #tpu.memory_space<vmem>>, vector<1x128xf32>
    %add3A_32 = vector.broadcast %get3A_31 : vector<1x128xf32> to vector<1000x128xf32>
    %add3A_33 = arith.addf %mul3A_28, %add3A_32 : vector<1000x128xf32>
    %swap3A = arith.constant 0 : index
    %swap3A_34 = arith.constant 0 : index
    %swap3A_35 = vector.load %arg7[%swap3A, %swap3A_34] : memref<1000x128xf32, #tpu.memory_space<vmem>>, vector<1000x128xf32>
    tpu.vector_store %arg7[%swap3A, %swap3A_34], %add3A_33 {strides = array<i32>} : memref<1000x128xf32, #tpu.memory_space<vmem>>, vector<1000x128xf32>,
    return
  }
  func.func @transform_0(%arg0: i32) -> (i32, i32) {
    %c0_i32 = arith.constant 0 : i32
    %c0_i32_0 = arith.constant 0 : i32
    return %arg0, %c0_i32 : i32, i32
  }
  func.func @transform_1(%arg0: i32) -> (i32, i32, i32) {
    %c0_i32 = arith.constant 0 : i32
    %c0_i32_0 = arith.constant 0 : i32
    %c0_i32_1 = arith.constant 0 : i32
    return %c0_i32, %arg0, %c0_i32_0 : i32, i32, i32
  }
  func.func @transform_2(%arg0: i32) -> (i32, i32, i32) {
    %c1_i32 = arith.constant 1 : i32
    %c0_i32 = arith.constant 0 : i32
    %c0_i32_0 = arith.constant 0 : i32
    return %c1_i32, %arg0, %c0_i32 : i32, i32, i32
  }
  func.func @transform_3(%arg0: i32) -> (i32, i32, i32) {
    %c0_i32 = arith.constant 0 : i32
    %c0_i32_0 = arith.constant 0 : i32
    %c0_i32_1 = arith.constant 0 : i32
    return %c0_i32, %arg0, %c0_i32_0 : i32, i32, i32
  }
  func.func @transform_4(%arg0: i32) -> (i32, i32, i32) {
    %c1_i32 = arith.constant 1 : i32
    %c0_i32 = arith.constant 0 : i32
    %c0_i32_0 = arith.constant 0 : i32
    return %c1_i32, %arg0, %c0_i32 : i32, i32, i32
  }
  func.func @transform_5(%arg0: i32) -> (i32, i32) {
    %c0_i32 = arith.constant 0 : i32
    %c0_i32_0 = arith.constant 0 : i32
    %c0_i32_1 = arith.constant 0 : i32
    return %c0_i32, %c0_i32_0 : i32, i32
  }
  func.func @transform_6(%arg0: i32) -> (i32, i32) {
    %c0_i32 = arith.constant 0 : i32
    %c0_i32_0 = arith.constant 0 : i32
    return %arg0, %c0_i32 : i32, i32
  }
}

</mosaic_0001>

<sc_bundles>
// kernel: kernel.12.cloned.1.call-start
scs
__scs_entry_jumppad:
0x0: {  	(pc) =	sbr.rel $0x88, $3  }
0x1: {  	(tag) =	ssettag $0x0;
	lr =	simm.s32 $0x1  }
0x2: {  	[smem:$0x3F9B] =	sst lr;
	_ =	strace $0xD0000000  }
0x3: {  	_ = 	snop  }
0x4: {  	_ = 	snop  }
0x5: {  	_ = 	snop  }
0x6: {  	_ = 	snop  }
0x7: {  	_ = 	snop  }
__scs_overlays_trampoline_lowered:
0x8: {  	[smem:$0x3FAA] =	sst s0  }
0x9: {  	[smem:$0x3FAB] =	sst s1  }
0xa: {  	[smem:$0x3FAC] =	sst s2  }
0xb: {  	[smem:$0x3FAD] =	sst s3  }
0xc: {  	[smem:$0x3FAE] =	sst s4  }
0xd: {  	[smem:$0x3FAF] =	sst s5  }
0xe: {  	[smem:$0x3FB0] =	sst s6  }
0xf: {  	[smem:$0x3FB1] =	sst s7  }
0x10: {  	[smem:$0x3FB2] =	sst s8  }
0x11: {  	[smem:$0x3FB3] =	sst s9;
	s0 =	simm.s32 @!p0 $0x0  }
0x12: {  	s1 =	sld [smem:$0x3F99];
	s0 =	simm.s32 @p0 $0x1  }
0x13: {  	[smem:$0x3FB4] =	sst s0;
	s0 =	simm.s32 @!p1 $0x0  }
0x14: {  	s2 =	sld [smem:$0x3F98];
	s0 =	simm.s32 @p1 $0x1  }
0x15: {  	[smem:$0x3FB5] =	sst s0;
	s0 =	simm.s32 @!p2 $0x0  }
0x16: {  	s3 =	sld [smem:$0x3FDB];
	s0 =	simm.s32 @p2 $0x1  }
0x17: {  	s4 =	simm.s32 $0x1BF5;
	[smem:$0x3FB7] =	sst s0  }
0x18: {  	s0 =	sld [smem:$0x3F9A];
	_ =	swait.ge [sflag:s4], $0x0  }
0x19: {  	s7 =	sld [smem:$0x3F9B]  }
0x1a: {  	s8 =	sadd.s32 $0xFFFFE003, lr  }
0x1b: {  	s9 =	sadd.s32 $0xFFFFFEF7, lr;
	s5 =	simm.s32 $0xFFFFFFFF;
	p2 =	slt.u32 s8, $0xFFFFF086  }
0x1c: {  	p1 =	slt.u32 s9, $0xF7A;
	s5 =	simm.s32 @!p2 $0x0  }
0x1d: {  	s5 =	simm.s32 @p1 $0x1;
	p0 =	seq.s32 s7, s2  }
0x1e: {  	s7 =	smul.u32 @!p0 $0xF7A, s2;
	p2 =	seq.s32 @!p0 s5, $0x0  }
0x1f: {  	s9 =	smul.u32 $0xF7A, s1;
	s8 =	simm.s32 @!p0 $0x1BF5;
	p2 =	por !p2, p0  }
0x20: {  	[sflag:s8] =	ssyncset.s32 @!p0 $0xFFFFF086;
	s6 =	sadd.s32 @!p0 s3, s7;
	s7 =	simm.s32 @!p0 $0x108  }
0x21: {  	s3 =	sadd.s32 s3, s9;
	s6 =	sadd.s32 @!p0 $0x88, s6;
	s7 =	simm.s32 @p2 $0x1082  }
0x22: {  	[simem:s7], [sflag:s8] =	dma.local @!p0 [hbm:s6], $0xF7A  }
0x23: {  	s9 =	sor.u32 $0xD0000000, s2;
	s6 =	simm.s32 $0x108;
	_ =	swait.ge @!p0 [sflag:s8], $0x0  }
0x24: {  	s3 =	sadd.s32 $0x88, s3;
	s6 =	simm.s32 @!p1 $0x1082;
	[sflag:s4] =	ssyncset.s32 $0xFFFFF086  }
0x25: {  	[simem:s6], [sflag:s4] =	dma.local [hbm:s3], $0xF7A  }
0x26: {  	[smem:$0x3F9B] =	sst s1;
	(tag) =	ssettag s2;
	_ =	strace s9  }
0x27: {  	s1 =	sld [smem:$0x3FAB]  }
0x28: {  	s2 =	sld [smem:$0x3FAC]  }
0x29: {  	s4 =	sld [smem:$0x3FAE]  }
0x2a: {  	p0 =	seq.s32 s5, $0x0;
	s5 =	sld [smem:$0x3FAF]  }
0x2b: {  	s6 =	sld [smem:$0x3FB0]  }
0x2c: {  	s7 =	sld [smem:$0x3FB1]  }
0x2d: {  	s3 =	simm.s32 $0x108;
	s8 =	sld [smem:$0x3FB2]  }
0x2e: {  	s3 =	simm.s32 @!p0 $0x1082;
	s9 =	sld [smem:$0x3FB3]  }
0x2f: {  	lr =	sadd.s32 s0, s3;
	s0 =	sld [smem:$0x3FAA]  }
0x30: {  	s3 =	sld [smem:$0x3FAD]  }
0x31: {  	[smem:$0x3FB6] =	sst s10  }
0x32: {  	s10 =	sld [smem:$0x3FB4];
	_ =	sdelay $0x3  }
0x33: {  	p0 =	seq.s32 s10, $0x1;
	s10 =	sld [smem:$0x3FB6];
	_ =	sdelay $0x3  }
0x34: {  	[smem:$0x3FB6] =	sst s10  }
0x35: {  	s10 =	sld [smem:$0x3FB5];
	_ =	sdelay $0x3  }
0x36: {  	p1 =	seq.s32 s10, $0x1;
	s10 =	sld [smem:$0x3FB6];
	_ =	sdelay $0x3  }
0x37: {  	[smem:$0x3FB6] =	sst s10  }
0x38: {  	s10 =	sld [smem:$0x3FB7]  }
0x39: {  	_ = 	snop;
	(pc) =	sbr.ind lr, $3  }
0x3a: {  	_ = 	snop  }
0x3b: {  	_ = 	snop  }
0x3c: {  	p2 =	seq.s32 s10, $0x1;
	s10 =	sld [smem:$0x3FB6]  }
0x3d: {  	_ =	shalt  }
0x3e: {  	_ =	shalt  }
0x3f: {  	_ =	shalt  }
0x40: {  	_ =	shalt  }
0x41: {  	_ =	shalt  }
0x42: {  	_ =	shalt  }
0x43: {  	_ =	shalt  }
0x44: {  	_ =	shalt  }
0x45: {  	_ =	shalt  }
0x46: {  	_ =	shalt  }
0x47: {  	_ =	shalt  }
0x48: {  	_ =	shalt  }
0x49: {  	_ =	shalt  }
0x4a: {  	_ =	shalt  }
0x4b: {  	_ =	shalt  }
0x4c: {  	_ =	shalt  }
0x4d: {  	_ =	shalt  }
0x4e: {  	_ =	shalt  }
0x4f: {  	_ =	shalt  }
0x50: {  	_ =	shalt  }
0x51: {  	_ =	shalt  }
0x52: {  	_ =	shalt  }
0x53: {  	_ =	shalt  }
0x54: {  	_ =	shalt  }
0x55: {  	_ =	shalt  }
0x56: {  	_ =	shalt  }
0x57: {  	_ =	shalt  }
0x58: {  	_ =	shalt  }
0x59: {  	_ =	shalt  }
0x5a: {  	_ =	shalt  }
0x5b: {  	_ =	shalt  }
0x5c: {  	_ =	shalt  }
0x5d: {  	_ =	shalt  }
0x5e: {  	_ =	shalt  }
0x5f: {  	_ =	shalt  }
0x60: {  	_ =	shalt  }
0x61: {  	_ =	shalt  }
0x62: {  	_ =	shalt  }
0x63: {  	_ =	shalt  }
0x64: {  	_ =	shalt  }
0x65: {  	_ =	shalt  }
0x66: {  	_ =	shalt  }
0x67: {  	_ =	shalt  }
0x68: {  	_ =	shalt  }
0x69: {  	_ =	shalt  }
0x6a: {  	_ =	shalt  }
0x6b: {  	_ =	shalt  }
0x6c: {  	_ =	shalt  }
0x6d: {  	_ =	shalt  }
0x6e: {  	_ =	shalt  }
0x6f: {  	_ =	shalt  }
0x70: {  	_ =	shalt  }
0x71: {  	_ =	shalt  }
0x72: {  	_ =	shalt  }
0x73: {  	_ =	shalt  }
0x74: {  	_ =	shalt  }
0x75: {  	_ =	shalt  }
0x76: {  	_ =	shalt  }
0x77: {  	_ =	shalt  }
0x78: {  	_ =	shalt  }
0x79: {  	_ =	shalt  }
0x7a: {  	_ =	shalt  }
0x7b: {  	_ =	shalt  }
0x7c: {  	_ =	shalt  }
0x7d: {  	_ =	shalt  }
0x7e: {  	_ =	shalt  }
0x7f: {  	_ =	shalt  }
0x80: {  	_ =	shalt  }
0x81: {  	_ =	shalt  }
0x82: {  	_ =	shalt  }
0x83: {  	_ =	shalt  }
0x84: {  	_ =	shalt  }
0x85: {  	_ =	shalt  }
0x86: {  	_ =	shalt  }
0x87: {  	_ =	shalt  }
.Lfunc_end0:
.L_simem_size_0:
called_computation.1_lowered:
.L_overlay_start_0:
0x88: {  	s2 =	sld [smem:$0x3FD9]  }
0x89: {  	s3 =	sld [smem:$0x3FFE];
	_ =	sdelay $0x1  }
0x8a: {  	s1 =	srdreg.scid  }
0x8b: {  	s0 =	sand.u32 $0x1, s1  }
0x8c: {  	s17 =	sshll.u32 s0, $0xA;
	s2 =	sadd.s32 s3, s2  }
0x8d: {  	s2 =	sadd.s32 s2, s17  }
0x8e: {  	[smem:$0x3FC2] =	sst s2  }
0x8f: {  	_ = 	snop  }
0x90: {  	s2 =	sld [smem:$0x3FD0];
	(tm) =	ssettm $0x1  }
0x91: {  	s18 =	sld [smem:$0x3FFB];
	_ =	sdelay $0x3  }
0x92: {  	_ =	strace s18  }
0x93: {  	s3 =	sld [smem:$0x3FFC];
	_ =	sdelay $0x3  }
0x94: {  	_ =	strace s3  }
0x95: {  	s3 =	sld [smem:$0x3FFD];
	_ =	sdelay $0x3  }
0x96: {  	_ =	strace s3  }
0x97: {  	_ =	strace $0x8FFFFFFF  }
0x98: {  	s19 =	sld [smem:$0x3FDB];
	_ =	sdelay $0x1  }
0x99: {  	s4 =	simm.s32 $_scs_section_size  }
0x9a: {  	s5 =	simm.s32 $_size__tile_overlayer_lowered;
	s6 =	simm.s32 $_tile_overlayer_lowered  }
0x9b: {  	s22 =	simm.s32 $0x1BFF;
	s21 =	sshll.u32 s6, $0x1;
	s3 =	sadd.s32 s4, s19  }
0x9c: {  	s7 =	simm.s32 $0x0;
	s20 =	sshll.u32 s5, $0x1;
	s5 =	sadd.s32 s21, s3  }
0x9d: {  	[timem:s7], [sflag:s22] =	dma.local [hbm:s5], s20  }
0x9e: {  	_ =	swait.ge [sflag:s22], s20  }
0x9f: {  	s4 =	ssub.s32 $0x0, s20;
	[sflag:s22] =	ssyncset.done $0x0  }
0xa0: {  	[sflag:s22] =	ssyncadd.s32 s4;
	_ =	sdelay $0x1  }
0xa1: {  	s23 =	simm.s32 $0x1B8B  }
0xa2: {  	_ =	swait.ge [sflag:s23], $0x1  }
0xa3: {  	[sflag:s23] =	ssyncset.done $0x0  }
0xa4: {  	s25 =	simm.s32 $0x1B8E;
	s24 =	sld [smem:$0x3FFE];
	[sflag:s23] =	ssyncadd.s32 $0xFFFFFFFF  }
0xa5: {  	s26 =	simm.s32 $execute0_lowered;
	[smem:$0x3FD2] =	sst s25  }
0xa6: {  	s5 =	sshll.u32 s26, $0x1;
	_ =	strace $0x80000049;
	[dreg:$0x1] =	wrdreg $0xFFFFFFFF  }
0xa7: {  	s28 =	simm.s32 $_size_execute0_lowered;
	s3 =	sadd.s32 s3, s5;
	[dreg:$0x0] =	wrdreg $0x0  }
0xa8: {  	s5 =	sshll.u32 s28, $0x1;
	[dreg:$0x2] =	wrdreg s3  }
0xa9: {  	[dreg:$0x3] =	wrdreg s5  }
0xaa: {  	[dreg:$0x4] =	wrdreg $0xC0  }
0xab: {  	_ =	task [dreg:s7], $0x5FFFF  }
0xac: {  	[dreg:$0x1] =	wrdreg $0xFFFFFFFF  }
0xad: {  	[dreg:$0x0] =	wrdreg $0x60  }
0xae: {  	[dreg:$0x2] =	wrdreg s24  }
0xaf: {  	[dreg:$0x3] =	wrdreg s2  }
0xb0: {  	[dreg:$0x4] =	wrdreg $0xA8000  }
0xb1: {  	[dreg:$0x5] =	wrdreg $0x9  }
0xb2: {  	_ =	task.clear_ibuf [dreg:s7], $0x6FFFF;
	_ =	strace $0x90000049  }
0xb3: {  	s29 =	simm.s32 $0x9;
	_ =	strace $0x8000004B  }
0xb4: {  	_ =	swait.ge [sflag:s29], $0x1  }
0xb5: {  	[sflag:s29] =	ssyncadd.s32 $0xFFFFFFFF  }
0xb6: {  	_ =	strace $0x9000004B  }
0xb7: {  	_ =	sfence  }
0xb8: {  	s30 =	sld [smem:$0x0];
	_ =	sdelay $0x2  }
0xb9: {  	s31 =	sshll.u32 s1, $0xD;
	s1 =	sshrl.u32 s1, $0x2  }
0xba: {  	s3 =	sand.u32 $0x4000, s31;
	s1 =	sadd.s32 s1, s30  }
0xbb: {  	s0 =	sor.u32 s3, s0;
	s1 =	sshll.u32 s1, $0x11  }
0xbc: {  	s0 =	sor.u32 s1, s0  }
0xbd: {  	s0 =	sadd.s32 $0x8F2B, s0  }
0xbe: {  	[sflag:s0] =	ssyncadd.remote.s32 $0x1  }
0xbf: {  	_ =	sfence.sel $0xFFFF  }
0xc0: {  	[dreg:$0x0] =	wrdreg $0xFFFFFFFF;
	(pc) =	sbr.abs _section_cstart, $3  }
0xc1: {  	[dreg:$0x1] =	wrdreg $0xFFFFFFFF  }
0xc2: {  	_ =	task.clear_ibuf [dreg:s7], $0x2FFFF;
	_ =	strace $0x9FFFFFFF  }
0xc3: {  	(tm) =	ssettm $0x7FFFFFFF  }
tec
execute0_lowered:
.L_overlay_start_1:
0x0: {  	(tag) =	ssettag $0x1  }
0x1: {  	s6 =	rddreg [dreg:$0x0]  }
0x2: {  	s1 =	rddreg [dreg:$0x1]  }
0x3: {  	s2 =	rddreg [dreg:$0x2];
	s3 =	srdreg.scid;
	s4 =	simm.s32 $0x0  }
0x4: {  	s0 =	stileid.u32;
	s16 =	simm.s32 $0x40;
	s17 =	simm.s32 $0x2800  }
0x5: {  	s18 =	simm.s32 $0x4800;
	s19 =	simm.s32 $0x1;
	s20 =	simm.s32 $0x2  }
0x6: {  	s21 =	simm.s32 $0x6800;
	s22 =	simm.s32 $0x8800;
	s28 =	simm.s32 $0x2780  }
0x7: {  	s29 =	simm.s32 $0x0;
	s7 =	sand.u32 $0x1, s3;
	[smem:$0x7FF] =	sst s4  }
0x8: {  	s9 =	smul.u32 $0x14000, s0;
	s10 =	sadd.s32 $0xCA00, s6;
	s11 =	sadd.s32 $0x2A00, s6  }
0x9: {  	s23 =	sadd.s32 $0x16A00, s6;
	s12 =	smul.u32 $0x50000, s0;
	s26 =	sshll.u32 s0, $0x6  }
0xa: {  	s8 =	smul.u32 $0x140000, s7;
	_ =	strace $0x8000004A;
	[dreg:$0x4] =	wrdreg s23  }
0xb: {  	s24 =	sshll.u32 s7, $0x4;
	s7 =	ssub.s32 $0x2, s7;
	s23 =	simm.s32 $0x80  }
0xc: {  	s13 =	sshrl.u32 s7, $0x1;
	s25 =	sshrl.u32 s12, $0x2;
	s8 =	sadd.s32 s9, s8  }
0xd: {  	s9 =	sor.u32 s0, s24;
	s13 =	ssub.s32 s7, s13;
	s15 =	sadd.s32 s25, s2  }
0xe: {  	s24 =	simm.s32 $0x1380;
	s25 =	simm.s32 $0x13C0;
	s9 =	smul.u32 $0x2800, s9  }
0xf: {  	s8 =	sshrl.u32 s8, $0x3;
	s12 =	smax.u32 s13, $0x1;
	s13 =	sshrl.u32 s15, $0x3  }
0x10: {  	s15 =	simm.s32 $0x1400;
	s14 =	sadd.s32 s8, s6;
	s30 =	sshrl.u32 s9, $0x3  }
0x11: {  	s6 =	sor.u32 $0x1C03, s26;
	s26 =	simm.s32 $0x2700;
	s31 =	sadd.s32 $0x280, s30  }
0x12: {  	s7 =	sadd.s32 s10, s30;
	s8 =	sadd.s32 s11, s30;
	s9 =	sadd.s32 s10, s31  }
0x13: {  	s10 =	sadd.s32 s11, s31;
	s11 =	sadd.s32 $0x69200, s14;
	s14 =	simm.s32 $0x3  }
.LBB2_1:
0x14: {  	s0 =	rddreg [dreg:$0x4]  }
0x15: {  	[spmem:s13], [sflag:s6] =	dma.local [hbm:s0], $0x2800  }
0x16: {  	_ =	swait.ge [sflag:s14], $0x2800  }
0x17: {  	[sflag:s14] =	ssyncset.done $0x0  }
0x18: {  	[sflag:s14] =	ssyncadd.s32 $0xFFFFD800  }
0x19: {  	[bflag:$0x0] =	sbarrier.arrive $0xFFFF  }
0x1a: {  	[tilespmem:s4], [sflag:$0x3] =	stream.linear.gather [hbm4b:s7+s4], $0x1400, $0x38;
	[tilespmem:$0x1E800] =	vst v63  }
0x1b: {  	_ =	swait.ge [sflag:s14], $0x1400  }
0x1c: {  	[sflag:s14] =	ssyncset.done $0x0  }
0x1d: {  	[sflag:s14] =	ssyncadd.s32 $0xFFFFEC00  }
0x1e: {  	[tilespmem:s15], [sflag:$0x3] =	stream.linear.gather [hbm4b:s8+s4], $0x1400, $0x38;
	[tilespmem:$0x1E800] =	vst v63  }
0x1f: {  	_ =	swait.ge [sflag:s14], $0x1400  }
0x20: {  	[sflag:s14] =	ssyncset.done $0x0  }
0x21: {  	[sflag:s14] =	ssyncadd.s32 $0xFFFFEC00  }
0x22: {  	[tilespmem:s17], [sflag:$0x1] =	stream.indirect.gather [hbm4b:s1+s16], $0x80, s4, s16, $0xb8;
	[tilespmem:$0x1E800] =	vst v63  }
0x23: {  	_ = 	snop  }
0x24: {  	[tilespmem:s18], [sflag:$0x2] =	stream.indirect.gather [hbm4b:s1+s16], $0x80, s16, s16, $0xb8;
	[tilespmem:$0x1E800] =	vst v63  }
0x25: {  	_ =	swait.ge [sflag:s19], $0x2000  }
0x26: {  	[sflag:s19] =	ssyncset.done $0x0  }
0x27: {  	[sflag:s19] =	ssyncadd.s32 $0xFFFFE000  }
0x28: {  	_ =	swait.ge [sflag:s20], $0x2000  }
0x29: {  	[sflag:s20] =	ssyncset.done $0x0  }
0x2a: {  	s30 =	simm.s32 $0x80;
	[sflag:s20] =	ssyncadd.s32 $0xFFFFE000  }
0x2b: {  	[tilespmem:s21], [sflag:$0x1] =	stream.indirect.gather [hbm4b:s1+s16], $0x80, s30, s16, $0xb8;
	[tilespmem:$0x1E800] =	vst v63  }
0x2c: {  	s30 =	simm.s32 $0xC0  }
0x2d: {  	[tilespmem:s22], [sflag:$0x2] =	stream.indirect.gather [hbm4b:s1+s16], $0x80, s30, s16, $0xb8;
	[tilespmem:$0x1E800] =	vst v63  }
0x2e: {  	s30 =	simm.s32 $0x1400  }
0x2f: {  	[spmem:s2] =	stream.indirect.scatter.add.f32 [tilespmem:s17], [sflag:$0x3], $0x80, s30, s23, $0xb8;
	[tilespmem:$0x1E800] =	vst v63  }
0x30: {  	_ =	swait.ge [sflag:s14], $0x4000  }
0x31: {  	[sflag:s14] =	ssyncset.done $0x0  }
0x32: {  	[sflag:s14] =	ssyncadd.s32 $0xFFFFC000  }
0x33: {  	_ =	swait.ge [sflag:s19], $0x2000  }
0x34: {  	[sflag:s19] =	ssyncset.done $0x0  }
0x35: {  	[sflag:s19] =	ssyncadd.s32 $0xFFFFE000  }
0x36: {  	_ =	swait.ge [sflag:s20], $0x2000  }
0x37: {  	[sflag:s20] =	ssyncset.done $0x0  }
0x38: {  	s30 =	simm.s32 $0x100;
	[sflag:s20] =	ssyncadd.s32 $0xFFFFE000  }
0x39: {  	[tilespmem:s17], [sflag:$0x1] =	stream.indirect.gather [hbm4b:s1+s16], $0x80, s30, s16, $0xb8;
	[tilespmem:$0x1E800] =	vst v63  }
0x3a: {  	s30 =	simm.s32 $0x140  }
0x3b: {  	[tilespmem:s18], [sflag:$0x2] =	stream.indirect.gather [hbm4b:s1+s16], $0x80, s30, s16, $0xb8;
	[tilespmem:$0x1E800] =	vst v63  }
0x3c: {  	s30 =	simm.s32 $0x1480  }
0x3d: {  	[spmem:s2] =	stream.indirect.scatter.add.f32 [tilespmem:s21], [sflag:$0x3], $0x80, s30, s23, $0xb8;
	[tilespmem:$0x1E800] =	vst v63  }
0x3e: {  	_ =	swait.ge [sflag:s14], $0x4000  }
0x3f: {  	[sflag:s14] =	ssyncset.done $0x0  }
0x40: {  	[sflag:s14] =	ssyncadd.s32 $0xFFFFC000  }
0x41: {  	_ =	swait.ge [sflag:s19], $0x2000  }
0x42: {  	[sflag:s19] =	ssyncset.done $0x0  }
0x43: {  	[sflag:s19] =	ssyncadd.s32 $0xFFFFE000  }
0x44: {  	_ =	swait.ge [sflag:s20], $0x2000  }
0x45: {  	s31 =	simm.s32 $0x800;
	s30 =	simm.s32 $0x100;
	[sflag:s20] =	ssyncset.done $0x0  }
.LBB2_2:
0x46: {  	s0 =	sadd.s32 $0x80, s30  }
0x47: {  	[sflag:s20] =	ssyncadd.s32 $0xFFFFE000;
	s3 =	smov.u32 s31;
	s5 =	sadd.s32 $0x400, s31  }
0x48: {  	[tilespmem:s21], [sflag:$0x1] =	stream.indirect.gather [hbm4b:s1+s16], $0x80, s0, s16, $0xb8;
	[tilespmem:$0x1E800] =	vst v63  }
0x49: {  	p0 =	sne.s32 s31, $0x4800;
	s0 =	sadd.s32 $0xC0, s30  }
0x4a: {  	[tilespmem:s22], [sflag:$0x2] =	stream.indirect.gather [hbm4b:s1+s16], $0x80, s0, s16, $0xb8;
	[tilespmem:$0x1E800] =	vst v63  }
0x4b: {  	s0 =	sadd.s32 $0x1400, s30  }
0x4c: {  	[spmem:s2] =	stream.indirect.scatter.add.f32 [tilespmem:s17], [sflag:$0x3], $0x80, s0, s23, $0xb8;
	[tilespmem:$0x1E800] =	vst v63  }
0x4d: {  	_ =	swait.ge [sflag:s14], $0x4000  }
0x4e: {  	[sflag:s14] =	ssyncset.done $0x0  }
0x4f: {  	[sflag:s14] =	ssyncadd.s32 $0xFFFFC000  }
0x50: {  	_ =	swait.ge [sflag:s19], $0x2000  }
0x51: {  	[sflag:s19] =	ssyncset.done $0x0  }
0x52: {  	[sflag:s19] =	ssyncadd.s32 $0xFFFFE000  }
0x53: {  	_ =	swait.ge [sflag:s20], $0x2000  }
0x54: {  	[sflag:s20] =	ssyncset.done $0x0  }
0x55: {  	s0 =	sadd.s32 $0x100, s30;
	[sflag:s20] =	ssyncadd.s32 $0xFFFFE000  }
0x56: {  	[tilespmem:s17], [sflag:$0x1] =	stream.indirect.gather [hbm4b:s1+s16], $0x80, s0, s16, $0xb8;
	[tilespmem:$0x1E800] =	vst v63  }
0x57: {  	s0 =	sadd.s32 $0x140, s30  }
0x58: {  	[tilespmem:s18], [sflag:$0x2] =	stream.indirect.gather [hbm4b:s1+s16], $0x80, s0, s16, $0xb8;
	[tilespmem:$0x1E800] =	vst v63  }
0x59: {  	s0 =	sadd.s32 $0x1480, s30  }
0x5a: {  	[spmem:s2] =	stream.indirect.scatter.add.f32 [tilespmem:s21], [sflag:$0x3], $0x80, s0, s23, $0xb8;
	[tilespmem:$0x1E800] =	vst v63  }
0x5b: {  	_ =	swait.ge [sflag:s14], $0x4000  }
0x5c: {  	[sflag:s14] =	ssyncset.done $0x0  }
0x5d: {  	[sflag:s14] =	ssyncadd.s32 $0xFFFFC000  }
.Ltmp0:
0x5e: {  	_ =	swait.ge [sflag:s19], $0x2000;
	(pc) =	sbr.rel @p0 .LBB2_2-.Ltmp0, $4  }
0x5f: {  	[sflag:s19] =	ssyncset.done $0x0  }
0x60: {  	[sflag:s19] =	ssyncadd.s32 $0xFFFFE000  }
0x61: {  	_ =	swait.ge [sflag:s20], $0x2000  }
0x62: {  	s31 =	smov.u32 s5;
	s30 =	sshra.s32 s3, $0x2;
	[sflag:s20] =	ssyncset.done $0x0  }
0x63: {  	s0 =	sadd.s32 $0x80, s30;
	[sflag:s20] =	ssyncadd.s32 $0xFFFFE000  }
0x64: {  	[tilespmem:s21], [sflag:$0x1] =	stream.indirect.gather [hbm4b:s1+s16], $0x80, s0, s16, $0xb8;
	[tilespmem:$0x1E800] =	vst v63  }
0x65: {  	s3 =	sadd.s32 $0xC0, s30  }
0x66: {  	[tilespmem:s22], [sflag:$0x2] =	stream.indirect.gather [hbm4b:s1+s16], $0x80, s3, s16, $0xb8;
	[tilespmem:$0x1E800] =	vst v63  }
0x67: {  	s5 =	sadd.s32 $0x1400, s30  }
0x68: {  	[spmem:s2] =	stream.indirect.scatter.add.f32 [tilespmem:s17], [sflag:$0x3], $0x80, s5, s23, $0xb8;
	[tilespmem:$0x1E800] =	vst v63  }
0x69: {  	_ =	swait.ge [sflag:s14], $0x4000  }
0x6a: {  	[sflag:s14] =	ssyncset.done $0x0  }
0x6b: {  	[sflag:s14] =	ssyncadd.s32 $0xFFFFC000  }
0x6c: {  	_ =	swait.ge [sflag:s19], $0x2000  }
0x6d: {  	[sflag:s19] =	ssyncset.done $0x0  }
0x6e: {  	[sflag:s19] =	ssyncadd.s32 $0xFFFFE000  }
0x6f: {  	_ =	swait.ge [sflag:s20], $0x2000  }
0x70: {  	[sflag:s20] =	ssyncset.done $0x0  }
0x71: {  	s3 =	sadd.s32 $0x100, s30;
	[sflag:s20] =	ssyncadd.s32 $0xFFFFE000  }
0x72: {  	[tilespmem:s17], [sflag:$0x1] =	stream.indirect.gather [hbm4b:s1+s16], $0x80, s3, s16, $0xb8;
	[tilespmem:$0x1E800] =	vst v63  }
0x73: {  	s5 =	sadd.s32 $0x140, s30  }
0x74: {  	[tilespmem:s18], [sflag:$0x2] =	stream.indirect.gather [hbm4b:s1+s16], $0x80, s5, s16, $0xb8;
	[tilespmem:$0x1E800] =	vst v63  }
0x75: {  	s3 =	sadd.s32 $0x1480, s30  }
0x76: {  	[spmem:s2] =	stream.indirect.scatter.add.f32 [tilespmem:s21], [sflag:$0x3], $0x80, s3, s23, $0xb8;
	[tilespmem:$0x1E800] =	vst v63  }
0x77: {  	_ =	swait.ge [sflag:s14], $0x4000  }
0x78: {  	[sflag:s14] =	ssyncset.done $0x0  }
0x79: {  	[sflag:s14] =	ssyncadd.s32 $0xFFFFC000  }
0x7a: {  	_ =	swait.ge [sflag:s19], $0x2000  }
0x7b: {  	[sflag:s19] =	ssyncset.done $0x0  }
0x7c: {  	[sflag:s19] =	ssyncadd.s32 $0xFFFFE000  }
0x7d: {  	_ =	swait.ge [sflag:s20], $0x2000  }
0x7e: {  	[sflag:s20] =	ssyncset.done $0x0  }
0x7f: {  	[sflag:s20] =	ssyncadd.s32 $0xFFFFE000  }
0x80: {  	[tilespmem:s21], [sflag:$0x1] =	stream.indirect.gather [hbm4b:s1+s16], $0x80, s24, s16, $0xb8;
	[tilespmem:$0x1E800] =	vst v63  }
0x81: {  	_ = 	snop  }
0x82: {  	[tilespmem:s22], [sflag:$0x2] =	stream.indirect.gather [hbm4b:s1+s16], $0x80, s25, s16, $0xb8;
	[tilespmem:$0x1E800] =	vst v63  }
0x83: {  	_ = 	snop  }
0x84: {  	[spmem:s2] =	stream.indirect.scatter.add.f32 [tilespmem:s17], [sflag:$0x3], $0x80, s26, s23, $0xb8;
	[tilespmem:$0x1E800] =	vst v63  }
0x85: {  	_ =	swait.ge [sflag:s14], $0x4000  }
0x86: {  	[sflag:s14] =	ssyncset.done $0x0  }
0x87: {  	[sflag:s14] =	ssyncadd.s32 $0xFFFFC000  }
0x88: {  	_ =	swait.ge [sflag:s19], $0x2000  }
0x89: {  	[sflag:s19] =	ssyncset.done $0x0  }
0x8a: {  	[sflag:s19] =	ssyncadd.s32 $0xFFFFE000  }
0x8b: {  	_ =	swait.ge [sflag:s20], $0x2000  }
0x8c: {  	[sflag:s20] =	ssyncset.done $0x0  }
0x8d: {  	[sflag:s20] =	ssyncadd.s32 $0xFFFFE000  }
0x8e: {  	[spmem:s2] =	stream.indirect.scatter.add.f32 [tilespmem:s21], [sflag:$0x3], $0x80, s28, s23, $0xb8;
	[tilespmem:$0x1E800] =	vst v63  }
0x8f: {  	_ =	swait.ge [sflag:s14], $0x4000  }
0x90: {  	[sflag:s14] =	ssyncset.done $0x0  }
0x91: {  	s5 =	simm.s32 $0x0;
	[sflag:s14] =	ssyncadd.s32 $0xFFFFC000  }
0x92: {  	[tilespmem:s5], [sflag:$0x3] =	stream.linear.gather [hbm4b:s9+s5], $0x1400, $0x38;
	[tilespmem:$0x1E800] =	vst v63  }
0x93: {  	_ =	swait.ge [sflag:s14], $0x1400  }
0x94: {  	[sflag:s14] =	ssyncset.done $0x0  }
0x95: {  	[sflag:s14] =	ssyncadd.s32 $0xFFFFEC00  }
0x96: {  	[tilespmem:s15], [sflag:$0x3] =	stream.linear.gather [hbm4b:s10+s5], $0x1400, $0x38;
	[tilespmem:$0x1E800] =	vst v63  }
0x97: {  	_ =	swait.ge [sflag:s14], $0x1400  }
0x98: {  	[sflag:s14] =	ssyncset.done $0x0  }
0x99: {  	[sflag:s14] =	ssyncadd.s32 $0xFFFFEC00  }
0x9a: {  	[tilespmem:s17], [sflag:$0x1] =	stream.indirect.gather [hbm4b:s1+s16], $0x80, s5, s16, $0xb8;
	[tilespmem:$0x1E800] =	vst v63  }
0x9b: {  	_ = 	snop  }
0x9c: {  	[tilespmem:s18], [sflag:$0x2] =	stream.indirect.gather [hbm4b:s1+s16], $0x80, s16, s16, $0xb8;
	[tilespmem:$0x1E800] =	vst v63  }
0x9d: {  	_ =	swait.ge [sflag:s19], $0x2000  }
0x9e: {  	[sflag:s19] =	ssyncset.done $0x0  }
0x9f: {  	[sflag:s19] =	ssyncadd.s32 $0xFFFFE000  }
0xa0: {  	_ =	swait.ge [sflag:s20], $0x2000  }
0xa1: {  	[sflag:s20] =	ssyncset.done $0x0  }
0xa2: {  	s3 =	simm.s32 $0x80;
	[sflag:s20] =	ssyncadd.s32 $0xFFFFE000  }
0xa3: {  	[tilespmem:s21], [sflag:$0x1] =	stream.indirect.gather [hbm4b:s1+s16], $0x80, s3, s16, $0xb8;
	[tilespmem:$0x1E800] =	vst v63  }
0xa4: {  	s5 =	simm.s32 $0xC0  }
0xa5: {  	[tilespmem:s22], [sflag:$0x2] =	stream.indirect.gather [hbm4b:s1+s16], $0x80, s5, s16, $0xb8;
	[tilespmem:$0x1E800] =	vst v63  }
0xa6: {  	s3 =	simm.s32 $0x1400  }
0xa7: {  	[spmem:s2] =	stream.indirect.scatter.add.f32 [tilespmem:s17], [sflag:$0x3], $0x80, s3, s23, $0xb8;
	[tilespmem:$0x1E800] =	vst v63  }
0xa8: {  	_ =	swait.ge [sflag:s14], $0x4000  }
0xa9: {  	[sflag:s14] =	ssyncset.done $0x0  }
0xaa: {  	[sflag:s14] =	ssyncadd.s32 $0xFFFFC000  }
0xab: {  	_ =	swait.ge [sflag:s19], $0x2000  }
0xac: {  	[sflag:s19] =	ssyncset.done $0x0  }
0xad: {  	[sflag:s19] =	ssyncadd.s32 $0xFFFFE000  }
0xae: {  	_ =	swait.ge [sflag:s20], $0x2000  }
0xaf: {  	[sflag:s20] =	ssyncset.done $0x0  }
0xb0: {  	s5 =	simm.s32 $0x100;
	[sflag:s20] =	ssyncadd.s32 $0xFFFFE000  }
0xb1: {  	[tilespmem:s17], [sflag:$0x1] =	stream.indirect.gather [hbm4b:s1+s16], $0x80, s5, s16, $0xb8;
	[tilespmem:$0x1E800] =	vst v63  }
0xb2: {  	s3 =	simm.s32 $0x140  }
0xb3: {  	[tilespmem:s18], [sflag:$0x2] =	stream.indirect.gather [hbm4b:s1+s16], $0x80, s3, s16, $0xb8;
	[tilespmem:$0x1E800] =	vst v63  }
0xb4: {  	s5 =	simm.s32 $0x1480  }
0xb5: {  	[spmem:s2] =	stream.indirect.scatter.add.f32 [tilespmem:s21], [sflag:$0x3], $0x80, s5, s23, $0xb8;
	[tilespmem:$0x1E800] =	vst v63  }
0xb6: {  	_ =	swait.ge [sflag:s14], $0x4000  }
0xb7: {  	[sflag:s14] =	ssyncset.done $0x0  }
0xb8: {  	[sflag:s14] =	ssyncadd.s32 $0xFFFFC000  }
0xb9: {  	_ =	swait.ge [sflag:s19], $0x2000  }
0xba: {  	[sflag:s19] =	ssyncset.done $0x0  }
0xbb: {  	[sflag:s19] =	ssyncadd.s32 $0xFFFFE000  }
0xbc: {  	_ =	swait.ge [sflag:s20], $0x2000  }
0xbd: {  	s31 =	simm.s32 $0x800;
	s30 =	simm.s32 $0x100;
	[sflag:s20] =	ssyncset.done $0x0  }
.LBB2_4:
0xbe: {  	s0 =	sadd.s32 $0x80, s30  }
0xbf: {  	[sflag:s20] =	ssyncadd.s32 $0xFFFFE000;
	s3 =	smov.u32 s31;
	s5 =	sadd.s32 $0x400, s31  }
0xc0: {  	[tilespmem:s21], [sflag:$0x1] =	stream.indirect.gather [hbm4b:s1+s16], $0x80, s0, s16, $0xb8;
	[tilespmem:$0x1E800] =	vst v63  }
0xc1: {  	p0 =	sne.s32 s31, $0x4800;
	s0 =	sadd.s32 $0xC0, s30  }
0xc2: {  	[tilespmem:s22], [sflag:$0x2] =	stream.indirect.gather [hbm4b:s1+s16], $0x80, s0, s16, $0xb8;
	[tilespmem:$0x1E800] =	vst v63  }
0xc3: {  	s0 =	sadd.s32 $0x1400, s30  }
0xc4: {  	[spmem:s2] =	stream.indirect.scatter.add.f32 [tilespmem:s17], [sflag:$0x3], $0x80, s0, s23, $0xb8;
	[tilespmem:$0x1E800] =	vst v63  }
0xc5: {  	_ =	swait.ge [sflag:s14], $0x4000  }
0xc6: {  	[sflag:s14] =	ssyncset.done $0x0  }
0xc7: {  	[sflag:s14] =	ssyncadd.s32 $0xFFFFC000  }
0xc8: {  	_ =	swait.ge [sflag:s19], $0x2000  }
0xc9: {  	[sflag:s19] =	ssyncset.done $0x0  }
0xca: {  	[sflag:s19] =	ssyncadd.s32 $0xFFFFE000  }
0xcb: {  	_ =	swait.ge [sflag:s20], $0x2000  }
0xcc: {  	[sflag:s20] =	ssyncset.done $0x0  }
0xcd: {  	s0 =	sadd.s32 $0x100, s30;
	[sflag:s20] =	ssyncadd.s32 $0xFFFFE000  }
0xce: {  	[tilespmem:s17], [sflag:$0x1] =	stream.indirect.gather [hbm4b:s1+s16], $0x80, s0, s16, $0xb8;
	[tilespmem:$0x1E800] =	vst v63  }
0xcf: {  	s0 =	sadd.s32 $0x140, s30  }
0xd0: {  	[tilespmem:s18], [sflag:$0x2] =	stream.indirect.gather [hbm4b:s1+s16], $0x80, s0, s16, $0xb8;
	[tilespmem:$0x1E800] =	vst v63  }
0xd1: {  	s0 =	sadd.s32 $0x1480, s30  }
0xd2: {  	[spmem:s2] =	stream.indirect.scatter.add.f32 [tilespmem:s21], [sflag:$0x3], $0x80, s0, s23, $0xb8;
	[tilespmem:$0x1E800] =	vst v63  }
0xd3: {  	_ =	swait.ge [sflag:s14], $0x4000  }
0xd4: {  	[sflag:s14] =	ssyncset.done $0x0  }
0xd5: {  	[sflag:s14] =	ssyncadd.s32 $0xFFFFC000  }
.Ltmp1:
0xd6: {  	_ =	swait.ge [sflag:s19], $0x2000;
	(pc) =	sbr.rel @p0 .LBB2_4-.Ltmp1, $4  }
0xd7: {  	[sflag:s19] =	ssyncset.done $0x0  }
0xd8: {  	[sflag:s19] =	ssyncadd.s32 $0xFFFFE000  }
0xd9: {  	_ =	swait.ge [sflag:s20], $0x2000  }
0xda: {  	s31 =	smov.u32 s5;
	s30 =	sshra.s32 s3, $0x2;
	[sflag:s20] =	ssyncset.done $0x0  }
0xdb: {  	s0 =	sadd.s32 $0x80, s30;
	[sflag:s20] =	ssyncadd.s32 $0xFFFFE000  }
0xdc: {  	[tilespmem:s21], [sflag:$0x1] =	stream.indirect.gather [hbm4b:s1+s16], $0x80, s0, s16, $0xb8;
	[tilespmem:$0x1E800] =	vst v63  }
0xdd: {  	s5 =	sadd.s32 $0xC0, s30  }
0xde: {  	[tilespmem:s22], [sflag:$0x2] =	stream.indirect.gather [hbm4b:s1+s16], $0x80, s5, s16, $0xb8;
	[tilespmem:$0x1E800] =	vst v63  }
0xdf: {  	s31 =	sadd.s32 $0x1400, s30  }
0xe0: {  	[spmem:s2] =	stream.indirect.scatter.add.f32 [tilespmem:s17], [sflag:$0x3], $0x80, s31, s23, $0xb8;
	[tilespmem:$0x1E800] =	vst v63  }
0xe1: {  	_ =	swait.ge [sflag:s14], $0x4000  }
0xe2: {  	[sflag:s14] =	ssyncset.done $0x0  }
0xe3: {  	[sflag:s14] =	ssyncadd.s32 $0xFFFFC000  }
0xe4: {  	_ =	swait.ge [sflag:s19], $0x2000  }
0xe5: {  	[sflag:s19] =	ssyncset.done $0x0  }
0xe6: {  	[sflag:s19] =	ssyncadd.s32 $0xFFFFE000  }
0xe7: {  	_ =	swait.ge [sflag:s20], $0x2000  }
0xe8: {  	[sflag:s20] =	ssyncset.done $0x0  }
0xe9: {  	s3 =	sadd.s32 $0x100, s30;
	[sflag:s20] =	ssyncadd.s32 $0xFFFFE000  }
0xea: {  	[tilespmem:s17], [sflag:$0x1] =	stream.indirect.gather [hbm4b:s1+s16], $0x80, s3, s16, $0xb8;
	[tilespmem:$0x1E800] =	vst v63  }
0xeb: {  	s5 =	sadd.s32 $0x140, s30  }
0xec: {  	[tilespmem:s18], [sflag:$0x2] =	stream.indirect.gather [hbm4b:s1+s16], $0x80, s5, s16, $0xb8;
	[tilespmem:$0x1E800] =	vst v63  }
0xed: {  	s31 =	sadd.s32 $0x1480, s30  }
0xee: {  	[spmem:s2] =	stream.indirect.scatter.add.f32 [tilespmem:s21], [sflag:$0x3], $0x80, s31, s23, $0xb8;
	[tilespmem:$0x1E800] =	vst v63  }
0xef: {  	_ =	swait.ge [sflag:s14], $0x4000  }
0xf0: {  	[sflag:s14] =	ssyncset.done $0x0  }
0xf1: {  	[sflag:s14] =	ssyncadd.s32 $0xFFFFC000  }
0xf2: {  	_ =	swait.ge [sflag:s19], $0x2000  }
0xf3: {  	[sflag:s19] =	ssyncset.done $0x0  }
0xf4: {  	[sflag:s19] =	ssyncadd.s32 $0xFFFFE000  }
0xf5: {  	_ =	swait.ge [sflag:s20], $0x2000  }
0xf6: {  	[sflag:s20] =	ssyncset.done $0x0  }
0xf7: {  	[sflag:s20] =	ssyncadd.s32 $0xFFFFE000  }
0xf8: {  	[tilespmem:s21], [sflag:$0x1] =	stream.indirect.gather [hbm4b:s1+s16], $0x80, s24, s16, $0xb8;
	[tilespmem:$0x1E800] =	vst v63  }
0xf9: {  	_ = 	snop  }
0xfa: {  	[tilespmem:s22], [sflag:$0x2] =	stream.indirect.gather [hbm4b:s1+s16], $0x80, s25, s16, $0xb8;
	[tilespmem:$0x1E800] =	vst v63  }
0xfb: {  	_ = 	snop  }
0xfc: {  	[spmem:s2] =	stream.indirect.scatter.add.f32 [tilespmem:s17], [sflag:$0x3], $0x80, s26, s23, $0xb8;
	[tilespmem:$0x1E800] =	vst v63  }
0xfd: {  	_ =	swait.ge [sflag:s14], $0x4000  }
0xfe: {  	[sflag:s14] =	ssyncset.done $0x0  }
0xff: {  	[sflag:s14] =	ssyncadd.s32 $0xFFFFC000  }
0x100: {  	_ =	swait.ge [sflag:s19], $0x2000  }
0x101: {  	[sflag:s19] =	ssyncset.done $0x0  }
0x102: {  	[sflag:s19] =	ssyncadd.s32 $0xFFFFE000  }
0x103: {  	_ =	swait.ge [sflag:s20], $0x2000  }
0x104: {  	[sflag:s20] =	ssyncset.done $0x0  }
0x105: {  	[sflag:s20] =	ssyncadd.s32 $0xFFFFE000  }
0x106: {  	[spmem:s2] =	stream.indirect.scatter.add.f32 [tilespmem:s21], [sflag:$0x3], $0x80, s28, s23, $0xb8;
	[tilespmem:$0x1E800] =	vst v63  }
0x107: {  	_ =	swait.ge [sflag:s14], $0x4000  }
0x108: {  	s29 =	sadd.s32 $0x1, s29;
	[sflag:s14] =	ssyncset.done $0x0  }
0x109: {  	p0 =	sne.s32 s29, s12;
	[sflag:s14] =	ssyncadd.s32 $0xFFFFC000  }
.Ltmp2:
0x10a: {  	[bflag:$0x0] =	sbarrier.arrive $0xFFFF;
	(pc) =	sbr.rel @p0 .LBB2_1-.Ltmp2, $4  }
0x10b: {  	[hbm:s11], [sflag:s6] =	dma.local [spmem:s13], $0x2800  }
0x10c: {  	_ =	swait.ge [sflag:s14], $0x2800  }
0x10d: {  	[sflag:s14] =	ssyncset.done $0x0  }
0x10e: {  	[sflag:s14] =	ssyncadd.s32 $0xFFFFD800  }
0x10f: {  	_ =	sfence.sel $0x180000  }
0x110: {  	[bflag:$0x0] =	sbarrier.arrive $0xFFFF  }
0x111: {  	_ =	strace $0x9000004A  }
0x112: {  	s0 =	stileid.u32;
	[bflag:$0x2] =	sbarrier.arrive $0xFFFF  }
0x113: {  	p0 =	sne.s32 s0, $0x0;
	s0 =	rddreg [dreg:$0x3]  }
0x114: {  	s0 =	sadd.s32 @!p0 $0x100000, s0  }
0x115: {  	[sflag:s0] =	ssyncadd.tile.s32 @!p0 $0x1;
	_ =	shalt  }
.Lfunc_end2:
_tile_overlayer_lowered:
.L_overlay_start_2:
0x116: {  	(tag) =	ssettag $0x2  }
0x117: {  	s0 =	rddreg [dreg:$0x0];
	s2 =	stileid.u32  }
0x118: {  	s1 =	rddreg [dreg:$0x1];
	p0 =	sne.s32 s2, $0x0  }
0x119: {  	s3 =	rddreg [dreg:$0x2];
	[bflag:$0x3] =	sbarrier.arrive $0xFFFF;
	s2 =	simm.s32 @!p0 $0x1C03  }
0x11a: {  	[timem:s3], [sflag:s2] =	dma.local @!p0 [hbm:s0], s1  }
0x11b: {  	s0 =	simm.s32 @!p0 $0x3  }
0x11c: {  	_ =	swait.ge @!p0 [sflag:s0], s1  }
0x11d: {  	s1 =	ssub.s32 @!p0 $0x0, s1;
	[sflag:s0] =	ssyncset.done @!p0 $0x0  }
0x11e: {  	[sflag:s0] =	ssyncadd.s32 @!p0 s1  }
0x11f: {  	[bflag:$0x3] =	sbarrier.arrive $0xFFFF  }
0x120: {  	_ =	shalt  }

// kernel: kernel.15.cloned.1.call-start
scs
__scs_entry_jumppad:
0x0: {  	(pc) =	sbr.rel $0x88, $3  }
0x1: {  	(tag) =	ssettag $0x0;
	lr =	simm.s32 $0x1  }
0x2: {  	[smem:$0x3F9B] =	sst lr;
	_ =	strace $0xD0000000  }
0x3: {  	_ = 	snop  }
0x4: {  	_ = 	snop  }
0x5: {  	_ = 	snop  }
0x6: {  	_ = 	snop  }
0x7: {  	_ = 	snop  }
__scs_overlays_trampoline_lowered:
0x8: {  	[smem:$0x3FAA] =	sst s0  }
0x9: {  	[smem:$0x3FAB] =	sst s1  }
0xa: {  	[smem:$0x3FAC] =	sst s2  }
0xb: {  	[smem:$0x3FAD] =	sst s3  }
0xc: {  	[smem:$0x3FAE] =	sst s4  }
0xd: {  	[smem:$0x3FAF] =	sst s5  }
0xe: {  	[smem:$0x3FB0] =	sst s6  }
0xf: {  	[smem:$0x3FB1] =	sst s7  }
0x10: {  	[smem:$0x3FB2] =	sst s8  }
0x11: {  	[smem:$0x3FB3] =	sst s9;
	s0 =	simm.s32 @!p0 $0x0  }
0x12: {  	s1 =	sld [smem:$0x3F99];
	s0 =	simm.s32 @p0 $0x1  }
0x13: {  	[smem:$0x3FB4] =	sst s0;
	s0 =	simm.s32 @!p1 $0x0  }
0x14: {  	s2 =	sld [smem:$0x3F98];
	s0 =	simm.s32 @p1 $0x1  }
0x15: {  	[smem:$0x3FB5] =	sst s0;
	s0 =	simm.s32 @!p2 $0x0  }
0x16: {  	s3 =	sld [smem:$0x3FDB];
	s0 =	simm.s32 @p2 $0x1  }
0x17: {  	s4 =	simm.s32 $0x1BF5;
	[smem:$0x3FB7] =	sst s0  }
0x18: {  	s0 =	sld [smem:$0x3F9A];
	_ =	swait.ge [sflag:s4], $0x0  }
0x19: {  	s7 =	sld [smem:$0x3F9B]  }
0x1a: {  	s8 =	sadd.s32 $0xFFFFE003, lr  }
0x1b: {  	s9 =	sadd.s32 $0xFFFFFEF7, lr;
	s5 =	simm.s32 $0xFFFFFFFF;
	p2 =	slt.u32 s8, $0xFFFFF086  }
0x1c: {  	p1 =	slt.u32 s9, $0xF7A;
	s5 =	simm.s32 @!p2 $0x0  }
0x1d: {  	s5 =	simm.s32 @p1 $0x1;
	p0 =	seq.s32 s7, s2  }
0x1e: {  	s7 =	smul.u32 @!p0 $0xF7A, s2;
	p2 =	seq.s32 @!p0 s5, $0x0  }
0x1f: {  	s9 =	smul.u32 $0xF7A, s1;
	s8 =	simm.s32 @!p0 $0x1BF5;
	p2 =	por !p2, p0  }
0x20: {  	[sflag:s8] =	ssyncset.s32 @!p0 $0xFFFFF086;
	s6 =	sadd.s32 @!p0 s3, s7;
	s7 =	simm.s32 @!p0 $0x108  }
0x21: {  	s3 =	sadd.s32 s3, s9;
	s6 =	sadd.s32 @!p0 $0x88, s6;
	s7 =	simm.s32 @p2 $0x1082  }
0x22: {  	[simem:s7], [sflag:s8] =	dma.local @!p0 [hbm:s6], $0xF7A  }
0x23: {  	s9 =	sor.u32 $0xD0000000, s2;
	s6 =	simm.s32 $0x108;
	_ =	swait.ge @!p0 [sflag:s8], $0x0  }
0x24: {  	s3 =	sadd.s32 $0x88, s3;
	s6 =	simm.s32 @!p1 $0x1082;
	[sflag:s4] =	ssyncset.s32 $0xFFFFF086  }
0x25: {  	[simem:s6], [sflag:s4] =	dma.local [hbm:s3], $0xF7A  }
0x26: {  	[smem:$0x3F9B] =	sst s1;
	(tag) =	ssettag s2;
	_ =	strace s9  }
0x27: {  	s1 =	sld [smem:$0x3FAB]  }
0x28: {  	s2 =	sld [smem:$0x3FAC]  }
0x29: {  	s4 =	sld [smem:$0x3FAE]  }
0x2a: {  	p0 =	seq.s32 s5, $0x0;
	s5 =	sld [smem:$0x3FAF]  }
0x2b: {  	s6 =	sld [smem:$0x3FB0]  }
0x2c: {  	s7 =	sld [smem:$0x3FB1]  }
0x2d: {  	s3 =	simm.s32 $0x108;
	s8 =	sld [smem:$0x3FB2]  }
0x2e: {  	s3 =	simm.s32 @!p0 $0x1082;
	s9 =	sld [smem:$0x3FB3]  }
0x2f: {  	lr =	sadd.s32 s0, s3;
	s0 =	sld [smem:$0x3FAA]  }
0x30: {  	s3 =	sld [smem:$0x3FAD]  }
0x31: {  	[smem:$0x3FB6] =	sst s10  }
0x32: {  	s10 =	sld [smem:$0x3FB4];
	_ =	sdelay $0x3  }
0x33: {  	p0 =	seq.s32 s10, $0x1;
	s10 =	sld [smem:$0x3FB6];
	_ =	sdelay $0x3  }
0x34: {  	[smem:$0x3FB6] =	sst s10  }
0x35: {  	s10 =	sld [smem:$0x3FB5];
	_ =	sdelay $0x3  }
0x36: {  	p1 =	seq.s32 s10, $0x1;
	s10 =	sld [smem:$0x3FB6];
	_ =	sdelay $0x3  }
0x37: {  	[smem:$0x3FB6] =	sst s10  }
0x38: {  	s10 =	sld [smem:$0x3FB7]  }
0x39: {  	_ = 	snop;
	(pc) =	sbr.ind lr, $3  }
0x3a: {  	_ = 	snop  }
0x3b: {  	_ = 	snop  }
0x3c: {  	p2 =	seq.s32 s10, $0x1;
	s10 =	sld [smem:$0x3FB6]  }
0x3d: {  	_ =	shalt  }
0x3e: {  	_ =	shalt  }
0x3f: {  	_ =	shalt  }
0x40: {  	_ =	shalt  }
0x41: {  	_ =	shalt  }
0x42: {  	_ =	shalt  }
0x43: {  	_ =	shalt  }
0x44: {  	_ =	shalt  }
0x45: {  	_ =	shalt  }
0x46: {  	_ =	shalt  }
0x47: {  	_ =	shalt  }
0x48: {  	_ =	shalt  }
0x49: {  	_ =	shalt  }
0x4a: {  	_ =	shalt  }
0x4b: {  	_ =	shalt  }
0x4c: {  	_ =	shalt  }
0x4d: {  	_ =	shalt  }
0x4e: {  	_ =	shalt  }
0x4f: {  	_ =	shalt  }
0x50: {  	_ =	shalt  }
0x51: {  	_ =	shalt  }
0x52: {  	_ =	shalt  }
0x53: {  	_ =	shalt  }
0x54: {  	_ =	shalt  }
0x55: {  	_ =	shalt  }
0x56: {  	_ =	shalt  }
0x57: {  	_ =	shalt  }
0x58: {  	_ =	shalt  }
0x59: {  	_ =	shalt  }
0x5a: {  	_ =	shalt  }
0x5b: {  	_ =	shalt  }
0x5c: {  	_ =	shalt  }
0x5d: {  	_ =	shalt  }
0x5e: {  	_ =	shalt  }
0x5f: {  	_ =	shalt  }
0x60: {  	_ =	shalt  }
0x61: {  	_ =	shalt  }
0x62: {  	_ =	shalt  }
0x63: {  	_ =	shalt  }
0x64: {  	_ =	shalt  }
0x65: {  	_ =	shalt  }
0x66: {  	_ =	shalt  }
0x67: {  	_ =	shalt  }
0x68: {  	_ =	shalt  }
0x69: {  	_ =	shalt  }
0x6a: {  	_ =	shalt  }
0x6b: {  	_ =	shalt  }
0x6c: {  	_ =	shalt  }
0x6d: {  	_ =	shalt  }
0x6e: {  	_ =	shalt  }
0x6f: {  	_ =	shalt  }
0x70: {  	_ =	shalt  }
0x71: {  	_ =	shalt  }
0x72: {  	_ =	shalt  }
0x73: {  	_ =	shalt  }
0x74: {  	_ =	shalt  }
0x75: {  	_ =	shalt  }
0x76: {  	_ =	shalt  }
0x77: {  	_ =	shalt  }
0x78: {  	_ =	shalt  }
0x79: {  	_ =	shalt  }
0x7a: {  	_ =	shalt  }
0x7b: {  	_ =	shalt  }
0x7c: {  	_ =	shalt  }
0x7d: {  	_ =	shalt  }
0x7e: {  	_ =	shalt  }
0x7f: {  	_ =	shalt  }
0x80: {  	_ =	shalt  }
0x81: {  	_ =	shalt  }
0x82: {  	_ =	shalt  }
0x83: {  	_ =	shalt  }
0x84: {  	_ =	shalt  }
0x85: {  	_ =	shalt  }
0x86: {  	_ =	shalt  }
0x87: {  	_ =	shalt  }
.Lfunc_end0:
.L_simem_size_0:
called_computation.2_lowered:
.L_overlay_start_0:
0x88: {  	s2 =	sld [smem:$0x3FD9]  }
0x89: {  	s3 =	sld [smem:$0x3FFE];
	_ =	sdelay $0x1  }
0x8a: {  	s1 =	srdreg.scid  }
0x8b: {  	s0 =	sand.u32 $0x1, s1  }
0x8c: {  	s17 =	sshll.u32 s0, $0xA;
	s2 =	sadd.s32 s3, s2  }
0x8d: {  	s2 =	sadd.s32 s2, s17  }
0x8e: {  	[smem:$0x3FC2] =	sst s2  }
0x8f: {  	_ = 	snop  }
0x90: {  	s2 =	sld [smem:$0x3FD0];
	(tm) =	ssettm $0x1  }
0x91: {  	s18 =	sld [smem:$0x3FFB];
	_ =	sdelay $0x3  }
0x92: {  	_ =	strace s18  }
0x93: {  	s3 =	sld [smem:$0x3FFC];
	_ =	sdelay $0x3  }
0x94: {  	_ =	strace s3  }
0x95: {  	s3 =	sld [smem:$0x3FFD];
	_ =	sdelay $0x3  }
0x96: {  	_ =	strace s3  }
0x97: {  	_ =	strace $0x8FFFFFFF  }
0x98: {  	s19 =	sld [smem:$0x3FDB];
	_ =	sdelay $0x1  }
0x99: {  	s4 =	simm.s32 $_scs_section_size  }
0x9a: {  	s5 =	simm.s32 $_size__tile_overlayer_lowered;
	s6 =	simm.s32 $_tile_overlayer_lowered  }
0x9b: {  	s22 =	simm.s32 $0x1BFF;
	s21 =	sshll.u32 s6, $0x1;
	s3 =	sadd.s32 s4, s19  }
0x9c: {  	s7 =	simm.s32 $0x0;
	s20 =	sshll.u32 s5, $0x1;
	s5 =	sadd.s32 s21, s3  }
0x9d: {  	[timem:s7], [sflag:s22] =	dma.local [hbm:s5], s20  }
0x9e: {  	_ =	swait.ge [sflag:s22], s20  }
0x9f: {  	s4 =	ssub.s32 $0x0, s20;
	[sflag:s22] =	ssyncset.done $0x0  }
0xa0: {  	[sflag:s22] =	ssyncadd.s32 s4;
	_ =	sdelay $0x1  }
0xa1: {  	s23 =	simm.s32 $0x1B8B  }
0xa2: {  	_ =	swait.ge [sflag:s23], $0x1  }
0xa3: {  	[sflag:s23] =	ssyncset.done $0x0  }
0xa4: {  	s25 =	simm.s32 $0x1B8E;
	s24 =	sld [smem:$0x3FFE];
	[sflag:s23] =	ssyncadd.s32 $0xFFFFFFFF  }
0xa5: {  	s26 =	simm.s32 $execute0_lowered;
	[smem:$0x3FD2] =	sst s25  }
0xa6: {  	s5 =	sshll.u32 s26, $0x1;
	_ =	strace $0x8000004C;
	[dreg:$0x1] =	wrdreg $0xFFFFFFFF  }
0xa7: {  	s28 =	simm.s32 $_size_execute0_lowered;
	s3 =	sadd.s32 s3, s5;
	[dreg:$0x0] =	wrdreg $0x0  }
0xa8: {  	s5 =	sshll.u32 s28, $0x1;
	[dreg:$0x2] =	wrdreg s3  }
0xa9: {  	[dreg:$0x3] =	wrdreg s5  }
0xaa: {  	[dreg:$0x4] =	wrdreg $0xC0  }
0xab: {  	_ =	task [dreg:s7], $0x5FFFF  }
0xac: {  	[dreg:$0x1] =	wrdreg $0xFFFFFFFF  }
0xad: {  	[dreg:$0x0] =	wrdreg $0x60  }
0xae: {  	[dreg:$0x2] =	wrdreg s24  }
0xaf: {  	[dreg:$0x3] =	wrdreg s2  }
0xb0: {  	[dreg:$0x4] =	wrdreg $0xA8000  }
0xb1: {  	[dreg:$0x5] =	wrdreg $0x9  }
0xb2: {  	_ =	task.clear_ibuf [dreg:s7], $0x6FFFF;
	_ =	strace $0x9000004C  }
0xb3: {  	s29 =	simm.s32 $0x9;
	_ =	strace $0x8000004E  }
0xb4: {  	_ =	swait.ge [sflag:s29], $0x1  }
0xb5: {  	[sflag:s29] =	ssyncadd.s32 $0xFFFFFFFF  }
0xb6: {  	_ =	strace $0x9000004E  }
0xb7: {  	_ =	sfence  }
0xb8: {  	s30 =	sld [smem:$0x0];
	_ =	sdelay $0x2  }
0xb9: {  	s31 =	sshll.u32 s1, $0xD;
	s1 =	sshrl.u32 s1, $0x2  }
0xba: {  	s3 =	sand.u32 $0x4000, s31;
	s1 =	sadd.s32 s1, s30  }
0xbb: {  	s0 =	sor.u32 s3, s0;
	s1 =	sshll.u32 s1, $0x11  }
0xbc: {  	s0 =	sor.u32 s1, s0  }
0xbd: {  	s0 =	sadd.s32 $0x8F2B, s0  }
0xbe: {  	[sflag:s0] =	ssyncadd.remote.s32 $0x1  }
0xbf: {  	_ =	sfence.sel $0xFFFF  }
0xc0: {  	[dreg:$0x0] =	wrdreg $0xFFFFFFFF;
	(pc) =	sbr.abs _section_cstart, $3  }
0xc1: {  	[dreg:$0x1] =	wrdreg $0xFFFFFFFF  }
0xc2: {  	_ =	task.clear_ibuf [dreg:s7], $0x2FFFF;
	_ =	strace $0x9FFFFFFF  }
0xc3: {  	(tm) =	ssettm $0x7FFFFFFF  }
tec
execute0_lowered:
.L_overlay_start_1:
0x0: {  	(tag) =	ssettag $0x1  }
0x1: {  	s6 =	rddreg [dreg:$0x0]  }
0x2: {  	s1 =	rddreg [dreg:$0x1]  }
0x3: {  	s2 =	rddreg [dreg:$0x2];
	s3 =	srdreg.scid;
	s4 =	simm.s32 $0x0  }
0x4: {  	s0 =	stileid.u32;
	s16 =	simm.s32 $0x40;
	s17 =	simm.s32 $0x2800  }
0x5: {  	s18 =	simm.s32 $0x4800;
	s19 =	simm.s32 $0x1;
	s20 =	simm.s32 $0x2  }
0x6: {  	s21 =	simm.s32 $0x6800;
	s22 =	simm.s32 $0x8800;
	s28 =	simm.s32 $0x2780  }
0x7: {  	s29 =	simm.s32 $0x0;
	s7 =	sand.u32 $0x1, s3;
	[smem:$0x7FF] =	sst s4  }
0x8: {  	s9 =	smul.u32 $0x14000, s0;
	s10 =	sadd.s32 $0xCA00, s6;
	s11 =	sadd.s32 $0x2A00, s6  }
0x9: {  	s23 =	sadd.s32 $0x16A00, s6;
	s12 =	smul.u32 $0x50000, s0;
	s26 =	sshll.u32 s0, $0x6  }
0xa: {  	s8 =	smul.u32 $0x140000, s7;
	_ =	strace $0x8000004D;
	[dreg:$0x4] =	wrdreg s23  }
0xb: {  	s24 =	sshll.u32 s7, $0x4;
	s7 =	ssub.s32 $0x2, s7;
	s23 =	simm.s32 $0x80  }
0xc: {  	s13 =	sshrl.u32 s7, $0x1;
	s25 =	sshrl.u32 s12, $0x2;
	s8 =	sadd.s32 s9, s8  }
0xd: {  	s9 =	sor.u32 s0, s24;
	s13 =	ssub.s32 s7, s13;
	s15 =	sadd.s32 s25, s2  }
0xe: {  	s24 =	simm.s32 $0x1380;
	s25 =	simm.s32 $0x13C0;
	s9 =	smul.u32 $0x2800, s9  }
0xf: {  	s8 =	sshrl.u32 s8, $0x3;
	s12 =	smax.u32 s13, $0x1;
	s13 =	sshrl.u32 s15, $0x3  }
0x10: {  	s15 =	simm.s32 $0x1400;
	s14 =	sadd.s32 s8, s6;
	s30 =	sshrl.u32 s9, $0x3  }
0x11: {  	s6 =	sor.u32 $0x1C03, s26;
	s26 =	simm.s32 $0x2700;
	s31 =	sadd.s32 $0x280, s30  }
0x12: {  	s7 =	sadd.s32 s10, s30;
	s8 =	sadd.s32 s11, s30;
	s9 =	sadd.s32 s10, s31  }
0x13: {  	s10 =	sadd.s32 s11, s31;
	s11 =	sadd.s32 $0x69200, s14;
	s14 =	simm.s32 $0x3  }
.LBB2_1:
0x14: {  	s0 =	rddreg [dreg:$0x4]  }
0x15: {  	[spmem:s13], [sflag:s6] =	dma.local [hbm:s0], $0x2800  }
0x16: {  	_ =	swait.ge [sflag:s14], $0x2800  }
0x17: {  	[sflag:s14] =	ssyncset.done $0x0  }
0x18: {  	[sflag:s14] =	ssyncadd.s32 $0xFFFFD800  }
0x19: {  	[bflag:$0x0] =	sbarrier.arrive $0xFFFF  }
0x1a: {  	[tilespmem:s4], [sflag:$0x3] =	stream.linear.gather [hbm4b:s7+s4], $0x1400, $0x38;
	[tilespmem:$0x1E800] =	vst v63  }
0x1b: {  	_ =	swait.ge [sflag:s14], $0x1400  }
0x1c: {  	[sflag:s14] =	ssyncset.done $0x0  }
0x1d: {  	[sflag:s14] =	ssyncadd.s32 $0xFFFFEC00  }
0x1e: {  	[tilespmem:s15], [sflag:$0x3] =	stream.linear.gather [hbm4b:s8+s4], $0x1400, $0x38;
	[tilespmem:$0x1E800] =	vst v63  }
0x1f: {  	_ =	swait.ge [sflag:s14], $0x1400  }
0x20: {  	[sflag:s14] =	ssyncset.done $0x0  }
0x21: {  	[sflag:s14] =	ssyncadd.s32 $0xFFFFEC00  }
0x22: {  	[tilespmem:s17], [sflag:$0x1] =	stream.indirect.gather [hbm4b:s1+s16], $0x80, s4, s16, $0xb8;
	[tilespmem:$0x1E800] =	vst v63  }
0x23: {  	_ = 	snop  }
0x24: {  	[tilespmem:s18], [sflag:$0x2] =	stream.indirect.gather [hbm4b:s1+s16], $0x80, s16, s16, $0xb8;
	[tilespmem:$0x1E800] =	vst v63  }
0x25: {  	_ =	swait.ge [sflag:s19], $0x2000  }
0x26: {  	[sflag:s19] =	ssyncset.done $0x0  }
0x27: {  	[sflag:s19] =	ssyncadd.s32 $0xFFFFE000  }
0x28: {  	_ =	swait.ge [sflag:s20], $0x2000  }
0x29: {  	[sflag:s20] =	ssyncset.done $0x0  }
0x2a: {  	s30 =	simm.s32 $0x80;
	[sflag:s20] =	ssyncadd.s32 $0xFFFFE000  }
0x2b: {  	[tilespmem:s21], [sflag:$0x1] =	stream.indirect.gather [hbm4b:s1+s16], $0x80, s30, s16, $0xb8;
	[tilespmem:$0x1E800] =	vst v63  }
0x2c: {  	s30 =	simm.s32 $0xC0  }
0x2d: {  	[tilespmem:s22], [sflag:$0x2] =	stream.indirect.gather [hbm4b:s1+s16], $0x80, s30, s16, $0xb8;
	[tilespmem:$0x1E800] =	vst v63  }
0x2e: {  	s30 =	simm.s32 $0x1400  }
0x2f: {  	[spmem:s2] =	stream.indirect.scatter.add.f32 [tilespmem:s17], [sflag:$0x3], $0x80, s30, s23, $0xb8;
	[tilespmem:$0x1E800] =	vst v63  }
0x30: {  	_ =	swait.ge [sflag:s14], $0x4000  }
0x31: {  	[sflag:s14] =	ssyncset.done $0x0  }
0x32: {  	[sflag:s14] =	ssyncadd.s32 $0xFFFFC000  }
0x33: {  	_ =	swait.ge [sflag:s19], $0x2000  }
0x34: {  	[sflag:s19] =	ssyncset.done $0x0  }
0x35: {  	[sflag:s19] =	ssyncadd.s32 $0xFFFFE000  }
0x36: {  	_ =	swait.ge [sflag:s20], $0x2000  }
0x37: {  	[sflag:s20] =	ssyncset.done $0x0  }
0x38: {  	s30 =	simm.s32 $0x100;
	[sflag:s20] =	ssyncadd.s32 $0xFFFFE000  }
0x39: {  	[tilespmem:s17], [sflag:$0x1] =	stream.indirect.gather [hbm4b:s1+s16], $0x80, s30, s16, $0xb8;
	[tilespmem:$0x1E800] =	vst v63  }
0x3a: {  	s30 =	simm.s32 $0x140  }
0x3b: {  	[tilespmem:s18], [sflag:$0x2] =	stream.indirect.gather [hbm4b:s1+s16], $0x80, s30, s16, $0xb8;
	[tilespmem:$0x1E800] =	vst v63  }
0x3c: {  	s30 =	simm.s32 $0x1480  }
0x3d: {  	[spmem:s2] =	stream.indirect.scatter.add.f32 [tilespmem:s21], [sflag:$0x3], $0x80, s30, s23, $0xb8;
	[tilespmem:$0x1E800] =	vst v63  }
0x3e: {  	_ =	swait.ge [sflag:s14], $0x4000  }
0x3f: {  	[sflag:s14] =	ssyncset.done $0x0  }
0x40: {  	[sflag:s14] =	ssyncadd.s32 $0xFFFFC000  }
0x41: {  	_ =	swait.ge [sflag:s19], $0x2000  }
0x42: {  	[sflag:s19] =	ssyncset.done $0x0  }
0x43: {  	[sflag:s19] =	ssyncadd.s32 $0xFFFFE000  }
0x44: {  	_ =	swait.ge [sflag:s20], $0x2000  }
0x45: {  	s31 =	simm.s32 $0x800;
	s30 =	simm.s32 $0x100;
	[sflag:s20] =	ssyncset.done $0x0  }
.LBB2_2:
0x46: {  	s0 =	sadd.s32 $0x80, s30  }
0x47: {  	[sflag:s20] =	ssyncadd.s32 $0xFFFFE000;
	s3 =	smov.u32 s31;
	s5 =	sadd.s32 $0x400, s31  }
0x48: {  	[tilespmem:s21], [sflag:$0x1] =	stream.indirect.gather [hbm4b:s1+s16], $0x80, s0, s16, $0xb8;
	[tilespmem:$0x1E800] =	vst v63  }
0x49: {  	p0 =	sne.s32 s31, $0x4800;
	s0 =	sadd.s32 $0xC0, s30  }
0x4a: {  	[tilespmem:s22], [sflag:$0x2] =	stream.indirect.gather [hbm4b:s1+s16], $0x80, s0, s16, $0xb8;
	[tilespmem:$0x1E800] =	vst v63  }
0x4b: {  	s0 =	sadd.s32 $0x1400, s30  }
0x4c: {  	[spmem:s2] =	stream.indirect.scatter.add.f32 [tilespmem:s17], [sflag:$0x3], $0x80, s0, s23, $0xb8;
	[tilespmem:$0x1E800] =	vst v63  }
0x4d: {  	_ =	swait.ge [sflag:s14], $0x4000  }
0x4e: {  	[sflag:s14] =	ssyncset.done $0x0  }
0x4f: {  	[sflag:s14] =	ssyncadd.s32 $0xFFFFC000  }
0x50: {  	_ =	swait.ge [sflag:s19], $0x2000  }
0x51: {  	[sflag:s19] =	ssyncset.done $0x0  }
0x52: {  	[sflag:s19] =	ssyncadd.s32 $0xFFFFE000  }
0x53: {  	_ =	swait.ge [sflag:s20], $0x2000  }
0x54: {  	[sflag:s20] =	ssyncset.done $0x0  }
0x55: {  	s0 =	sadd.s32 $0x100, s30;
	[sflag:s20] =	ssyncadd.s32 $0xFFFFE000  }
0x56: {  	[tilespmem:s17], [sflag:$0x1] =	stream.indirect.gather [hbm4b:s1+s16], $0x80, s0, s16, $0xb8;
	[tilespmem:$0x1E800] =	vst v63  }
0x57: {  	s0 =	sadd.s32 $0x140, s30  }
0x58: {  	[tilespmem:s18], [sflag:$0x2] =	stream.indirect.gather [hbm4b:s1+s16], $0x80, s0, s16, $0xb8;
	[tilespmem:$0x1E800] =	vst v63  }
0x59: {  	s0 =	sadd.s32 $0x1480, s30  }
0x5a: {  	[spmem:s2] =	stream.indirect.scatter.add.f32 [tilespmem:s21], [sflag:$0x3], $0x80, s0, s23, $0xb8;
	[tilespmem:$0x1E800] =	vst v63  }
0x5b: {  	_ =	swait.ge [sflag:s14], $0x4000  }
0x5c: {  	[sflag:s14] =	ssyncset.done $0x0  }
0x5d: {  	[sflag:s14] =	ssyncadd.s32 $0xFFFFC000  }
.Ltmp0:
0x5e: {  	_ =	swait.ge [sflag:s19], $0x2000;
	(pc) =	sbr.rel @p0 .LBB2_2-.Ltmp0, $4  }
0x5f: {  	[sflag:s19] =	ssyncset.done $0x0  }
0x60: {  	[sflag:s19] =	ssyncadd.s32 $0xFFFFE000  }
0x61: {  	_ =	swait.ge [sflag:s20], $0x2000  }
0x62: {  	s31 =	smov.u32 s5;
	s30 =	sshra.s32 s3, $0x2;
	[sflag:s20] =	ssyncset.done $0x0  }
0x63: {  	s0 =	sadd.s32 $0x80, s30;
	[sflag:s20] =	ssyncadd.s32 $0xFFFFE000  }
0x64: {  	[tilespmem:s21], [sflag:$0x1] =	stream.indirect.gather [hbm4b:s1+s16], $0x80, s0, s16, $0xb8;
	[tilespmem:$0x1E800] =	vst v63  }
0x65: {  	s3 =	sadd.s32 $0xC0, s30  }
0x66: {  	[tilespmem:s22], [sflag:$0x2] =	stream.indirect.gather [hbm4b:s1+s16], $0x80, s3, s16, $0xb8;
	[tilespmem:$0x1E800] =	vst v63  }
0x67: {  	s5 =	sadd.s32 $0x1400, s30  }
0x68: {  	[spmem:s2] =	stream.indirect.scatter.add.f32 [tilespmem:s17], [sflag:$0x3], $0x80, s5, s23, $0xb8;
	[tilespmem:$0x1E800] =	vst v63  }
0x69: {  	_ =	swait.ge [sflag:s14], $0x4000  }
0x6a: {  	[sflag:s14] =	ssyncset.done $0x0  }
0x6b: {  	[sflag:s14] =	ssyncadd.s32 $0xFFFFC000  }
0x6c: {  	_ =	swait.ge [sflag:s19], $0x2000  }
0x6d: {  	[sflag:s19] =	ssyncset.done $0x0  }
0x6e: {  	[sflag:s19] =	ssyncadd.s32 $0xFFFFE000  }
0x6f: {  	_ =	swait.ge [sflag:s20], $0x2000  }
0x70: {  	[sflag:s20] =	ssyncset.done $0x0  }
0x71: {  	s3 =	sadd.s32 $0x100, s30;
	[sflag:s20] =	ssyncadd.s32 $0xFFFFE000  }
0x72: {  	[tilespmem:s17], [sflag:$0x1] =	stream.indirect.gather [hbm4b:s1+s16], $0x80, s3, s16, $0xb8;
	[tilespmem:$0x1E800] =	vst v63  }
0x73: {  	s5 =	sadd.s32 $0x140, s30  }
0x74: {  	[tilespmem:s18], [sflag:$0x2] =	stream.indirect.gather [hbm4b:s1+s16], $0x80, s5, s16, $0xb8;
	[tilespmem:$0x1E800] =	vst v63  }
0x75: {  	s3 =	sadd.s32 $0x1480, s30  }
0x76: {  	[spmem:s2] =	stream.indirect.scatter.add.f32 [tilespmem:s21], [sflag:$0x3], $0x80, s3, s23, $0xb8;
	[tilespmem:$0x1E800] =	vst v63  }
0x77: {  	_ =	swait.ge [sflag:s14], $0x4000  }
0x78: {  	[sflag:s14] =	ssyncset.done $0x0  }
0x79: {  	[sflag:s14] =	ssyncadd.s32 $0xFFFFC000  }
0x7a: {  	_ =	swait.ge [sflag:s19], $0x2000  }
0x7b: {  	[sflag:s19] =	ssyncset.done $0x0  }
0x7c: {  	[sflag:s19] =	ssyncadd.s32 $0xFFFFE000  }
0x7d: {  	_ =	swait.ge [sflag:s20], $0x2000  }
0x7e: {  	[sflag:s20] =	ssyncset.done $0x0  }
0x7f: {  	[sflag:s20] =	ssyncadd.s32 $0xFFFFE000  }
0x80: {  	[tilespmem:s21], [sflag:$0x1] =	stream.indirect.gather [hbm4b:s1+s16], $0x80, s24, s16, $0xb8;
	[tilespmem:$0x1E800] =	vst v63  }
0x81: {  	_ = 	snop  }
0x82: {  	[tilespmem:s22], [sflag:$0x2] =	stream.indirect.gather [hbm4b:s1+s16], $0x80, s25, s16, $0xb8;
	[tilespmem:$0x1E800] =	vst v63  }
0x83: {  	_ = 	snop  }
0x84: {  	[spmem:s2] =	stream.indirect.scatter.add.f32 [tilespmem:s17], [sflag:$0x3], $0x80, s26, s23, $0xb8;
	[tilespmem:$0x1E800] =	vst v63  }
0x85: {  	_ =	swait.ge [sflag:s14], $0x4000  }
0x86: {  	[sflag:s14] =	ssyncset.done $0x0  }
0x87: {  	[sflag:s14] =	ssyncadd.s32 $0xFFFFC000  }
0x88: {  	_ =	swait.ge [sflag:s19], $0x2000  }
0x89: {  	[sflag:s19] =	ssyncset.done $0x0  }
0x8a: {  	[sflag:s19] =	ssyncadd.s32 $0xFFFFE000  }
0x8b: {  	_ =	swait.ge [sflag:s20], $0x2000  }
0x8c: {  	[sflag:s20] =	ssyncset.done $0x0  }
0x8d: {  	[sflag:s20] =	ssyncadd.s32 $0xFFFFE000  }
0x8e: {  	[spmem:s2] =	stream.indirect.scatter.add.f32 [tilespmem:s21], [sflag:$0x3], $0x80, s28, s23, $0xb8;
	[tilespmem:$0x1E800] =	vst v63  }
0x8f: {  	_ =	swait.ge [sflag:s14], $0x4000  }
0x90: {  	[sflag:s14] =	ssyncset.done $0x0  }
0x91: {  	s5 =	simm.s32 $0x0;
	[sflag:s14] =	ssyncadd.s32 $0xFFFFC000  }
0x92: {  	[tilespmem:s5], [sflag:$0x3] =	stream.linear.gather [hbm4b:s9+s5], $0x1400, $0x38;
	[tilespmem:$0x1E800] =	vst v63  }
0x93: {  	_ =	swait.ge [sflag:s14], $0x1400  }
0x94: {  	[sflag:s14] =	ssyncset.done $0x0  }
0x95: {  	[sflag:s14] =	ssyncadd.s32 $0xFFFFEC00  }
0x96: {  	[tilespmem:s15], [sflag:$0x3] =	stream.linear.gather [hbm4b:s10+s5], $0x1400, $0x38;
	[tilespmem:$0x1E800] =	vst v63  }
0x97: {  	_ =	swait.ge [sflag:s14], $0x1400  }
0x98: {  	[sflag:s14] =	ssyncset.done $0x0  }
0x99: {  	[sflag:s14] =	ssyncadd.s32 $0xFFFFEC00  }
0x9a: {  	[tilespmem:s17], [sflag:$0x1] =	stream.indirect.gather [hbm4b:s1+s16], $0x80, s5, s16, $0xb8;
	[tilespmem:$0x1E800] =	vst v63  }
0x9b: {  	_ = 	snop  }
0x9c: {  	[tilespmem:s18], [sflag:$0x2] =	stream.indirect.gather [hbm4b:s1+s16], $0x80, s16, s16, $0xb8;
	[tilespmem:$0x1E800] =	vst v63  }
0x9d: {  	_ =	swait.ge [sflag:s19], $0x2000  }
0x9e: {  	[sflag:s19] =	ssyncset.done $0x0  }
0x9f: {  	[sflag:s19] =	ssyncadd.s32 $0xFFFFE000  }
0xa0: {  	_ =	swait.ge [sflag:s20], $0x2000  }
0xa1: {  	[sflag:s20] =	ssyncset.done $0x0  }
0xa2: {  	s3 =	simm.s32 $0x80;
	[sflag:s20] =	ssyncadd.s32 $0xFFFFE000  }
0xa3: {  	[tilespmem:s21], [sflag:$0x1] =	stream.indirect.gather [hbm4b:s1+s16], $0x80, s3, s16, $0xb8;
	[tilespmem:$0x1E800] =	vst v63  }
0xa4: {  	s5 =	simm.s32 $0xC0  }
0xa5: {  	[tilespmem:s22], [sflag:$0x2] =	stream.indirect.gather [hbm4b:s1+s16], $0x80, s5, s16, $0xb8;
	[tilespmem:$0x1E800] =	vst v63  }
0xa6: {  	s3 =	simm.s32 $0x1400  }
0xa7: {  	[spmem:s2] =	stream.indirect.scatter.add.f32 [tilespmem:s17], [sflag:$0x3], $0x80, s3, s23, $0xb8;
	[tilespmem:$0x1E800] =	vst v63  }
0xa8: {  	_ =	swait.ge [sflag:s14], $0x4000  }
0xa9: {  	[sflag:s14] =	ssyncset.done $0x0  }
0xaa: {  	[sflag:s14] =	ssyncadd.s32 $0xFFFFC000  }
0xab: {  	_ =	swait.ge [sflag:s19], $0x2000  }
0xac: {  	[sflag:s19] =	ssyncset.done $0x0  }
0xad: {  	[sflag:s19] =	ssyncadd.s32 $0xFFFFE000  }
0xae: {  	_ =	swait.ge [sflag:s20], $0x2000  }
0xaf: {  	[sflag:s20] =	ssyncset.done $0x0  }
0xb0: {  	s5 =	simm.s32 $0x100;
	[sflag:s20] =	ssyncadd.s32 $0xFFFFE000  }
0xb1: {  	[tilespmem:s17], [sflag:$0x1] =	stream.indirect.gather [hbm4b:s1+s16], $0x80, s5, s16, $0xb8;
	[tilespmem:$0x1E800] =	vst v63  }
0xb2: {  	s3 =	simm.s32 $0x140  }
0xb3: {  	[tilespmem:s18], [sflag:$0x2] =	stream.indirect.gather [hbm4b:s1+s16], $0x80, s3, s16, $0xb8;
	[tilespmem:$0x1E800] =	vst v63  }
0xb4: {  	s5 =	simm.s32 $0x1480  }
0xb5: {  	[spmem:s2] =	stream.indirect.scatter.add.f32 [tilespmem:s21], [sflag:$0x3], $0x80, s5, s23, $0xb8;
	[tilespmem:$0x1E800] =	vst v63  }
0xb6: {  	_ =	swait.ge [sflag:s14], $0x4000  }
0xb7: {  	[sflag:s14] =	ssyncset.done $0x0  }
0xb8: {  	[sflag:s14] =	ssyncadd.s32 $0xFFFFC000  }
0xb9: {  	_ =	swait.ge [sflag:s19], $0x2000  }
0xba: {  	[sflag:s19] =	ssyncset.done $0x0  }
0xbb: {  	[sflag:s19] =	ssyncadd.s32 $0xFFFFE000  }
0xbc: {  	_ =	swait.ge [sflag:s20], $0x2000  }
0xbd: {  	s31 =	simm.s32 $0x800;
	s30 =	simm.s32 $0x100;
	[sflag:s20] =	ssyncset.done $0x0  }
.LBB2_4:
0xbe: {  	s0 =	sadd.s32 $0x80, s30  }
0xbf: {  	[sflag:s20] =	ssyncadd.s32 $0xFFFFE000;
	s3 =	smov.u32 s31;
	s5 =	sadd.s32 $0x400, s31  }
0xc0: {  	[tilespmem:s21], [sflag:$0x1] =	stream.indirect.gather [hbm4b:s1+s16], $0x80, s0, s16, $0xb8;
	[tilespmem:$0x1E800] =	vst v63  }
0xc1: {  	p0 =	sne.s32 s31, $0x4800;
	s0 =	sadd.s32 $0xC0, s30  }
0xc2: {  	[tilespmem:s22], [sflag:$0x2] =	stream.indirect.gather [hbm4b:s1+s16], $0x80, s0, s16, $0xb8;
	[tilespmem:$0x1E800] =	vst v63  }
0xc3: {  	s0 =	sadd.s32 $0x1400, s30  }
0xc4: {  	[spmem:s2] =	stream.indirect.scatter.add.f32 [tilespmem:s17], [sflag:$0x3], $0x80, s0, s23, $0xb8;
	[tilespmem:$0x1E800] =	vst v63  }
0xc5: {  	_ =	swait.ge [sflag:s14], $0x4000  }
0xc6: {  	[sflag:s14] =	ssyncset.done $0x0  }
0xc7: {  	[sflag:s14] =	ssyncadd.s32 $0xFFFFC000  }
0xc8: {  	_ =	swait.ge [sflag:s19], $0x2000  }
0xc9: {  	[sflag:s19] =	ssyncset.done $0x0  }
0xca: {  	[sflag:s19] =	ssyncadd.s32 $0xFFFFE000  }
0xcb: {  	_ =	swait.ge [sflag:s20], $0x2000  }
0xcc: {  	[sflag:s20] =	ssyncset.done $0x0  }
0xcd: {  	s0 =	sadd.s32 $0x100, s30;
	[sflag:s20] =	ssyncadd.s32 $0xFFFFE000  }
0xce: {  	[tilespmem:s17], [sflag:$0x1] =	stream.indirect.gather [hbm4b:s1+s16], $0x80, s0, s16, $0xb8;
	[tilespmem:$0x1E800] =	vst v63  }
0xcf: {  	s0 =	sadd.s32 $0x140, s30  }
0xd0: {  	[tilespmem:s18], [sflag:$0x2] =	stream.indirect.gather [hbm4b:s1+s16], $0x80, s0, s16, $0xb8;
	[tilespmem:$0x1E800] =	vst v63  }
0xd1: {  	s0 =	sadd.s32 $0x1480, s30  }
0xd2: {  	[spmem:s2] =	stream.indirect.scatter.add.f32 [tilespmem:s21], [sflag:$0x3], $0x80, s0, s23, $0xb8;
	[tilespmem:$0x1E800] =	vst v63  }
0xd3: {  	_ =	swait.ge [sflag:s14], $0x4000  }
0xd4: {  	[sflag:s14] =	ssyncset.done $0x0  }
0xd5: {  	[sflag:s14] =	ssyncadd.s32 $0xFFFFC000  }
.Ltmp1:
0xd6: {  	_ =	swait.ge [sflag:s19], $0x2000;
	(pc) =	sbr.rel @p0 .LBB2_4-.Ltmp1, $4  }
0xd7: {  	[sflag:s19] =	ssyncset.done $0x0  }
0xd8: {  	[sflag:s19] =	ssyncadd.s32 $0xFFFFE000  }
0xd9: {  	_ =	swait.ge [sflag:s20], $0x2000  }
0xda: {  	s31 =	smov.u32 s5;
	s30 =	sshra.s32 s3, $0x2;
	[sflag:s20] =	ssyncset.done $0x0  }
0xdb: {  	s0 =	sadd.s32 $0x80, s30;
	[sflag:s20] =	ssyncadd.s32 $0xFFFFE000  }
0xdc: {  	[tilespmem:s21], [sflag:$0x1] =	stream.indirect.gather [hbm4b:s1+s16], $0x80, s0, s16, $0xb8;
	[tilespmem:$0x1E800] =	vst v63  }
0xdd: {  	s5 =	sadd.s32 $0xC0, s30  }
0xde: {  	[tilespmem:s22], [sflag:$0x2] =	stream.indirect.gather [hbm4b:s1+s16], $0x80, s5, s16, $0xb8;
	[tilespmem:$0x1E800] =	vst v63  }
0xdf: {  	s31 =	sadd.s32 $0x1400, s30  }
0xe0: {  	[spmem:s2] =	stream.indirect.scatter.add.f32 [tilespmem:s17], [sflag:$0x3], $0x80, s31, s23, $0xb8;
	[tilespmem:$0x1E800] =	vst v63  }
0xe1: {  	_ =	swait.ge [sflag:s14], $0x4000  }
0xe2: {  	[sflag:s14] =	ssyncset.done $0x0  }
0xe3: {  	[sflag:s14] =	ssyncadd.s32 $0xFFFFC000  }
0xe4: {  	_ =	swait.ge [sflag:s19], $0x2000  }
0xe5: {  	[sflag:s19] =	ssyncset.done $0x0  }
0xe6: {  	[sflag:s19] =	ssyncadd.s32 $0xFFFFE000  }
0xe7: {  	_ =	swait.ge [sflag:s20], $0x2000  }
0xe8: {  	[sflag:s20] =	ssyncset.done $0x0  }
0xe9: {  	s3 =	sadd.s32 $0x100, s30;
	[sflag:s20] =	ssyncadd.s32 $0xFFFFE000  }
0xea: {  	[tilespmem:s17], [sflag:$0x1] =	stream.indirect.gather [hbm4b:s1+s16], $0x80, s3, s16, $0xb8;
	[tilespmem:$0x1E800] =	vst v63  }
0xeb: {  	s5 =	sadd.s32 $0x140, s30  }
0xec: {  	[tilespmem:s18], [sflag:$0x2] =	stream.indirect.gather [hbm4b:s1+s16], $0x80, s5, s16, $0xb8;
	[tilespmem:$0x1E800] =	vst v63  }
0xed: {  	s31 =	sadd.s32 $0x1480, s30  }
0xee: {  	[spmem:s2] =	stream.indirect.scatter.add.f32 [tilespmem:s21], [sflag:$0x3], $0x80, s31, s23, $0xb8;
	[tilespmem:$0x1E800] =	vst v63  }
0xef: {  	_ =	swait.ge [sflag:s14], $0x4000  }
0xf0: {  	[sflag:s14] =	ssyncset.done $0x0  }
0xf1: {  	[sflag:s14] =	ssyncadd.s32 $0xFFFFC000  }
0xf2: {  	_ =	swait.ge [sflag:s19], $0x2000  }
0xf3: {  	[sflag:s19] =	ssyncset.done $0x0  }
0xf4: {  	[sflag:s19] =	ssyncadd.s32 $0xFFFFE000  }
0xf5: {  	_ =	swait.ge [sflag:s20], $0x2000  }
0xf6: {  	[sflag:s20] =	ssyncset.done $0x0  }
0xf7: {  	[sflag:s20] =	ssyncadd.s32 $0xFFFFE000  }
0xf8: {  	[tilespmem:s21], [sflag:$0x1] =	stream.indirect.gather [hbm4b:s1+s16], $0x80, s24, s16, $0xb8;
	[tilespmem:$0x1E800] =	vst v63  }
0xf9: {  	_ = 	snop  }
0xfa: {  	[tilespmem:s22], [sflag:$0x2] =	stream.indirect.gather [hbm4b:s1+s16], $0x80, s25, s16, $0xb8;
	[tilespmem:$0x1E800] =	vst v63  }
0xfb: {  	_ = 	snop  }
0xfc: {  	[spmem:s2] =	stream.indirect.scatter.add.f32 [tilespmem:s17], [sflag:$0x3], $0x80, s26, s23, $0xb8;
	[tilespmem:$0x1E800] =	vst v63  }
0xfd: {  	_ =	swait.ge [sflag:s14], $0x4000  }
0xfe: {  	[sflag:s14] =	ssyncset.done $0x0  }
0xff: {  	[sflag:s14] =	ssyncadd.s32 $0xFFFFC000  }
0x100: {  	_ =	swait.ge [sflag:s19], $0x2000  }
0x101: {  	[sflag:s19] =	ssyncset.done $0x0  }
0x102: {  	[sflag:s19] =	ssyncadd.s32 $0xFFFFE000  }
0x103: {  	_ =	swait.ge [sflag:s20], $0x2000  }
0x104: {  	[sflag:s20] =	ssyncset.done $0x0  }
0x105: {  	[sflag:s20] =	ssyncadd.s32 $0xFFFFE000  }
0x106: {  	[spmem:s2] =	stream.indirect.scatter.add.f32 [tilespmem:s21], [sflag:$0x3], $0x80, s28, s23, $0xb8;
	[tilespmem:$0x1E800] =	vst v63  }
0x107: {  	_ =	swait.ge [sflag:s14], $0x4000  }
0x108: {  	s29 =	sadd.s32 $0x1, s29;
	[sflag:s14] =	ssyncset.done $0x0  }
0x109: {  	p0 =	sne.s32 s29, s12;
	[sflag:s14] =	ssyncadd.s32 $0xFFFFC000  }
.Ltmp2:
0x10a: {  	[bflag:$0x0] =	sbarrier.arrive $0xFFFF;
	(pc) =	sbr.rel @p0 .LBB2_1-.Ltmp2, $4  }
0x10b: {  	[hbm:s11], [sflag:s6] =	dma.local [spmem:s13], $0x2800  }
0x10c: {  	_ =	swait.ge [sflag:s14], $0x2800  }
0x10d: {  	[sflag:s14] =	ssyncset.done $0x0  }
0x10e: {  	[sflag:s14] =	ssyncadd.s32 $0xFFFFD800  }
0x10f: {  	_ =	sfence.sel $0x180000  }
0x110: {  	[bflag:$0x0] =	sbarrier.arrive $0xFFFF  }
0x111: {  	_ =	strace $0x9000004D  }
0x112: {  	s0 =	stileid.u32;
	[bflag:$0x2] =	sbarrier.arrive $0xFFFF  }
0x113: {  	p0 =	sne.s32 s0, $0x0;
	s0 =	rddreg [dreg:$0x3]  }
0x114: {  	s0 =	sadd.s32 @!p0 $0x100000, s0  }
0x115: {  	[sflag:s0] =	ssyncadd.tile.s32 @!p0 $0x1;
	_ =	shalt  }
.Lfunc_end2:
_tile_overlayer_lowered:
.L_overlay_start_2:
0x116: {  	(tag) =	ssettag $0x2  }
0x117: {  	s0 =	rddreg [dreg:$0x0];
	s2 =	stileid.u32  }
0x118: {  	s1 =	rddreg [dreg:$0x1];
	p0 =	sne.s32 s2, $0x0  }
0x119: {  	s3 =	rddreg [dreg:$0x2];
	[bflag:$0x3] =	sbarrier.arrive $0xFFFF;
	s2 =	simm.s32 @!p0 $0x1C03  }
0x11a: {  	[timem:s3], [sflag:s2] =	dma.local @!p0 [hbm:s0], s1  }
0x11b: {  	s0 =	simm.s32 @!p0 $0x3  }
0x11c: {  	_ =	swait.ge @!p0 [sflag:s0], s1  }
0x11d: {  	s1 =	ssub.s32 @!p0 $0x0, s1;
	[sflag:s0] =	ssyncset.done @!p0 $0x0  }
0x11e: {  	[sflag:s0] =	ssyncadd.s32 @!p0 s1  }
0x11f: {  	[bflag:$0x3] =	sbarrier.arrive $0xFFFF  }
0x120: {  	_ =	shalt  }

// kernel: kernel.9.cloned.1.call-start
scs
__scs_entry_jumppad:
0x0: {  	(pc) =	sbr.rel $0x88, $3  }
0x1: {  	(tag) =	ssettag $0x0;
	lr =	simm.s32 $0x1  }
0x2: {  	[smem:$0x3F9B] =	sst lr;
	_ =	strace $0xD0000000  }
0x3: {  	_ = 	snop  }
0x4: {  	_ = 	snop  }
0x5: {  	_ = 	snop  }
0x6: {  	_ = 	snop  }
0x7: {  	_ = 	snop  }
__scs_overlays_trampoline_lowered:
0x8: {  	[smem:$0x3FAA] =	sst s0  }
0x9: {  	[smem:$0x3FAB] =	sst s1  }
0xa: {  	[smem:$0x3FAC] =	sst s2  }
0xb: {  	[smem:$0x3FAD] =	sst s3  }
0xc: {  	[smem:$0x3FAE] =	sst s4  }
0xd: {  	[smem:$0x3FAF] =	sst s5  }
0xe: {  	[smem:$0x3FB0] =	sst s6  }
0xf: {  	[smem:$0x3FB1] =	sst s7  }
0x10: {  	[smem:$0x3FB2] =	sst s8  }
0x11: {  	[smem:$0x3FB3] =	sst s9;
	s0 =	simm.s32 @!p0 $0x0  }
0x12: {  	s1 =	sld [smem:$0x3F99];
	s0 =	simm.s32 @p0 $0x1  }
0x13: {  	[smem:$0x3FB4] =	sst s0;
	s0 =	simm.s32 @!p1 $0x0  }
0x14: {  	s2 =	sld [smem:$0x3F98];
	s0 =	simm.s32 @p1 $0x1  }
0x15: {  	[smem:$0x3FB5] =	sst s0;
	s0 =	simm.s32 @!p2 $0x0  }
0x16: {  	s3 =	sld [smem:$0x3FDB];
	s0 =	simm.s32 @p2 $0x1  }
0x17: {  	s4 =	simm.s32 $0x1BF5;
	[smem:$0x3FB7] =	sst s0  }
0x18: {  	s0 =	sld [smem:$0x3F9A];
	_ =	swait.ge [sflag:s4], $0x0  }
0x19: {  	s7 =	sld [smem:$0x3F9B]  }
0x1a: {  	s8 =	sadd.s32 $0xFFFFE003, lr  }
0x1b: {  	s9 =	sadd.s32 $0xFFFFFEF7, lr;
	s5 =	simm.s32 $0xFFFFFFFF;
	p2 =	slt.u32 s8, $0xFFFFF086  }
0x1c: {  	p1 =	slt.u32 s9, $0xF7A;
	s5 =	simm.s32 @!p2 $0x0  }
0x1d: {  	s5 =	simm.s32 @p1 $0x1;
	p0 =	seq.s32 s7, s2  }
0x1e: {  	s7 =	smul.u32 @!p0 $0xF7A, s2;
	p2 =	seq.s32 @!p0 s5, $0x0  }
0x1f: {  	s9 =	smul.u32 $0xF7A, s1;
	s8 =	simm.s32 @!p0 $0x1BF5;
	p2 =	por !p2, p0  }
0x20: {  	[sflag:s8] =	ssyncset.s32 @!p0 $0xFFFFF086;
	s6 =	sadd.s32 @!p0 s3, s7;
	s7 =	simm.s32 @!p0 $0x108  }
0x21: {  	s3 =	sadd.s32 s3, s9;
	s6 =	sadd.s32 @!p0 $0x88, s6;
	s7 =	simm.s32 @p2 $0x1082  }
0x22: {  	[simem:s7], [sflag:s8] =	dma.local @!p0 [hbm:s6], $0xF7A  }
0x23: {  	s9 =	sor.u32 $0xD0000000, s2;
	s6 =	simm.s32 $0x108;
	_ =	swait.ge @!p0 [sflag:s8], $0x0  }
0x24: {  	s3 =	sadd.s32 $0x88, s3;
	s6 =	simm.s32 @!p1 $0x1082;
	[sflag:s4] =	ssyncset.s32 $0xFFFFF086  }
0x25: {  	[simem:s6], [sflag:s4] =	dma.local [hbm:s3], $0xF7A  }
0x26: {  	[smem:$0x3F9B] =	sst s1;
	(tag) =	ssettag s2;
	_ =	strace s9  }
0x27: {  	s1 =	sld [smem:$0x3FAB]  }
0x28: {  	s2 =	sld [smem:$0x3FAC]  }
0x29: {  	s4 =	sld [smem:$0x3FAE]  }
0x2a: {  	p0 =	seq.s32 s5, $0x0;
	s5 =	sld [smem:$0x3FAF]  }
0x2b: {  	s6 =	sld [smem:$0x3FB0]  }
0x2c: {  	s7 =	sld [smem:$0x3FB1]  }
0x2d: {  	s3 =	simm.s32 $0x108;
	s8 =	sld [smem:$0x3FB2]  }
0x2e: {  	s3 =	simm.s32 @!p0 $0x1082;
	s9 =	sld [smem:$0x3FB3]  }
0x2f: {  	lr =	sadd.s32 s0, s3;
	s0 =	sld [smem:$0x3FAA]  }
0x30: {  	s3 =	sld [smem:$0x3FAD]  }
0x31: {  	[smem:$0x3FB6] =	sst s10  }
0x32: {  	s10 =	sld [smem:$0x3FB4];
	_ =	sdelay $0x3  }
0x33: {  	p0 =	seq.s32 s10, $0x1;
	s10 =	sld [smem:$0x3FB6];
	_ =	sdelay $0x3  }
0x34: {  	[smem:$0x3FB6] =	sst s10  }
0x35: {  	s10 =	sld [smem:$0x3FB5];
	_ =	sdelay $0x3  }
0x36: {  	p1 =	seq.s32 s10, $0x1;
	s10 =	sld [smem:$0x3FB6];
	_ =	sdelay $0x3  }
0x37: {  	[smem:$0x3FB6] =	sst s10  }
0x38: {  	s10 =	sld [smem:$0x3FB7]  }
0x39: {  	_ = 	snop;
	(pc) =	sbr.ind lr, $3  }
0x3a: {  	_ = 	snop  }
0x3b: {  	_ = 	snop  }
0x3c: {  	p2 =	seq.s32 s10, $0x1;
	s10 =	sld [smem:$0x3FB6]  }
0x3d: {  	_ =	shalt  }
0x3e: {  	_ =	shalt  }
0x3f: {  	_ =	shalt  }
0x40: {  	_ =	shalt  }
0x41: {  	_ =	shalt  }
0x42: {  	_ =	shalt  }
0x43: {  	_ =	shalt  }
0x44: {  	_ =	shalt  }
0x45: {  	_ =	shalt  }
0x46: {  	_ =	shalt  }
0x47: {  	_ =	shalt  }
0x48: {  	_ =	shalt  }
0x49: {  	_ =	shalt  }
0x4a: {  	_ =	shalt  }
0x4b: {  	_ =	shalt  }
0x4c: {  	_ =	shalt  }
0x4d: {  	_ =	shalt  }
0x4e: {  	_ =	shalt  }
0x4f: {  	_ =	shalt  }
0x50: {  	_ =	shalt  }
0x51: {  	_ =	shalt  }
0x52: {  	_ =	shalt  }
0x53: {  	_ =	shalt  }
0x54: {  	_ =	shalt  }
0x55: {  	_ =	shalt  }
0x56: {  	_ =	shalt  }
0x57: {  	_ =	shalt  }
0x58: {  	_ =	shalt  }
0x59: {  	_ =	shalt  }
0x5a: {  	_ =	shalt  }
0x5b: {  	_ =	shalt  }
0x5c: {  	_ =	shalt  }
0x5d: {  	_ =	shalt  }
0x5e: {  	_ =	shalt  }
0x5f: {  	_ =	shalt  }
0x60: {  	_ =	shalt  }
0x61: {  	_ =	shalt  }
0x62: {  	_ =	shalt  }
0x63: {  	_ =	shalt  }
0x64: {  	_ =	shalt  }
0x65: {  	_ =	shalt  }
0x66: {  	_ =	shalt  }
0x67: {  	_ =	shalt  }
0x68: {  	_ =	shalt  }
0x69: {  	_ =	shalt  }
0x6a: {  	_ =	shalt  }
0x6b: {  	_ =	shalt  }
0x6c: {  	_ =	shalt  }
0x6d: {  	_ =	shalt  }
0x6e: {  	_ =	shalt  }
0x6f: {  	_ =	shalt  }
0x70: {  	_ =	shalt  }
0x71: {  	_ =	shalt  }
0x72: {  	_ =	shalt  }
0x73: {  	_ =	shalt  }
0x74: {  	_ =	shalt  }
0x75: {  	_ =	shalt  }
0x76: {  	_ =	shalt  }
0x77: {  	_ =	shalt  }
0x78: {  	_ =	shalt  }
0x79: {  	_ =	shalt  }
0x7a: {  	_ =	shalt  }
0x7b: {  	_ =	shalt  }
0x7c: {  	_ =	shalt  }
0x7d: {  	_ =	shalt  }
0x7e: {  	_ =	shalt  }
0x7f: {  	_ =	shalt  }
0x80: {  	_ =	shalt  }
0x81: {  	_ =	shalt  }
0x82: {  	_ =	shalt  }
0x83: {  	_ =	shalt  }
0x84: {  	_ =	shalt  }
0x85: {  	_ =	shalt  }
0x86: {  	_ =	shalt  }
0x87: {  	_ =	shalt  }
.Lfunc_end0:
.L_simem_size_0:
called_computation_lowered:
.L_overlay_start_0:
0x88: {  	s2 =	sld [smem:$0x3FD9]  }
0x89: {  	s3 =	sld [smem:$0x3FFE];
	_ =	sdelay $0x1  }
0x8a: {  	s1 =	srdreg.scid  }
0x8b: {  	s0 =	sand.u32 $0x1, s1  }
0x8c: {  	s17 =	sshll.u32 s0, $0xA;
	s2 =	sadd.s32 s3, s2  }
0x8d: {  	s2 =	sadd.s32 s2, s17  }
0x8e: {  	[smem:$0x3FC2] =	sst s2  }
0x8f: {  	_ = 	snop  }
0x90: {  	s2 =	sld [smem:$0x3FD0];
	(tm) =	ssettm $0x1  }
0x91: {  	s18 =	sld [smem:$0x3FFB];
	_ =	sdelay $0x3  }
0x92: {  	_ =	strace s18  }
0x93: {  	s3 =	sld [smem:$0x3FFC];
	_ =	sdelay $0x3  }
0x94: {  	_ =	strace s3  }
0x95: {  	s3 =	sld [smem:$0x3FFD];
	_ =	sdelay $0x3  }
0x96: {  	_ =	strace s3  }
0x97: {  	_ =	strace $0x8FFFFFFF  }
0x98: {  	s19 =	sld [smem:$0x3FDB];
	_ =	sdelay $0x1  }
0x99: {  	s4 =	simm.s32 $_scs_section_size  }
0x9a: {  	s5 =	simm.s32 $_size__tile_overlayer_lowered;
	s6 =	simm.s32 $_tile_overlayer_lowered  }
0x9b: {  	s22 =	simm.s32 $0x1BFF;
	s21 =	sshll.u32 s6, $0x1;
	s3 =	sadd.s32 s4, s19  }
0x9c: {  	s7 =	simm.s32 $0x0;
	s20 =	sshll.u32 s5, $0x1;
	s5 =	sadd.s32 s21, s3  }
0x9d: {  	[timem:s7], [sflag:s22] =	dma.local [hbm:s5], s20  }
0x9e: {  	_ =	swait.ge [sflag:s22], s20  }
0x9f: {  	s4 =	ssub.s32 $0x0, s20;
	[sflag:s22] =	ssyncset.done $0x0  }
0xa0: {  	[sflag:s22] =	ssyncadd.s32 s4;
	_ =	sdelay $0x1  }
0xa1: {  	s23 =	simm.s32 $0x1B8B  }
0xa2: {  	_ =	swait.ge [sflag:s23], $0x1  }
0xa3: {  	[sflag:s23] =	ssyncset.done $0x0  }
0xa4: {  	s25 =	simm.s32 $0x1B8E;
	s24 =	sld [smem:$0x3FFE];
	[sflag:s23] =	ssyncadd.s32 $0xFFFFFFFF  }
0xa5: {  	s26 =	simm.s32 $execute0_lowered;
	[smem:$0x3FD2] =	sst s25  }
0xa6: {  	s5 =	sshll.u32 s26, $0x1;
	_ =	strace $0x80000046;
	[dreg:$0x1] =	wrdreg $0xFFFFFFFF  }
0xa7: {  	s28 =	simm.s32 $_size_execute0_lowered;
	s3 =	sadd.s32 s3, s5;
	[dreg:$0x0] =	wrdreg $0x0  }
0xa8: {  	s5 =	sshll.u32 s28, $0x1;
	[dreg:$0x2] =	wrdreg s3  }
0xa9: {  	[dreg:$0x3] =	wrdreg s5  }
0xaa: {  	[dreg:$0x4] =	wrdreg $0xC0  }
0xab: {  	_ =	task [dreg:s7], $0x5FFFF  }
0xac: {  	[dreg:$0x1] =	wrdreg $0xFFFFFFFF  }
0xad: {  	[dreg:$0x0] =	wrdreg $0x60  }
0xae: {  	[dreg:$0x2] =	wrdreg s24  }
0xaf: {  	[dreg:$0x3] =	wrdreg s2  }
0xb0: {  	[dreg:$0x4] =	wrdreg $0x68000  }
0xb1: {  	[dreg:$0x5] =	wrdreg $0x9  }
0xb2: {  	_ =	task.clear_ibuf [dreg:s7], $0x6FFFF;
	_ =	strace $0x90000046  }
0xb3: {  	s29 =	simm.s32 $0x9;
	_ =	strace $0x80000048  }
0xb4: {  	_ =	swait.ge [sflag:s29], $0x1  }
0xb5: {  	[sflag:s29] =	ssyncadd.s32 $0xFFFFFFFF  }
0xb6: {  	_ =	strace $0x90000048  }
0xb7: {  	_ =	sfence  }
0xb8: {  	s30 =	sld [smem:$0x0];
	_ =	sdelay $0x2  }
0xb9: {  	s31 =	sshll.u32 s1, $0xD;
	s1 =	sshrl.u32 s1, $0x2  }
0xba: {  	s3 =	sand.u32 $0x4000, s31;
	s1 =	sadd.s32 s1, s30  }
0xbb: {  	s0 =	sor.u32 s3, s0;
	s1 =	sshll.u32 s1, $0x11  }
0xbc: {  	s0 =	sor.u32 s1, s0  }
0xbd: {  	s0 =	sadd.s32 $0x8F2B, s0  }
0xbe: {  	[sflag:s0] =	ssyncadd.remote.s32 $0x1  }
0xbf: {  	_ =	sfence.sel $0xFFFF  }
0xc0: {  	[dreg:$0x0] =	wrdreg $0xFFFFFFFF;
	(pc) =	sbr.abs _section_cstart, $3  }
0xc1: {  	[dreg:$0x1] =	wrdreg $0xFFFFFFFF  }
0xc2: {  	_ =	task.clear_ibuf [dreg:s7], $0x2FFFF;
	_ =	strace $0x9FFFFFFF  }
0xc3: {  	(tm) =	ssettm $0x7FFFFFFF  }
tec
execute0_lowered:
.L_overlay_start_1:
0x0: {  	(tag) =	ssettag $0x1  }
0x1: {  	s7 =	rddreg [dreg:$0x0]  }
0x2: {  	s0 =	srdreg.scid;
	s2 =	rddreg [dreg:$0x1]  }
0x3: {  	s3 =	rddreg [dreg:$0x2];
	s4 =	simm.s32 $0x0;
	s6 =	sand.u32 $0x1, s0  }
0x4: {  	s13 =	simm.s32 $0x80;
	s0 =	stileid.u32;
	s8 =	smul.u32 $0x140000, s6  }
0x5: {  	s14 =	simm.s32 $0x0;
	[smem:$0x7FF] =	sst s4;
	s9 =	smul.u32 $0x14000, s0  }
0x6: {  	s1 =	sshll.u32 s6, $0x4;
	s30 =	smul.u32 $0x50000, s0;
	s6 =	ssub.s32 $0x2, s6  }
0x7: {  	s11 =	sshll.u32 s0, $0x6;
	s1 =	sor.u32 s0, s1;
	s31 =	sshrl.u32 s6, $0x1  }
0x8: {  	s11 =	sor.u32 $0x1C01, s11;
	s5 =	smul.u32 $0x500, s1;
	s1 =	rddreg [dreg:$0x3]  }
0x9: {  	_ =	strace $0x80000047;
	s8 =	sadd.s32 s9, s8;
	s9 =	sshrl.u32 s30, $0x2  }
0xa: {  	s8 =	sshrl.u32 s8, $0x3;
	s12 =	sadd.s32 s9, s3;
	s9 =	simm.s32 $0x1  }
0xb: {  	s10 =	sadd.s32 s5, s7;
	s5 =	sadd.s32 $0x16A00, s7;
	s7 =	sadd.s32 s8, s7  }
0xc: {  	s8 =	ssub.s32 s6, s31;
	s12 =	sshrl.u32 s12, $0x3;
	s6 =	sadd.s32 $0x2A00, s10  }
0xd: {  	s7 =	sadd.s32 $0x19200, s7;
	s8 =	smax.u32 s8, $0x1;
	s10 =	simm.s32 $0x2800  }
.LBB2_1:
0xe: {  	[tilespmem:s4], [sflag:$0x1] =	stream.linear.gather [hbm4b:s6+s4], $0x2800, $0x38;
	[tilespmem:$0x1A800] =	vst v63  }
0xf: {  	_ =	swait.ge [sflag:s9], $0x2800  }
0x10: {  	[sflag:s9] =	ssyncset.done $0x0  }
0x11: {  	[sflag:s9] =	ssyncadd.s32 $0xFFFFD800  }
0x12: {  	[tilespmem:s10], [sflag:$0x1] =	stream.linear.gather [hbm4b:s2+s4], $0x4000, $0x38;
	[tilespmem:$0x1A800] =	vst v63  }
0x13: {  	_ =	swait.ge [sflag:s9], $0x4000  }
0x14: {  	[sflag:s9] =	ssyncset.done $0x0  }
0x15: {  	[sflag:s9] =	ssyncadd.s32 $0xFFFFC000  }
0x16: {  	[spmem:s12], [sflag:s11] =	dma.local [hbm:s5], $0x2800  }
0x17: {  	_ =	swait.ge [sflag:s9], $0x2800  }
0x18: {  	[sflag:s9] =	ssyncset.done $0x0  }
0x19: {  	[sflag:s9] =	ssyncadd.s32 $0xFFFFD800  }
0x1a: {  	s15 =	simm.s32 $0x0;
	[bflag:$0x0] =	sbarrier.arrive $0xFFFF  }
0x1b: {  	[spmem:s3] =	stream.indirect.scatter.add.f32 [tilespmem:s10], [sflag:$0x1], $0x80, s15, s13, $0xb8;
	[tilespmem:$0x1A800] =	vst v63  }
0x1c: {  	_ =	swait.ge [sflag:s9], $0x4000  }
0x1d: {  	s15 =	simm.s32 $0x200;
	[sflag:s9] =	ssyncset.done $0x0  }
.LBB2_2:
0x1e: {  	s16 =	sshra.s32 s15, $0x2;
	[sflag:s9] =	ssyncadd.s32 $0xFFFFC000;
	p0 =	sne.s32 s15, $0x9E00  }
0x1f: {  	[spmem:s3] =	stream.indirect.scatter.add.f32 [tilespmem:s10], [sflag:$0x1], $0x80, s16, s13, $0xb8;
	[tilespmem:$0x1A800] =	vst v63  }
.Ltmp0:
0x20: {  	_ = 	snop;
	(pc) =	sbr.rel @p0 .LBB2_2-.Ltmp0, $4  }
0x21: {  	_ = 	snop  }
0x22: {  	s15 =	sadd.s32 $0x200, s15  }
0x23: {  	_ =	swait.ge [sflag:s9], $0x4000  }
0x24: {  	[sflag:s9] =	ssyncset.done $0x0  }
0x25: {  	s14 =	sadd.s32 $0x1, s14  }
0x26: {  	[sflag:s9] =	ssyncadd.s32 $0xFFFFC000;
	p0 =	sne.s32 s14, s8  }
.Ltmp1:
0x27: {  	[bflag:$0x0] =	sbarrier.arrive $0xFFFF;
	(pc) =	sbr.rel @p0 .LBB2_1-.Ltmp1, $4  }
0x28: {  	[hbm:s7], [sflag:s11] =	dma.local [spmem:s12], $0x2800  }
0x29: {  	_ =	swait.ge [sflag:s9], $0x2800  }
0x2a: {  	[sflag:s9] =	ssyncset.done $0x0  }
0x2b: {  	[sflag:s9] =	ssyncadd.s32 $0xFFFFD800  }
0x2c: {  	_ =	sfence.sel $0x180000  }
0x2d: {  	[bflag:$0x0] =	sbarrier.arrive $0xFFFF  }
0x2e: {  	p0 =	sne.s32 s0, $0x0;
	_ =	strace $0x90000047  }
0x2f: {  	s0 =	sadd.s32 @!p0 $0x100000, s1;
	[bflag:$0x2] =	sbarrier.arrive $0xFFFF  }
0x30: {  	[sflag:s0] =	ssyncadd.tile.s32 @!p0 $0x1;
	_ =	shalt  }
.Lfunc_end2:
_tile_overlayer_lowered:
.L_overlay_start_2:
0x31: {  	(tag) =	ssettag $0x2  }
0x32: {  	s0 =	rddreg [dreg:$0x0];
	s2 =	stileid.u32  }
0x33: {  	s1 =	rddreg [dreg:$0x1];
	p0 =	sne.s32 s2, $0x0  }
0x34: {  	s3 =	rddreg [dreg:$0x2];
	[bflag:$0x3] =	sbarrier.arrive $0xFFFF;
	s2 =	simm.s32 @!p0 $0x1C01  }
0x35: {  	[timem:s3], [sflag:s2] =	dma.local @!p0 [hbm:s0], s1  }
0x36: {  	s0 =	simm.s32 @!p0 $0x1  }
0x37: {  	_ =	swait.ge @!p0 [sflag:s0], s1  }
0x38: {  	s1 =	ssub.s32 @!p0 $0x0, s1;
	[sflag:s0] =	ssyncset.done @!p0 $0x0  }
0x39: {  	[sflag:s0] =	ssyncadd.s32 @!p0 s1  }
0x3a: {  	[bflag:$0x3] =	sbarrier.arrive $0xFFFF  }
0x3b: {  	_ =	shalt  }

</sc_bundles>
